<compile_context>
chip_gen: v7x
topology: tpu7x:2x2x1
jax: 0.10.2.dev20260603
libtpu: 0.0.44.dev20260713+nightly
codegen_flags: <defaults>
</compile_context>

<pallas_src>
import jax
import jax.numpy as jnp
from jax import lax
from jax.experimental import pallas as pl
from jax.experimental.pallas import tpu as pltpu
from jax.experimental.pallas import tpu_sc as plsc

N = 4096
L = (N * N - N) // 2
NW = 32
RPW = N // NW
BASE = 48
BUFW = BASE + N + 48
NBUF = 8
AHEAD = 4


NCLS = 16


def _il(c):
    return 256 * c + 280


def _sc_body(off_hbm, diag_hbm, zeros_hbm, out_hbm,
             buf, diagbuf, sem_a, sem_b, sem_z):
    info = plsc.get_sparse_core_info()
    nc = info.num_cores
    wid = lax.axis_index("s") * nc + lax.axis_index("c")

    pltpu.sync_copy(diag_hbm, diagbuf)
    for s in range(NBUF):
        pltpu.make_async_copy(
            zeros_hbm.at[pl.ds(0, BUFW - BASE - 280)],
            buf.at[pl.ds(s * BUFW + BASE + 280, BUFW - BASE - 280)],
            sem_z,
        ).start()
    for s in range(NBUF):
        pltpu.make_async_copy(
            zeros_hbm.at[pl.ds(0, BUFW - BASE - 280)],
            buf.at[pl.ds(s * BUFW + BASE + 280, BUFW - BASE - 280)],
            sem_z,
        ).wait()

    def issue_a(t):
        i = wid + t * NW
        tri = (i * (i - 1)) // 2
        s0 = (tri >> 3) << 3
        cls = i >> 8
        slot = lax.rem(t, NBUF)
        for c in range(NCLS):
            il = _il(c)

            @pl.when(cls == c)
            def _():
                s0c = pl.multiple_of(jnp.minimum(s0, L - il), 8)
                pad = tri - s0c
                pltpu.make_async_copy(
                    off_hbm.at[pl.ds(s0c, il)],
                    buf.at[pl.ds(pl.multiple_of(slot * BUFW + BASE - pad, 8), il)],
                    sem_a.at[slot],
                ).start()

    for u in range(AHEAD):
        issue_a(u)

    zvec = jnp.zeros((16,), jnp.float32)
    lanes = lax.broadcasted_iota(jnp.int32, (16,), 0)

    def step(t, carry):
        i = wid + t * NW
        cls = i >> 8
        slot = lax.rem(t, NBUF)

        for c in range(NCLS):
            il = _il(c)

            @pl.when(cls == c)
            def _():
                pltpu.make_async_copy(
                    off_hbm.at[pl.ds(0, il)],
                    buf.at[pl.ds(slot * BUFW, il)],
                    sem_a.at[slot],
                ).wait()

        p = BASE + i
        z0 = (p >> 4) << 4
        pos = p - z0
        dv16 = diagbuf[pl.ds((i >> 4) << 4, 16)]
        sb = slot * BUFW
        v = buf[pl.ds(sb + z0, 16)]
        v = jnp.where(lanes == pos, dv16,
                      jnp.where(lanes > pos, 0.0, v))
        buf[pl.ds(sb + z0, 16)] = v

        end = BASE + 280 + 256 * cls
        nz = (end - (z0 + 16) + 15) >> 4

        def zstep(u, _):
            buf[pl.ds(sb + z0 + 16 + u * 16, 16)] = zvec
            return 0

        lax.fori_loop(0, nz, zstep, 0)

        pltpu.make_async_copy(
            buf.at[pl.ds(sb + BASE, N)],
            out_hbm.at[pl.ds(pl.multiple_of(i * N, 8), N)],
            sem_b.at[slot],
        ).start()

        ta = t + AHEAD

        @pl.when(ta < RPW)
        def _():
            aslot = lax.rem(ta, NBUF)

            @pl.when(ta >= NBUF)
            def _():
                pltpu.make_async_copy(
                    buf.at[pl.ds(aslot * BUFW + BASE, N)],
                    out_hbm.at[pl.ds(0, N)],
                    sem_b.at[aslot],
                ).wait()

            issue_a(ta)

        return 0

    lax.fori_loop(0, RPW, step, 0)

    for s in range(NBUF):
        pltpu.make_async_copy(
            buf.at[pl.ds(s * BUFW + BASE, N)],
            out_hbm.at[pl.ds(0, N)],
            sem_b.at[s],
        ).wait()


def kernel(diagonal_elements, off_diagonal_elements):
    mesh = plsc.VectorSubcoreMesh(core_axis_name="c", subcore_axis_name="s")
    zeros_src = jnp.zeros((N,), jnp.float32)
    run = pl.kernel(
        _sc_body,
        out_type=jax.ShapeDtypeStruct((N * N,), jnp.float32),
        mesh=mesh,
        scratch_types=[
            pltpu.VMEM((NBUF * BUFW,), jnp.float32),
            pltpu.VMEM((N,), jnp.float32),
            pltpu.SemaphoreType.DMA((NBUF,)),
            pltpu.SemaphoreType.DMA((NBUF,)),
            pltpu.SemaphoreType.DMA,
        ],
    )
    return run(off_diagonal_elements, diagonal_elements, zeros_src).reshape(N, N)

# --- scband reference (transcript-rebuilt; emitter-appended) ---
"""Pipeline reference for scband-lower-triangular-invertible-matrix-3710851744482 (READ-ONLY COPY).

The authoritative reference and input builder live on the scoring server;
editing this copy changes nothing except your own understanding.
"""

import jax, jax.numpy as jnp
import numpy as np

N_DIM = 4096


def setup_inputs(seed: int = 0) -> dict:
    key = jax.random.key(seed)
    k1, k2 = jax.random.split(key)
    diagonal_elements = jax.random.normal(k1, (N_DIM,), dtype=jnp.float32)
    n_off = (N_DIM * N_DIM - N_DIM) // 2
    off_diagonal_elements = jax.random.normal(k2, (n_off,), dtype=jnp.float32) / (N_DIM ** 2)
    return {
        "diagonal_elements": diagonal_elements,
        "off_diagonal_elements": off_diagonal_elements,
    }


def reference(diagonal_elements, off_diagonal_elements):
    n = diagonal_elements.shape[0]
    # torch.tril_indices(n, n, -1) enumerates strictly-lower-triangular indices
    # in row-major order, identical to numpy/jax tril_indices with k=-1.
    rows, cols = jnp.tril_indices(n, k=-1)
    mat = jnp.zeros((n, n), dtype=diagonal_elements.dtype)
    diag_idx = jnp.arange(n)
    # scatter-overwrite of the diagonal: mat[range(n), range(n)] = diag
    mat = mat.at[diag_idx, diag_idx].set(diagonal_elements)
    # scatter-overwrite of strictly lower triangle
    mat = mat.at[rows, cols].set(off_diagonal_elements)
    return mat

if __name__ == "__main__":
    import jax
    _d = setup_inputs()
    print(jax.jit(kernel)(*tuple(_d.values())))

</pallas_src>

<mosaic_0001>
#map = affine_map<(d0, d1) -> (0)>
module attributes {stable_mosaic.version = 14 : i64} {
  func.func @_sc_body(%arg0: i32, %arg1: i32, %arg2: memref<8386560xf32, #tpu.memory_space<hbm>>, %arg3: memref<4096xf32, #tpu.memory_space<hbm>>, %arg4: memref<4096xf32, #tpu.memory_space<hbm>>, %arg5: memref<16777216xf32, #tpu.memory_space<hbm>>, %arg6: memref<33536xf32, #tpu.memory_space<vmem>>, %arg7: memref<4096xf32, #tpu.memory_space<vmem>>, %arg8: memref<8x!tpu.dma_semaphore, #tpu.memory_space<semaphore_mem>>, %arg9: memref<8x!tpu.dma_semaphore, #tpu.memory_space<semaphore_mem>>, %arg10: memref<!tpu.dma_semaphore, #tpu.memory_space<semaphore_mem>>) attributes {dimension_semantics = [#tpu.dimension_semantics<core_parallel>, #tpu.dimension_semantics<subcore_parallel>], iteration_bounds = array<i64: 2, 16>, scalar_prefetch = 0 : i64, scratch_operands = 5 : i64, tpu.core_type = #tpu.core_type<sc_vector_subcore>, window_params = [{transform_indices = #map}, {transform_indices = #map}, {transform_indices = #map}, {transform_indices = #map}]} {
    %mul3A = arith.constant 2 : i32
    %mul3A_0 = arith.muli %arg1, %mul3A : i32
    %add3A = arith.addi %mul3A_0, %arg0 : i32
    "tpu.region"() ({
      %run_scoped3A = tpu.sem_alloc : memref<!tpu.dma_semaphore, #tpu.memory_space<semaphore_mem>>
      tpu.enqueue_dma source(%arg3 : memref<4096xf32, #tpu.memory_space<hbm>>) target(%arg7 : memref<4096xf32, #tpu.memory_space<vmem>>) target_semaphore(%run_scoped3A : memref<!tpu.dma_semaphore, #tpu.memory_space<semaphore_mem>>)
      tpu.wait_dma2 semaphore(%run_scoped3A : memref<!tpu.dma_semaphore, #tpu.memory_space<semaphore_mem>>) src(%arg3 : memref<4096xf32, #tpu.memory_space<hbm>>) dst(%arg7 : memref<4096xf32, #tpu.memory_space<vmem>>)
      tpu.yield
    }) : () -> ()
    %dma_start3A = arith.constant 328 : i32
    %dma_start3A_1 = tpu.memref_slice %arg6[%dma_start3A] : memref<33536xf32, #tpu.memory_space<vmem>> -> memref<3864xf32, #tpu.memory_space<vmem>>
    %dma_start3A_2 = arith.constant 0 : i32
    %dma_start3A_3 = tpu.memref_slice %arg4[%dma_start3A_2] : memref<4096xf32, #tpu.memory_space<hbm>> -> memref<3864xf32, #tpu.memory_space<hbm>>
    %dma_start3A_4 = arith.constant 328 : i32
    %dma_start3A_5 = tpu.memref_slice %arg6[%dma_start3A_4] : memref<33536xf32, #tpu.memory_space<vmem>> -> memref<3864xf32, #tpu.memory_space<vmem>>
    %dma_start3A_6 = arith.constant 0 : i32
    %dma_start3A_7 = tpu.memref_slice %arg4[%dma_start3A_6] : memref<4096xf32, #tpu.memory_space<hbm>> -> memref<3864xf32, #tpu.memory_space<hbm>>
    tpu.enqueue_dma source(%dma_start3A_7 : memref<3864xf32, #tpu.memory_space<hbm>>) target(%dma_start3A_5 : memref<3864xf32, #tpu.memory_space<vmem>>) target_semaphore(%arg10 : memref<!tpu.dma_semaphore, #tpu.memory_space<semaphore_mem>>)
    %dma_start3A_8 = arith.constant 4520 : i32
    %dma_start3A_9 = tpu.memref_slice %arg6[%dma_start3A_8] : memref<33536xf32, #tpu.memory_space<vmem>> -> memref<3864xf32, #tpu.memory_space<vmem>>
    %dma_start3A_10 = arith.constant 0 : i32
    %dma_start3A_11 = tpu.memref_slice %arg4[%dma_start3A_10] : memref<4096xf32, #tpu.memory_space<hbm>> -> memref<3864xf32, #tpu.memory_space<hbm>>
    %dma_start3A_12 = arith.constant 4520 : i32
    %dma_start3A_13 = tpu.memref_slice %arg6[%dma_start3A_12] : memref<33536xf32, #tpu.memory_space<vmem>> -> memref<3864xf32, #tpu.memory_space<vmem>>
    %dma_start3A_14 = arith.constant 0 : i32
    %dma_start3A_15 = tpu.memref_slice %arg4[%dma_start3A_14] : memref<4096xf32, #tpu.memory_space<hbm>> -> memref<3864xf32, #tpu.memory_space<hbm>>
    tpu.enqueue_dma source(%dma_start3A_15 : memref<3864xf32, #tpu.memory_space<hbm>>) target(%dma_start3A_13 : memref<3864xf32, #tpu.memory_space<vmem>>) target_semaphore(%arg10 : memref<!tpu.dma_semaphore, #tpu.memory_space<semaphore_mem>>)
    %dma_start3A_16 = arith.constant 8712 : i32
    %dma_start3A_17 = tpu.memref_slice %arg6[%dma_start3A_16] : memref<33536xf32, #tpu.memory_space<vmem>> -> memref<3864xf32, #tpu.memory_space<vmem>>
    %dma_start3A_18 = arith.constant 0 : i32
    %dma_start3A_19 = tpu.memref_slice %arg4[%dma_start3A_18] : memref<4096xf32, #tpu.memory_space<hbm>> -> memref<3864xf32, #tpu.memory_space<hbm>>
    %dma_start3A_20 = arith.constant 8712 : i32
    %dma_start3A_21 = tpu.memref_slice %arg6[%dma_start3A_20] : memref<33536xf32, #tpu.memory_space<vmem>> -> memref<3864xf32, #tpu.memory_space<vmem>>
    %dma_start3A_22 = arith.constant 0 : i32
    %dma_start3A_23 = tpu.memref_slice %arg4[%dma_start3A_22] : memref<4096xf32, #tpu.memory_space<hbm>> -> memref<3864xf32, #tpu.memory_space<hbm>>
    tpu.enqueue_dma source(%dma_start3A_23 : memref<3864xf32, #tpu.memory_space<hbm>>) target(%dma_start3A_21 : memref<3864xf32, #tpu.memory_space<vmem>>) target_semaphore(%arg10 : memref<!tpu.dma_semaphore, #tpu.memory_space<semaphore_mem>>)
    %dma_start3A_24 = arith.constant 12904 : i32
    %dma_start3A_25 = tpu.memref_slice %arg6[%dma_start3A_24] : memref<33536xf32, #tpu.memory_space<vmem>> -> memref<3864xf32, #tpu.memory_space<vmem>>
    %dma_start3A_26 = arith.constant 0 : i32
    %dma_start3A_27 = tpu.memref_slice %arg4[%dma_start3A_26] : memref<4096xf32, #tpu.memory_space<hbm>> -> memref<3864xf32, #tpu.memory_space<hbm>>
    %dma_start3A_28 = arith.constant 12904 : i32
    %dma_start3A_29 = tpu.memref_slice %arg6[%dma_start3A_28] : memref<33536xf32, #tpu.memory_space<vmem>> -> memref<3864xf32, #tpu.memory_space<vmem>>
    %dma_start3A_30 = arith.constant 0 : i32
    %dma_start3A_31 = tpu.memref_slice %arg4[%dma_start3A_30] : memref<4096xf32, #tpu.memory_space<hbm>> -> memref<3864xf32, #tpu.memory_space<hbm>>
    tpu.enqueue_dma source(%dma_start3A_31 : memref<3864xf32, #tpu.memory_space<hbm>>) target(%dma_start3A_29 : memref<3864xf32, #tpu.memory_space<vmem>>) target_semaphore(%arg10 : memref<!tpu.dma_semaphore, #tpu.memory_space<semaphore_mem>>)
    %dma_start3A_32 = arith.constant 17096 : i32
    %dma_start3A_33 = tpu.memref_slice %arg6[%dma_start3A_32] : memref<33536xf32, #tpu.memory_space<vmem>> -> memref<3864xf32, #tpu.memory_space<vmem>>
    %dma_start3A_34 = arith.constant 0 : i32
    %dma_start3A_35 = tpu.memref_slice %arg4[%dma_start3A_34] : memref<4096xf32, #tpu.memory_space<hbm>> -> memref<3864xf32, #tpu.memory_space<hbm>>
    %dma_start3A_36 = arith.constant 17096 : i32
    %dma_start3A_37 = tpu.memref_slice %arg6[%dma_start3A_36] : memref<33536xf32, #tpu.memory_space<vmem>> -> memref<3864xf32, #tpu.memory_space<vmem>>
    %dma_start3A_38 = arith.constant 0 : i32
    %dma_start3A_39 = tpu.memref_slice %arg4[%dma_start3A_38] : memref<4096xf32, #tpu.memory_space<hbm>> -> memref<3864xf32, #tpu.memory_space<hbm>>
    tpu.enqueue_dma source(%dma_start3A_39 : memref<3864xf32, #tpu.memory_space<hbm>>) target(%dma_start3A_37 : memref<3864xf32, #tpu.memory_space<vmem>>) target_semaphore(%arg10 : memref<!tpu.dma_semaphore, #tpu.memory_space<semaphore_mem>>)
    %dma_start3A_40 = arith.constant 21288 : i32
    %dma_start3A_41 = tpu.memref_slice %arg6[%dma_start3A_40] : memref<33536xf32, #tpu.memory_space<vmem>> -> memref<3864xf32, #tpu.memory_space<vmem>>
    %dma_start3A_42 = arith.constant 0 : i32
    %dma_start3A_43 = tpu.memref_slice %arg4[%dma_start3A_42] : memref<4096xf32, #tpu.memory_space<hbm>> -> memref<3864xf32, #tpu.memory_space<hbm>>
    %dma_start3A_44 = arith.constant 21288 : i32
    %dma_start3A_45 = tpu.memref_slice %arg6[%dma_start3A_44] : memref<33536xf32, #tpu.memory_space<vmem>> -> memref<3864xf32, #tpu.memory_space<vmem>>
    %dma_start3A_46 = arith.constant 0 : i32
    %dma_start3A_47 = tpu.memref_slice %arg4[%dma_start3A_46] : memref<4096xf32, #tpu.memory_space<hbm>> -> memref<3864xf32, #tpu.memory_space<hbm>>
    tpu.enqueue_dma source(%dma_start3A_47 : memref<3864xf32, #tpu.memory_space<hbm>>) target(%dma_start3A_45 : memref<3864xf32, #tpu.memory_space<vmem>>) target_semaphore(%arg10 : memref<!tpu.dma_semaphore, #tpu.memory_space<semaphore_mem>>)
    %dma_start3A_48 = arith.constant 25480 : i32
    %dma_start3A_49 = tpu.memref_slice %arg6[%dma_start3A_48] : memref<33536xf32, #tpu.memory_space<vmem>> -> memref<3864xf32, #tpu.memory_space<vmem>>
    %dma_start3A_50 = arith.constant 0 : i32
    %dma_start3A_51 = tpu.memref_slice %arg4[%dma_start3A_50] : memref<4096xf32, #tpu.memory_space<hbm>> -> memref<3864xf32, #tpu.memory_space<hbm>>
    %dma_start3A_52 = arith.constant 25480 : i32
    %dma_start3A_53 = tpu.memref_slice %arg6[%dma_start3A_52] : memref<33536xf32, #tpu.memory_space<vmem>> -> memref<3864xf32, #tpu.memory_space<vmem>>
    %dma_start3A_54 = arith.constant 0 : i32
    %dma_start3A_55 = tpu.memref_slice %arg4[%dma_start3A_54] : memref<4096xf32, #tpu.memory_space<hbm>> -> memref<3864xf32, #tpu.memory_space<hbm>>
    tpu.enqueue_dma source(%dma_start3A_55 : memref<3864xf32, #tpu.memory_space<hbm>>) target(%dma_start3A_53 : memref<3864xf32, #tpu.memory_space<vmem>>) target_semaphore(%arg10 : memref<!tpu.dma_semaphore, #tpu.memory_space<semaphore_mem>>)
    %dma_start3A_56 = arith.constant 29672 : i32
    %dma_start3A_57 = tpu.memref_slice %arg6[%dma_start3A_56] : memref<33536xf32, #tpu.memory_space<vmem>> -> memref<3864xf32, #tpu.memory_space<vmem>>
    %dma_start3A_58 = arith.constant 0 : i32
    %dma_start3A_59 = tpu.memref_slice %arg4[%dma_start3A_58] : memref<4096xf32, #tpu.memory_space<hbm>> -> memref<3864xf32, #tpu.memory_space<hbm>>
    %dma_start3A_60 = arith.constant 29672 : i32
    %dma_start3A_61 = tpu.memref_slice %arg6[%dma_start3A_60] : memref<33536xf32, #tpu.memory_space<vmem>> -> memref<3864xf32, #tpu.memory_space<vmem>>
    %dma_start3A_62 = arith.constant 0 : i32
    %dma_start3A_63 = tpu.memref_slice %arg4[%dma_start3A_62] : memref<4096xf32, #tpu.memory_space<hbm>> -> memref<3864xf32, #tpu.memory_space<hbm>>
    tpu.enqueue_dma source(%dma_start3A_63 : memref<3864xf32, #tpu.memory_space<hbm>>) target(%dma_start3A_61 : memref<3864xf32, #tpu.memory_space<vmem>>) target_semaphore(%arg10 : memref<!tpu.dma_semaphore, #tpu.memory_space<semaphore_mem>>)
    %dma_wait3A = arith.constant 328 : i32
    %dma_wait3A_64 = tpu.memref_slice %arg6[%dma_wait3A] : memref<33536xf32, #tpu.memory_space<vmem>> -> memref<3864xf32, #tpu.memory_space<vmem>>
    %dma_wait3A_65 = arith.constant 0 : i32
    %dma_wait3A_66 = tpu.memref_slice %arg4[%dma_wait3A_65] : memref<4096xf32, #tpu.memory_space<hbm>> -> memref<3864xf32, #tpu.memory_space<hbm>>
    %dma_wait3A_67 = arith.constant 328 : i32
    %dma_wait3A_68 = tpu.memref_slice %arg6[%dma_wait3A_67] : memref<33536xf32, #tpu.memory_space<vmem>> -> memref<3864xf32, #tpu.memory_space<vmem>>
    %dma_wait3A_69 = arith.constant 0 : i32
    %dma_wait3A_70 = tpu.memref_slice %arg4[%dma_wait3A_69] : memref<4096xf32, #tpu.memory_space<hbm>> -> memref<3864xf32, #tpu.memory_space<hbm>>
    tpu.wait_dma2 semaphore(%arg10 : memref<!tpu.dma_semaphore, #tpu.memory_space<semaphore_mem>>) src(%dma_wait3A_70 : memref<3864xf32, #tpu.memory_space<hbm>>) dst(%dma_wait3A_68 : memref<3864xf32, #tpu.memory_space<vmem>>)
    %dma_wait3A_71 = arith.constant 4520 : i32
    %dma_wait3A_72 = tpu.memref_slice %arg6[%dma_wait3A_71] : memref<33536xf32, #tpu.memory_space<vmem>> -> memref<3864xf32, #tpu.memory_space<vmem>>
    %dma_wait3A_73 = arith.constant 0 : i32
    %dma_wait3A_74 = tpu.memref_slice %arg4[%dma_wait3A_73] : memref<4096xf32, #tpu.memory_space<hbm>> -> memref<3864xf32, #tpu.memory_space<hbm>>
    %dma_wait3A_75 = arith.constant 4520 : i32
    %dma_wait3A_76 = tpu.memref_slice %arg6[%dma_wait3A_75] : memref<33536xf32, #tpu.memory_space<vmem>> -> memref<3864xf32, #tpu.memory_space<vmem>>
    %dma_wait3A_77 = arith.constant 0 : i32
    %dma_wait3A_78 = tpu.memref_slice %arg4[%dma_wait3A_77] : memref<4096xf32, #tpu.memory_space<hbm>> -> memref<3864xf32, #tpu.memory_space<hbm>>
    tpu.wait_dma2 semaphore(%arg10 : memref<!tpu.dma_semaphore, #tpu.memory_space<semaphore_mem>>) src(%dma_wait3A_78 : memref<3864xf32, #tpu.memory_space<hbm>>) dst(%dma_wait3A_76 : memref<3864xf32, #tpu.memory_space<vmem>>)
    %dma_wait3A_79 = arith.constant 8712 : i32
    %dma_wait3A_80 = tpu.memref_slice %arg6[%dma_wait3A_79] : memref<33536xf32, #tpu.memory_space<vmem>> -> memref<3864xf32, #tpu.memory_space<vmem>>
    %dma_wait3A_81 = arith.constant 0 : i32
    %dma_wait3A_82 = tpu.memref_slice %arg4[%dma_wait3A_81] : memref<4096xf32, #tpu.memory_space<hbm>> -> memref<3864xf32, #tpu.memory_space<hbm>>
    %dma_wait3A_83 = arith.constant 8712 : i32
    %dma_wait3A_84 = tpu.memref_slice %arg6[%dma_wait3A_83] : memref<33536xf32, #tpu.memory_space<vmem>> -> memref<3864xf32, #tpu.memory_space<vmem>>
    %dma_wait3A_85 = arith.constant 0 : i32
    %dma_wait3A_86 = tpu.memref_slice %arg4[%dma_wait3A_85] : memref<4096xf32, #tpu.memory_space<hbm>> -> memref<3864xf32, #tpu.memory_space<hbm>>
    tpu.wait_dma2 semaphore(%arg10 : memref<!tpu.dma_semaphore, #tpu.memory_space<semaphore_mem>>) src(%dma_wait3A_86 : memref<3864xf32, #tpu.memory_space<hbm>>) dst(%dma_wait3A_84 : memref<3864xf32, #tpu.memory_space<vmem>>)
    %dma_wait3A_87 = arith.constant 12904 : i32
    %dma_wait3A_88 = tpu.memref_slice %arg6[%dma_wait3A_87] : memref<33536xf32, #tpu.memory_space<vmem>> -> memref<3864xf32, #tpu.memory_space<vmem>>
    %dma_wait3A_89 = arith.constant 0 : i32
    %dma_wait3A_90 = tpu.memref_slice %arg4[%dma_wait3A_89] : memref<4096xf32, #tpu.memory_space<hbm>> -> memref<3864xf32, #tpu.memory_space<hbm>>
    %dma_wait3A_91 = arith.constant 12904 : i32
    %dma_wait3A_92 = tpu.memref_slice %arg6[%dma_wait3A_91] : memref<33536xf32, #tpu.memory_space<vmem>> -> memref<3864xf32, #tpu.memory_space<vmem>>
    %dma_wait3A_93 = arith.constant 0 : i32
    %dma_wait3A_94 = tpu.memref_slice %arg4[%dma_wait3A_93] : memref<4096xf32, #tpu.memory_space<hbm>> -> memref<3864xf32, #tpu.memory_space<hbm>>
    tpu.wait_dma2 semaphore(%arg10 : memref<!tpu.dma_semaphore, #tpu.memory_space<semaphore_mem>>) src(%dma_wait3A_94 : memref<3864xf32, #tpu.memory_space<hbm>>) dst(%dma_wait3A_92 : memref<3864xf32, #tpu.memory_space<vmem>>)
    %dma_wait3A_95 = arith.constant 17096 : i32
    %dma_wait3A_96 = tpu.memref_slice %arg6[%dma_wait3A_95] : memref<33536xf32, #tpu.memory_space<vmem>> -> memref<3864xf32, #tpu.memory_space<vmem>>
    %dma_wait3A_97 = arith.constant 0 : i32
    %dma_wait3A_98 = tpu.memref_slice %arg4[%dma_wait3A_97] : memref<4096xf32, #tpu.memory_space<hbm>> -> memref<3864xf32, #tpu.memory_space<hbm>>
    %dma_wait3A_99 = arith.constant 17096 : i32
    %dma_wait3A_100 = tpu.memref_slice %arg6[%dma_wait3A_99] : memref<33536xf32, #tpu.memory_space<vmem>> -> memref<3864xf32, #tpu.memory_space<vmem>>
    %dma_wait3A_101 = arith.constant 0 : i32
    %dma_wait3A_102 = tpu.memref_slice %arg4[%dma_wait3A_101] : memref<4096xf32, #tpu.memory_space<hbm>> -> memref<3864xf32, #tpu.memory_space<hbm>>
    tpu.wait_dma2 semaphore(%arg10 : memref<!tpu.dma_semaphore, #tpu.memory_space<semaphore_mem>>) src(%dma_wait3A_102 : memref<3864xf32, #tpu.memory_space<hbm>>) dst(%dma_wait3A_100 : memref<3864xf32, #tpu.memory_space<vmem>>)
    %dma_wait3A_103 = arith.constant 21288 : i32
    %dma_wait3A_104 = tpu.memref_slice %arg6[%dma_wait3A_103] : memref<33536xf32, #tpu.memory_space<vmem>> -> memref<3864xf32, #tpu.memory_space<vmem>>
    %dma_wait3A_105 = arith.constant 0 : i32
    %dma_wait3A_106 = tpu.memref_slice %arg4[%dma_wait3A_105] : memref<4096xf32, #tpu.memory_space<hbm>> -> memref<3864xf32, #tpu.memory_space<hbm>>
    %dma_wait3A_107 = arith.constant 21288 : i32
    %dma_wait3A_108 = tpu.memref_slice %arg6[%dma_wait3A_107] : memref<33536xf32, #tpu.memory_space<vmem>> -> memref<3864xf32, #tpu.memory_space<vmem>>
    %dma_wait3A_109 = arith.constant 0 : i32
    %dma_wait3A_110 = tpu.memref_slice %arg4[%dma_wait3A_109] : memref<4096xf32, #tpu.memory_space<hbm>> -> memref<3864xf32, #tpu.memory_space<hbm>>
    tpu.wait_dma2 semaphore(%arg10 : memref<!tpu.dma_semaphore, #tpu.memory_space<semaphore_mem>>) src(%dma_wait3A_110 : memref<3864xf32, #tpu.memory_space<hbm>>) dst(%dma_wait3A_108 : memref<3864xf32, #tpu.memory_space<vmem>>)
    %dma_wait3A_111 = arith.constant 25480 : i32
    %dma_wait3A_112 = tpu.memref_slice %arg6[%dma_wait3A_111] : memref<33536xf32, #tpu.memory_space<vmem>> -> memref<3864xf32, #tpu.memory_space<vmem>>
    %dma_wait3A_113 = arith.constant 0 : i32
    %dma_wait3A_114 = tpu.memref_slice %arg4[%dma_wait3A_113] : memref<4096xf32, #tpu.memory_space<hbm>> -> memref<3864xf32, #tpu.memory_space<hbm>>
    %dma_wait3A_115 = arith.constant 25480 : i32
    %dma_wait3A_116 = tpu.memref_slice %arg6[%dma_wait3A_115] : memref<33536xf32, #tpu.memory_space<vmem>> -> memref<3864xf32, #tpu.memory_space<vmem>>
    %dma_wait3A_117 = arith.constant 0 : i32
    %dma_wait3A_118 = tpu.memref_slice %arg4[%dma_wait3A_117] : memref<4096xf32, #tpu.memory_space<hbm>> -> memref<3864xf32, #tpu.memory_space<hbm>>
    tpu.wait_dma2 semaphore(%arg10 : memref<!tpu.dma_semaphore, #tpu.memory_space<semaphore_mem>>) src(%dma_wait3A_118 : memref<3864xf32, #tpu.memory_space<hbm>>) dst(%dma_wait3A_116 : memref<3864xf32, #tpu.memory_space<vmem>>)
    %dma_wait3A_119 = arith.constant 29672 : i32
    %dma_wait3A_120 = tpu.memref_slice %arg6[%dma_wait3A_119] : memref<33536xf32, #tpu.memory_space<vmem>> -> memref<3864xf32, #tpu.memory_space<vmem>>
    %dma_wait3A_121 = arith.constant 0 : i32
    %dma_wait3A_122 = tpu.memref_slice %arg4[%dma_wait3A_121] : memref<4096xf32, #tpu.memory_space<hbm>> -> memref<3864xf32, #tpu.memory_space<hbm>>
    %dma_wait3A_123 = arith.constant 29672 : i32
    %dma_wait3A_124 = tpu.memref_slice %arg6[%dma_wait3A_123] : memref<33536xf32, #tpu.memory_space<vmem>> -> memref<3864xf32, #tpu.memory_space<vmem>>
    %dma_wait3A_125 = arith.constant 0 : i32
    %dma_wait3A_126 = tpu.memref_slice %arg4[%dma_wait3A_125] : memref<4096xf32, #tpu.memory_space<hbm>> -> memref<3864xf32, #tpu.memory_space<hbm>>
    tpu.wait_dma2 semaphore(%arg10 : memref<!tpu.dma_semaphore, #tpu.memory_space<semaphore_mem>>) src(%dma_wait3A_126 : memref<3864xf32, #tpu.memory_space<hbm>>) dst(%dma_wait3A_124 : memref<3864xf32, #tpu.memory_space<vmem>>)
    %add3A_127 = arith.constant 0 : i32
    %add3A_128 = arith.addi %add3A, %add3A_127 : i32
    %sub3A = arith.constant 1 : i32
    %sub3A_129 = arith.subi %add3A_128, %sub3A : i32
    %mul3A_130 = arith.muli %add3A_128, %sub3A_129 : i32
    %jit3A = arith.constant 2 : i32
    %div3A = arith.divsi %mul3A_130, %jit3A : i32
    %sign3A = arith.constant 0 : i32
    %sign3A_131 = arith.cmpi sgt, %mul3A_130, %sign3A : i32
    %sign3A_132 = arith.extui %sign3A_131 : i1 to i32
    %sign3A_133 = arith.constant 0 : i32
    %sign3A_134 = arith.cmpi slt, %mul3A_130, %sign3A_133 : i32
    %sign3A_135 = arith.extui %sign3A_134 : i1 to i32
    %sign3A_136 = arith.subi %sign3A_132, %sign3A_135 : i32
    %sign3A_137 = arith.constant 0 : i32
    %sign3A_138 = arith.cmpi sgt, %jit3A, %sign3A_137 : i32
    %sign3A_139 = arith.extui %sign3A_138 : i1 to i32
    %sign3A_140 = arith.constant 0 : i32
    %sign3A_141 = arith.cmpi slt, %jit3A, %sign3A_140 : i32
    %sign3A_142 = arith.extui %sign3A_141 : i1 to i32
    %sign3A_143 = arith.subi %sign3A_139, %sign3A_142 : i32
    %ne3A = arith.cmpi ne, %sign3A_136, %sign3A_143 : i32
    %rem3A = arith.remsi %mul3A_130, %jit3A : i32
    %ne3A_144 = arith.constant 0 : i32
    %ne3A_145 = arith.cmpi ne, %rem3A, %ne3A_144 : i32
    %and3A = arith.andi %ne3A, %ne3A_145 : i1
    %sub3A_146 = arith.constant 1 : i32
    %sub3A_147 = arith.subi %div3A, %sub3A_146 : i32
    %select_n3A = arith.select %and3A, %sub3A_147, %div3A : i32
    %shift_right_arithmetic3A = arith.constant 3 : i32
    %shift_right_arithmetic3A_148 = arith.shrsi %select_n3A, %shift_right_arithmetic3A : i32
    %shift_left3A = arith.constant 3 : i32
    %shift_left3A_149 = arith.shli %shift_right_arithmetic3A_148, %shift_left3A : i32
    %shift_right_arithmetic3A_150 = arith.constant 8 : i32
    %shift_right_arithmetic3A_151 = arith.shrsi %add3A_128, %shift_right_arithmetic3A_150 : i32
    %rem3A_152 = arith.constant 0 : i32
    %rem3A_153 = arith.constant 8 : i32
    %rem3A_154 = arith.remsi %rem3A_152, %rem3A_153 : i32
    %eq3A = arith.constant 0 : i32
    %eq3A_155 = arith.cmpi eq, %shift_right_arithmetic3A_151, %eq3A : i32
    %convert_element_type3A = arith.extui %eq3A_155 : i1 to i32
    %cond3A = arith.constant 0 : i32
    %cond3A_156 = arith.cmpi ne, %convert_element_type3A, %cond3A : i32
    scf.if %cond3A_156 {
      %min3A = arith.constant 8386280 : i32
      %min3A_681 = arith.minsi %shift_left3A_149, %min3A : i32
      %multiple_of3A = tpu.assume_multiple %min3A_681, 8 : i32
      %sub3A_682 = arith.subi %select_n3A, %multiple_of3A : i32
      %mul3A_683 = arith.constant 4192 : i32
      %mul3A_684 = arith.muli %rem3A_154, %mul3A_683 : i32
      %add3A_685 = arith.constant 48 : i32
      %add3A_686 = arith.addi %mul3A_684, %add3A_685 : i32
      %sub3A_687 = arith.subi %add3A_686, %sub3A_682 : i32
      %multiple_of3A_688 = tpu.assume_multiple %sub3A_687, 8 : i32
      %dma_start3A_689 = tpu.memref_slice %arg6[%multiple_of3A_688] : memref<33536xf32, #tpu.memory_space<vmem>> -> memref<280xf32, #tpu.memory_space<vmem>>
      %dma_start3A_690 = tpu.memref_slice %arg2[%multiple_of3A] : memref<8386560xf32, #tpu.memory_space<hbm>> -> memref<280xf32, #tpu.memory_space<hbm>>
      %dma_start3A_691 = tpu.memref_slice %arg8[%rem3A_154] : memref<8x!tpu.dma_semaphore, #tpu.memory_space<semaphore_mem>> -> memref<1x!tpu.dma_semaphore, #tpu.memory_space<semaphore_mem>>
      %dma_start3A_692 = tpu.memref_squeeze %dma_start3A_691 : memref<1x!tpu.dma_semaphore, #tpu.memory_space<semaphore_mem>> -> memref<!tpu.dma_semaphore, #tpu.memory_space<semaphore_mem>>
      %dma_start3A_693 = tpu.memref_slice %arg6[%multiple_of3A_688] : memref<33536xf32, #tpu.memory_space<vmem>> -> memref<280xf32, #tpu.memory_space<vmem>>
      %dma_start3A_694 = tpu.memref_slice %arg2[%multiple_of3A] : memref<8386560xf32, #tpu.memory_space<hbm>> -> memref<280xf32, #tpu.memory_space<hbm>>
      tpu.enqueue_dma source(%dma_start3A_694 : memref<280xf32, #tpu.memory_space<hbm>>) target(%dma_start3A_693 : memref<280xf32, #tpu.memory_space<vmem>>) target_semaphore(%dma_start3A_692 : memref<!tpu.dma_semaphore, #tpu.memory_space<semaphore_mem>>)
    } else {
    }
    %eq3A_157 = arith.constant 1 : i32
    %eq3A_158 = arith.cmpi eq, %shift_right_arithmetic3A_151, %eq3A_157 : i32
    %convert_element_type3A_159 = arith.extui %eq3A_158 : i1 to i32
    %cond3A_160 = arith.constant 0 : i32
    %cond3A_161 = arith.cmpi ne, %convert_element_type3A_159, %cond3A_160 : i32
    scf.if %cond3A_161 {
      %min3A = arith.constant 8386024 : i32
      %min3A_681 = arith.minsi %shift_left3A_149, %min3A : i32
      %multiple_of3A = tpu.assume_multiple %min3A_681, 8 : i32
      %sub3A_682 = arith.subi %select_n3A, %multiple_of3A : i32
      %mul3A_683 = arith.constant 4192 : i32
      %mul3A_684 = arith.muli %rem3A_154, %mul3A_683 : i32
      %add3A_685 = arith.constant 48 : i32
      %add3A_686 = arith.addi %mul3A_684, %add3A_685 : i32
      %sub3A_687 = arith.subi %add3A_686, %sub3A_682 : i32
      %multiple_of3A_688 = tpu.assume_multiple %sub3A_687, 8 : i32
      %dma_start3A_689 = tpu.memref_slice %arg6[%multiple_of3A_688] : memref<33536xf32, #tpu.memory_space<vmem>> -> memref<536xf32, #tpu.memory_space<vmem>>
      %dma_start3A_690 = tpu.memref_slice %arg2[%multiple_of3A] : memref<8386560xf32, #tpu.memory_space<hbm>> -> memref<536xf32, #tpu.memory_space<hbm>>
      %dma_start3A_691 = tpu.memref_slice %arg8[%rem3A_154] : memref<8x!tpu.dma_semaphore, #tpu.memory_space<semaphore_mem>> -> memref<1x!tpu.dma_semaphore, #tpu.memory_space<semaphore_mem>>
      %dma_start3A_692 = tpu.memref_squeeze %dma_start3A_691 : memref<1x!tpu.dma_semaphore, #tpu.memory_space<semaphore_mem>> -> memref<!tpu.dma_semaphore, #tpu.memory_space<semaphore_mem>>
      %dma_start3A_693 = tpu.memref_slice %arg6[%multiple_of3A_688] : memref<33536xf32, #tpu.memory_space<vmem>> -> memref<536xf32, #tpu.memory_space<vmem>>
      %dma_start3A_694 = tpu.memref_slice %arg2[%multiple_of3A] : memref<8386560xf32, #tpu.memory_space<hbm>> -> memref<536xf32, #tpu.memory_space<hbm>>
      tpu.enqueue_dma source(%dma_start3A_694 : memref<536xf32, #tpu.memory_space<hbm>>) target(%dma_start3A_693 : memref<536xf32, #tpu.memory_space<vmem>>) target_semaphore(%dma_start3A_692 : memref<!tpu.dma_semaphore, #tpu.memory_space<semaphore_mem>>)
    } else {
    }
    %eq3A_162 = arith.constant 2 : i32
    %eq3A_163 = arith.cmpi eq, %shift_right_arithmetic3A_151, %eq3A_162 : i32
    %convert_element_type3A_164 = arith.extui %eq3A_163 : i1 to i32
    %cond3A_165 = arith.constant 0 : i32
    %cond3A_166 = arith.cmpi ne, %convert_element_type3A_164, %cond3A_165 : i32
    scf.if %cond3A_166 {
      %min3A = arith.constant 8385768 : i32
      %min3A_681 = arith.minsi %shift_left3A_149, %min3A : i32
      %multiple_of3A = tpu.assume_multiple %min3A_681, 8 : i32
      %sub3A_682 = arith.subi %select_n3A, %multiple_of3A : i32
      %mul3A_683 = arith.constant 4192 : i32
      %mul3A_684 = arith.muli %rem3A_154, %mul3A_683 : i32
      %add3A_685 = arith.constant 48 : i32
      %add3A_686 = arith.addi %mul3A_684, %add3A_685 : i32
      %sub3A_687 = arith.subi %add3A_686, %sub3A_682 : i32
      %multiple_of3A_688 = tpu.assume_multiple %sub3A_687, 8 : i32
      %dma_start3A_689 = tpu.memref_slice %arg6[%multiple_of3A_688] : memref<33536xf32, #tpu.memory_space<vmem>> -> memref<792xf32, #tpu.memory_space<vmem>>
      %dma_start3A_690 = tpu.memref_slice %arg2[%multiple_of3A] : memref<8386560xf32, #tpu.memory_space<hbm>> -> memref<792xf32, #tpu.memory_space<hbm>>
      %dma_start3A_691 = tpu.memref_slice %arg8[%rem3A_154] : memref<8x!tpu.dma_semaphore, #tpu.memory_space<semaphore_mem>> -> memref<1x!tpu.dma_semaphore, #tpu.memory_space<semaphore_mem>>
      %dma_start3A_692 = tpu.memref_squeeze %dma_start3A_691 : memref<1x!tpu.dma_semaphore, #tpu.memory_space<semaphore_mem>> -> memref<!tpu.dma_semaphore, #tpu.memory_space<semaphore_mem>>
      %dma_start3A_693 = tpu.memref_slice %arg6[%multiple_of3A_688] : memref<33536xf32, #tpu.memory_space<vmem>> -> memref<792xf32, #tpu.memory_space<vmem>>
      %dma_start3A_694 = tpu.memref_slice %arg2[%multiple_of3A] : memref<8386560xf32, #tpu.memory_space<hbm>> -> memref<792xf32, #tpu.memory_space<hbm>>
      tpu.enqueue_dma source(%dma_start3A_694 : memref<792xf32, #tpu.memory_space<hbm>>) target(%dma_start3A_693 : memref<792xf32, #tpu.memory_space<vmem>>) target_semaphore(%dma_start3A_692 : memref<!tpu.dma_semaphore, #tpu.memory_space<semaphore_mem>>)
    } else {
    }
    %eq3A_167 = arith.constant 3 : i32
    %eq3A_168 = arith.cmpi eq, %shift_right_arithmetic3A_151, %eq3A_167 : i32
    %convert_element_type3A_169 = arith.extui %eq3A_168 : i1 to i32
    %cond3A_170 = arith.constant 0 : i32
    %cond3A_171 = arith.cmpi ne, %convert_element_type3A_169, %cond3A_170 : i32
    scf.if %cond3A_171 {
      %min3A = arith.constant 8385512 : i32
      %min3A_681 = arith.minsi %shift_left3A_149, %min3A : i32
      %multiple_of3A = tpu.assume_multiple %min3A_681, 8 : i32
      %sub3A_682 = arith.subi %select_n3A, %multiple_of3A : i32
      %mul3A_683 = arith.constant 4192 : i32
      %mul3A_684 = arith.muli %rem3A_154, %mul3A_683 : i32
      %add3A_685 = arith.constant 48 : i32
      %add3A_686 = arith.addi %mul3A_684, %add3A_685 : i32
      %sub3A_687 = arith.subi %add3A_686, %sub3A_682 : i32
      %multiple_of3A_688 = tpu.assume_multiple %sub3A_687, 8 : i32
      %dma_start3A_689 = tpu.memref_slice %arg6[%multiple_of3A_688] : memref<33536xf32, #tpu.memory_space<vmem>> -> memref<1048xf32, #tpu.memory_space<vmem>>
      %dma_start3A_690 = tpu.memref_slice %arg2[%multiple_of3A] : memref<8386560xf32, #tpu.memory_space<hbm>> -> memref<1048xf32, #tpu.memory_space<hbm>>
      %dma_start3A_691 = tpu.memref_slice %arg8[%rem3A_154] : memref<8x!tpu.dma_semaphore, #tpu.memory_space<semaphore_mem>> -> memref<1x!tpu.dma_semaphore, #tpu.memory_space<semaphore_mem>>
      %dma_start3A_692 = tpu.memref_squeeze %dma_start3A_691 : memref<1x!tpu.dma_semaphore, #tpu.memory_space<semaphore_mem>> -> memref<!tpu.dma_semaphore, #tpu.memory_space<semaphore_mem>>
      %dma_start3A_693 = tpu.memref_slice %arg6[%multiple_of3A_688] : memref<33536xf32, #tpu.memory_space<vmem>> -> memref<1048xf32, #tpu.memory_space<vmem>>
      %dma_start3A_694 = tpu.memref_slice %arg2[%multiple_of3A] : memref<8386560xf32, #tpu.memory_space<hbm>> -> memref<1048xf32, #tpu.memory_space<hbm>>
      tpu.enqueue_dma source(%dma_start3A_694 : memref<1048xf32, #tpu.memory_space<hbm>>) target(%dma_start3A_693 : memref<1048xf32, #tpu.memory_space<vmem>>) target_semaphore(%dma_start3A_692 : memref<!tpu.dma_semaphore, #tpu.memory_space<semaphore_mem>>)
    } else {
    }
    %eq3A_172 = arith.constant 4 : i32
    %eq3A_173 = arith.cmpi eq, %shift_right_arithmetic3A_151, %eq3A_172 : i32
    %convert_element_type3A_174 = arith.extui %eq3A_173 : i1 to i32
    %cond3A_175 = arith.constant 0 : i32
    %cond3A_176 = arith.cmpi ne, %convert_element_type3A_174, %cond3A_175 : i32
    scf.if %cond3A_176 {
      %min3A = arith.constant 8385256 : i32
      %min3A_681 = arith.minsi %shift_left3A_149, %min3A : i32
      %multiple_of3A = tpu.assume_multiple %min3A_681, 8 : i32
      %sub3A_682 = arith.subi %select_n3A, %multiple_of3A : i32
      %mul3A_683 = arith.constant 4192 : i32
      %mul3A_684 = arith.muli %rem3A_154, %mul3A_683 : i32
      %add3A_685 = arith.constant 48 : i32
      %add3A_686 = arith.addi %mul3A_684, %add3A_685 : i32
      %sub3A_687 = arith.subi %add3A_686, %sub3A_682 : i32
      %multiple_of3A_688 = tpu.assume_multiple %sub3A_687, 8 : i32
      %dma_start3A_689 = tpu.memref_slice %arg6[%multiple_of3A_688] : memref<33536xf32, #tpu.memory_space<vmem>> -> memref<1304xf32, #tpu.memory_space<vmem>>
      %dma_start3A_690 = tpu.memref_slice %arg2[%multiple_of3A] : memref<8386560xf32, #tpu.memory_space<hbm>> -> memref<1304xf32, #tpu.memory_space<hbm>>
      %dma_start3A_691 = tpu.memref_slice %arg8[%rem3A_154] : memref<8x!tpu.dma_semaphore, #tpu.memory_space<semaphore_mem>> -> memref<1x!tpu.dma_semaphore, #tpu.memory_space<semaphore_mem>>
      %dma_start3A_692 = tpu.memref_squeeze %dma_start3A_691 : memref<1x!tpu.dma_semaphore, #tpu.memory_space<semaphore_mem>> -> memref<!tpu.dma_semaphore, #tpu.memory_space<semaphore_mem>>
      %dma_start3A_693 = tpu.memref_slice %arg6[%multiple_of3A_688] : memref<33536xf32, #tpu.memory_space<vmem>> -> memref<1304xf32, #tpu.memory_space<vmem>>
      %dma_start3A_694 = tpu.memref_slice %arg2[%multiple_of3A] : memref<8386560xf32, #tpu.memory_space<hbm>> -> memref<1304xf32, #tpu.memory_space<hbm>>
      tpu.enqueue_dma source(%dma_start3A_694 : memref<1304xf32, #tpu.memory_space<hbm>>) target(%dma_start3A_693 : memref<1304xf32, #tpu.memory_space<vmem>>) target_semaphore(%dma_start3A_692 : memref<!tpu.dma_semaphore, #tpu.memory_space<semaphore_mem>>)
    } else {
    }
    %eq3A_177 = arith.constant 5 : i32
    %eq3A_178 = arith.cmpi eq, %shift_right_arithmetic3A_151, %eq3A_177 : i32
    %convert_element_type3A_179 = arith.extui %eq3A_178 : i1 to i32
    %cond3A_180 = arith.constant 0 : i32
    %cond3A_181 = arith.cmpi ne, %convert_element_type3A_179, %cond3A_180 : i32
    scf.if %cond3A_181 {
      %min3A = arith.constant 8385000 : i32
      %min3A_681 = arith.minsi %shift_left3A_149, %min3A : i32
      %multiple_of3A = tpu.assume_multiple %min3A_681, 8 : i32
      %sub3A_682 = arith.subi %select_n3A, %multiple_of3A : i32
      %mul3A_683 = arith.constant 4192 : i32
      %mul3A_684 = arith.muli %rem3A_154, %mul3A_683 : i32
      %add3A_685 = arith.constant 48 : i32
      %add3A_686 = arith.addi %mul3A_684, %add3A_685 : i32
      %sub3A_687 = arith.subi %add3A_686, %sub3A_682 : i32
      %multiple_of3A_688 = tpu.assume_multiple %sub3A_687, 8 : i32
      %dma_start3A_689 = tpu.memref_slice %arg6[%multiple_of3A_688] : memref<33536xf32, #tpu.memory_space<vmem>> -> memref<1560xf32, #tpu.memory_space<vmem>>
      %dma_start3A_690 = tpu.memref_slice %arg2[%multiple_of3A] : memref<8386560xf32, #tpu.memory_space<hbm>> -> memref<1560xf32, #tpu.memory_space<hbm>>
      %dma_start3A_691 = tpu.memref_slice %arg8[%rem3A_154] : memref<8x!tpu.dma_semaphore, #tpu.memory_space<semaphore_mem>> -> memref<1x!tpu.dma_semaphore, #tpu.memory_space<semaphore_mem>>
      %dma_start3A_692 = tpu.memref_squeeze %dma_start3A_691 : memref<1x!tpu.dma_semaphore, #tpu.memory_space<semaphore_mem>> -> memref<!tpu.dma_semaphore, #tpu.memory_space<semaphore_mem>>
      %dma_start3A_693 = tpu.memref_slice %arg6[%multiple_of3A_688] : memref<33536xf32, #tpu.memory_space<vmem>> -> memref<1560xf32, #tpu.memory_space<vmem>>
      %dma_start3A_694 = tpu.memref_slice %arg2[%multiple_of3A] : memref<8386560xf32, #tpu.memory_space<hbm>> -> memref<1560xf32, #tpu.memory_space<hbm>>
      tpu.enqueue_dma source(%dma_start3A_694 : memref<1560xf32, #tpu.memory_space<hbm>>) target(%dma_start3A_693 : memref<1560xf32, #tpu.memory_space<vmem>>) target_semaphore(%dma_start3A_692 : memref<!tpu.dma_semaphore, #tpu.memory_space<semaphore_mem>>)
    } else {
    }
    %eq3A_182 = arith.constant 6 : i32
    %eq3A_183 = arith.cmpi eq, %shift_right_arithmetic3A_151, %eq3A_182 : i32
    %convert_element_type3A_184 = arith.extui %eq3A_183 : i1 to i32
    %cond3A_185 = arith.constant 0 : i32
    %cond3A_186 = arith.cmpi ne, %convert_element_type3A_184, %cond3A_185 : i32
    scf.if %cond3A_186 {
      %min3A = arith.constant 8384744 : i32
      %min3A_681 = arith.minsi %shift_left3A_149, %min3A : i32
      %multiple_of3A = tpu.assume_multiple %min3A_681, 8 : i32
      %sub3A_682 = arith.subi %select_n3A, %multiple_of3A : i32
      %mul3A_683 = arith.constant 4192 : i32
      %mul3A_684 = arith.muli %rem3A_154, %mul3A_683 : i32
      %add3A_685 = arith.constant 48 : i32
      %add3A_686 = arith.addi %mul3A_684, %add3A_685 : i32
      %sub3A_687 = arith.subi %add3A_686, %sub3A_682 : i32
      %multiple_of3A_688 = tpu.assume_multiple %sub3A_687, 8 : i32
      %dma_start3A_689 = tpu.memref_slice %arg6[%multiple_of3A_688] : memref<33536xf32, #tpu.memory_space<vmem>> -> memref<1816xf32, #tpu.memory_space<vmem>>
      %dma_start3A_690 = tpu.memref_slice %arg2[%multiple_of3A] : memref<8386560xf32, #tpu.memory_space<hbm>> -> memref<1816xf32, #tpu.memory_space<hbm>>
      %dma_start3A_691 = tpu.memref_slice %arg8[%rem3A_154] : memref<8x!tpu.dma_semaphore, #tpu.memory_space<semaphore_mem>> -> memref<1x!tpu.dma_semaphore, #tpu.memory_space<semaphore_mem>>
      %dma_start3A_692 = tpu.memref_squeeze %dma_start3A_691 : memref<1x!tpu.dma_semaphore, #tpu.memory_space<semaphore_mem>> -> memref<!tpu.dma_semaphore, #tpu.memory_space<semaphore_mem>>
      %dma_start3A_693 = tpu.memref_slice %arg6[%multiple_of3A_688] : memref<33536xf32, #tpu.memory_space<vmem>> -> memref<1816xf32, #tpu.memory_space<vmem>>
      %dma_start3A_694 = tpu.memref_slice %arg2[%multiple_of3A] : memref<8386560xf32, #tpu.memory_space<hbm>> -> memref<1816xf32, #tpu.memory_space<hbm>>
      tpu.enqueue_dma source(%dma_start3A_694 : memref<1816xf32, #tpu.memory_space<hbm>>) target(%dma_start3A_693 : memref<1816xf32, #tpu.memory_space<vmem>>) target_semaphore(%dma_start3A_692 : memref<!tpu.dma_semaphore, #tpu.memory_space<semaphore_mem>>)
    } else {
    }
    %eq3A_187 = arith.constant 7 : i32
    %eq3A_188 = arith.cmpi eq, %shift_right_arithmetic3A_151, %eq3A_187 : i32
    %convert_element_type3A_189 = arith.extui %eq3A_188 : i1 to i32
    %cond3A_190 = arith.constant 0 : i32
    %cond3A_191 = arith.cmpi ne, %convert_element_type3A_189, %cond3A_190 : i32
    scf.if %cond3A_191 {
      %min3A = arith.constant 8384488 : i32
      %min3A_681 = arith.minsi %shift_left3A_149, %min3A : i32
      %multiple_of3A = tpu.assume_multiple %min3A_681, 8 : i32
      %sub3A_682 = arith.subi %select_n3A, %multiple_of3A : i32
      %mul3A_683 = arith.constant 4192 : i32
      %mul3A_684 = arith.muli %rem3A_154, %mul3A_683 : i32
      %add3A_685 = arith.constant 48 : i32
      %add3A_686 = arith.addi %mul3A_684, %add3A_685 : i32
      %sub3A_687 = arith.subi %add3A_686, %sub3A_682 : i32
      %multiple_of3A_688 = tpu.assume_multiple %sub3A_687, 8 : i32
      %dma_start3A_689 = tpu.memref_slice %arg6[%multiple_of3A_688] : memref<33536xf32, #tpu.memory_space<vmem>> -> memref<2072xf32, #tpu.memory_space<vmem>>
      %dma_start3A_690 = tpu.memref_slice %arg2[%multiple_of3A] : memref<8386560xf32, #tpu.memory_space<hbm>> -> memref<2072xf32, #tpu.memory_space<hbm>>
      %dma_start3A_691 = tpu.memref_slice %arg8[%rem3A_154] : memref<8x!tpu.dma_semaphore, #tpu.memory_space<semaphore_mem>> -> memref<1x!tpu.dma_semaphore, #tpu.memory_space<semaphore_mem>>
      %dma_start3A_692 = tpu.memref_squeeze %dma_start3A_691 : memref<1x!tpu.dma_semaphore, #tpu.memory_space<semaphore_mem>> -> memref<!tpu.dma_semaphore, #tpu.memory_space<semaphore_mem>>
      %dma_start3A_693 = tpu.memref_slice %arg6[%multiple_of3A_688] : memref<33536xf32, #tpu.memory_space<vmem>> -> memref<2072xf32, #tpu.memory_space<vmem>>
      %dma_start3A_694 = tpu.memref_slice %arg2[%multiple_of3A] : memref<8386560xf32, #tpu.memory_space<hbm>> -> memref<2072xf32, #tpu.memory_space<hbm>>
      tpu.enqueue_dma source(%dma_start3A_694 : memref<2072xf32, #tpu.memory_space<hbm>>) target(%dma_start3A_693 : memref<2072xf32, #tpu.memory_space<vmem>>) target_semaphore(%dma_start3A_692 : memref<!tpu.dma_semaphore, #tpu.memory_space<semaphore_mem>>)
    } else {
    }
    %eq3A_192 = arith.constant 8 : i32
    %eq3A_193 = arith.cmpi eq, %shift_right_arithmetic3A_151, %eq3A_192 : i32
    %convert_element_type3A_194 = arith.extui %eq3A_193 : i1 to i32
    %cond3A_195 = arith.constant 0 : i32
    %cond3A_196 = arith.cmpi ne, %convert_element_type3A_194, %cond3A_195 : i32
    scf.if %cond3A_196 {
      %min3A = arith.constant 8384232 : i32
      %min3A_681 = arith.minsi %shift_left3A_149, %min3A : i32
      %multiple_of3A = tpu.assume_multiple %min3A_681, 8 : i32
      %sub3A_682 = arith.subi %select_n3A, %multiple_of3A : i32
      %mul3A_683 = arith.constant 4192 : i32
      %mul3A_684 = arith.muli %rem3A_154, %mul3A_683 : i32
      %add3A_685 = arith.constant 48 : i32
      %add3A_686 = arith.addi %mul3A_684, %add3A_685 : i32
      %sub3A_687 = arith.subi %add3A_686, %sub3A_682 : i32
      %multiple_of3A_688 = tpu.assume_multiple %sub3A_687, 8 : i32
      %dma_start3A_689 = tpu.memref_slice %arg6[%multiple_of3A_688] : memref<33536xf32, #tpu.memory_space<vmem>> -> memref<2328xf32, #tpu.memory_space<vmem>>
      %dma_start3A_690 = tpu.memref_slice %arg2[%multiple_of3A] : memref<8386560xf32, #tpu.memory_space<hbm>> -> memref<2328xf32, #tpu.memory_space<hbm>>
      %dma_start3A_691 = tpu.memref_slice %arg8[%rem3A_154] : memref<8x!tpu.dma_semaphore, #tpu.memory_space<semaphore_mem>> -> memref<1x!tpu.dma_semaphore, #tpu.memory_space<semaphore_mem>>
      %dma_start3A_692 = tpu.memref_squeeze %dma_start3A_691 : memref<1x!tpu.dma_semaphore, #tpu.memory_space<semaphore_mem>> -> memref<!tpu.dma_semaphore, #tpu.memory_space<semaphore_mem>>
      %dma_start3A_693 = tpu.memref_slice %arg6[%multiple_of3A_688] : memref<33536xf32, #tpu.memory_space<vmem>> -> memref<2328xf32, #tpu.memory_space<vmem>>
      %dma_start3A_694 = tpu.memref_slice %arg2[%multiple_of3A] : memref<8386560xf32, #tpu.memory_space<hbm>> -> memref<2328xf32, #tpu.memory_space<hbm>>
      tpu.enqueue_dma source(%dma_start3A_694 : memref<2328xf32, #tpu.memory_space<hbm>>) target(%dma_start3A_693 : memref<2328xf32, #tpu.memory_space<vmem>>) target_semaphore(%dma_start3A_692 : memref<!tpu.dma_semaphore, #tpu.memory_space<semaphore_mem>>)
    } else {
    }
    %eq3A_197 = arith.constant 9 : i32
    %eq3A_198 = arith.cmpi eq, %shift_right_arithmetic3A_151, %eq3A_197 : i32
    %convert_element_type3A_199 = arith.extui %eq3A_198 : i1 to i32
    %cond3A_200 = arith.constant 0 : i32
    %cond3A_201 = arith.cmpi ne, %convert_element_type3A_199, %cond3A_200 : i32
    scf.if %cond3A_201 {
      %min3A = arith.constant 8383976 : i32
      %min3A_681 = arith.minsi %shift_left3A_149, %min3A : i32
      %multiple_of3A = tpu.assume_multiple %min3A_681, 8 : i32
      %sub3A_682 = arith.subi %select_n3A, %multiple_of3A : i32
      %mul3A_683 = arith.constant 4192 : i32
      %mul3A_684 = arith.muli %rem3A_154, %mul3A_683 : i32
      %add3A_685 = arith.constant 48 : i32
      %add3A_686 = arith.addi %mul3A_684, %add3A_685 : i32
      %sub3A_687 = arith.subi %add3A_686, %sub3A_682 : i32
      %multiple_of3A_688 = tpu.assume_multiple %sub3A_687, 8 : i32
      %dma_start3A_689 = tpu.memref_slice %arg6[%multiple_of3A_688] : memref<33536xf32, #tpu.memory_space<vmem>> -> memref<2584xf32, #tpu.memory_space<vmem>>
      %dma_start3A_690 = tpu.memref_slice %arg2[%multiple_of3A] : memref<8386560xf32, #tpu.memory_space<hbm>> -> memref<2584xf32, #tpu.memory_space<hbm>>
      %dma_start3A_691 = tpu.memref_slice %arg8[%rem3A_154] : memref<8x!tpu.dma_semaphore, #tpu.memory_space<semaphore_mem>> -> memref<1x!tpu.dma_semaphore, #tpu.memory_space<semaphore_mem>>
      %dma_start3A_692 = tpu.memref_squeeze %dma_start3A_691 : memref<1x!tpu.dma_semaphore, #tpu.memory_space<semaphore_mem>> -> memref<!tpu.dma_semaphore, #tpu.memory_space<semaphore_mem>>
      %dma_start3A_693 = tpu.memref_slice %arg6[%multiple_of3A_688] : memref<33536xf32, #tpu.memory_space<vmem>> -> memref<2584xf32, #tpu.memory_space<vmem>>
      %dma_start3A_694 = tpu.memref_slice %arg2[%multiple_of3A] : memref<8386560xf32, #tpu.memory_space<hbm>> -> memref<2584xf32, #tpu.memory_space<hbm>>
      tpu.enqueue_dma source(%dma_start3A_694 : memref<2584xf32, #tpu.memory_space<hbm>>) target(%dma_start3A_693 : memref<2584xf32, #tpu.memory_space<vmem>>) target_semaphore(%dma_start3A_692 : memref<!tpu.dma_semaphore, #tpu.memory_space<semaphore_mem>>)
    } else {
    }
    %eq3A_202 = arith.constant 10 : i32
    %eq3A_203 = arith.cmpi eq, %shift_right_arithmetic3A_151, %eq3A_202 : i32
    %convert_element_type3A_204 = arith.extui %eq3A_203 : i1 to i32
    %cond3A_205 = arith.constant 0 : i32
    %cond3A_206 = arith.cmpi ne, %convert_element_type3A_204, %cond3A_205 : i32
    scf.if %cond3A_206 {
      %min3A = arith.constant 8383720 : i32
      %min3A_681 = arith.minsi %shift_left3A_149, %min3A : i32
      %multiple_of3A = tpu.assume_multiple %min3A_681, 8 : i32
      %sub3A_682 = arith.subi %select_n3A, %multiple_of3A : i32
      %mul3A_683 = arith.constant 4192 : i32
      %mul3A_684 = arith.muli %rem3A_154, %mul3A_683 : i32
      %add3A_685 = arith.constant 48 : i32
      %add3A_686 = arith.addi %mul3A_684, %add3A_685 : i32
      %sub3A_687 = arith.subi %add3A_686, %sub3A_682 : i32
      %multiple_of3A_688 = tpu.assume_multiple %sub3A_687, 8 : i32
      %dma_start3A_689 = tpu.memref_slice %arg6[%multiple_of3A_688] : memref<33536xf32, #tpu.memory_space<vmem>> -> memref<2840xf32, #tpu.memory_space<vmem>>
      %dma_start3A_690 = tpu.memref_slice %arg2[%multiple_of3A] : memref<8386560xf32, #tpu.memory_space<hbm>> -> memref<2840xf32, #tpu.memory_space<hbm>>
      %dma_start3A_691 = tpu.memref_slice %arg8[%rem3A_154] : memref<8x!tpu.dma_semaphore, #tpu.memory_space<semaphore_mem>> -> memref<1x!tpu.dma_semaphore, #tpu.memory_space<semaphore_mem>>
      %dma_start3A_692 = tpu.memref_squeeze %dma_start3A_691 : memref<1x!tpu.dma_semaphore, #tpu.memory_space<semaphore_mem>> -> memref<!tpu.dma_semaphore, #tpu.memory_space<semaphore_mem>>
      %dma_start3A_693 = tpu.memref_slice %arg6[%multiple_of3A_688] : memref<33536xf32, #tpu.memory_space<vmem>> -> memref<2840xf32, #tpu.memory_space<vmem>>
      %dma_start3A_694 = tpu.memref_slice %arg2[%multiple_of3A] : memref<8386560xf32, #tpu.memory_space<hbm>> -> memref<2840xf32, #tpu.memory_space<hbm>>
      tpu.enqueue_dma source(%dma_start3A_694 : memref<2840xf32, #tpu.memory_space<hbm>>) target(%dma_start3A_693 : memref<2840xf32, #tpu.memory_space<vmem>>) target_semaphore(%dma_start3A_692 : memref<!tpu.dma_semaphore, #tpu.memory_space<semaphore_mem>>)
    } else {
    }
    %eq3A_207 = arith.constant 11 : i32
    %eq3A_208 = arith.cmpi eq, %shift_right_arithmetic3A_151, %eq3A_207 : i32
    %convert_element_type3A_209 = arith.extui %eq3A_208 : i1 to i32
    %cond3A_210 = arith.constant 0 : i32
    %cond3A_211 = arith.cmpi ne, %convert_element_type3A_209, %cond3A_210 : i32
    scf.if %cond3A_211 {
      %min3A = arith.constant 8383464 : i32
      %min3A_681 = arith.minsi %shift_left3A_149, %min3A : i32
      %multiple_of3A = tpu.assume_multiple %min3A_681, 8 : i32
      %sub3A_682 = arith.subi %select_n3A, %multiple_of3A : i32
      %mul3A_683 = arith.constant 4192 : i32
      %mul3A_684 = arith.muli %rem3A_154, %mul3A_683 : i32
      %add3A_685 = arith.constant 48 : i32
      %add3A_686 = arith.addi %mul3A_684, %add3A_685 : i32
      %sub3A_687 = arith.subi %add3A_686, %sub3A_682 : i32
      %multiple_of3A_688 = tpu.assume_multiple %sub3A_687, 8 : i32
      %dma_start3A_689 = tpu.memref_slice %arg6[%multiple_of3A_688] : memref<33536xf32, #tpu.memory_space<vmem>> -> memref<3096xf32, #tpu.memory_space<vmem>>
      %dma_start3A_690 = tpu.memref_slice %arg2[%multiple_of3A] : memref<8386560xf32, #tpu.memory_space<hbm>> -> memref<3096xf32, #tpu.memory_space<hbm>>
      %dma_start3A_691 = tpu.memref_slice %arg8[%rem3A_154] : memref<8x!tpu.dma_semaphore, #tpu.memory_space<semaphore_mem>> -> memref<1x!tpu.dma_semaphore, #tpu.memory_space<semaphore_mem>>
      %dma_start3A_692 = tpu.memref_squeeze %dma_start3A_691 : memref<1x!tpu.dma_semaphore, #tpu.memory_space<semaphore_mem>> -> memref<!tpu.dma_semaphore, #tpu.memory_space<semaphore_mem>>
      %dma_start3A_693 = tpu.memref_slice %arg6[%multiple_of3A_688] : memref<33536xf32, #tpu.memory_space<vmem>> -> memref<3096xf32, #tpu.memory_space<vmem>>
      %dma_start3A_694 = tpu.memref_slice %arg2[%multiple_of3A] : memref<8386560xf32, #tpu.memory_space<hbm>> -> memref<3096xf32, #tpu.memory_space<hbm>>
      tpu.enqueue_dma source(%dma_start3A_694 : memref<3096xf32, #tpu.memory_space<hbm>>) target(%dma_start3A_693 : memref<3096xf32, #tpu.memory_space<vmem>>) target_semaphore(%dma_start3A_692 : memref<!tpu.dma_semaphore, #tpu.memory_space<semaphore_mem>>)
    } else {
    }
    %eq3A_212 = arith.constant 12 : i32
    %eq3A_213 = arith.cmpi eq, %shift_right_arithmetic3A_151, %eq3A_212 : i32
    %convert_element_type3A_214 = arith.extui %eq3A_213 : i1 to i32
    %cond3A_215 = arith.constant 0 : i32
    %cond3A_216 = arith.cmpi ne, %convert_element_type3A_214, %cond3A_215 : i32
    scf.if %cond3A_216 {
      %min3A = arith.constant 8383208 : i32
      %min3A_681 = arith.minsi %shift_left3A_149, %min3A : i32
      %multiple_of3A = tpu.assume_multiple %min3A_681, 8 : i32
      %sub3A_682 = arith.subi %select_n3A, %multiple_of3A : i32
      %mul3A_683 = arith.constant 4192 : i32
      %mul3A_684 = arith.muli %rem3A_154, %mul3A_683 : i32
      %add3A_685 = arith.constant 48 : i32
      %add3A_686 = arith.addi %mul3A_684, %add3A_685 : i32
      %sub3A_687 = arith.subi %add3A_686, %sub3A_682 : i32
      %multiple_of3A_688 = tpu.assume_multiple %sub3A_687, 8 : i32
      %dma_start3A_689 = tpu.memref_slice %arg6[%multiple_of3A_688] : memref<33536xf32, #tpu.memory_space<vmem>> -> memref<3352xf32, #tpu.memory_space<vmem>>
      %dma_start3A_690 = tpu.memref_slice %arg2[%multiple_of3A] : memref<8386560xf32, #tpu.memory_space<hbm>> -> memref<3352xf32, #tpu.memory_space<hbm>>
      %dma_start3A_691 = tpu.memref_slice %arg8[%rem3A_154] : memref<8x!tpu.dma_semaphore, #tpu.memory_space<semaphore_mem>> -> memref<1x!tpu.dma_semaphore, #tpu.memory_space<semaphore_mem>>
      %dma_start3A_692 = tpu.memref_squeeze %dma_start3A_691 : memref<1x!tpu.dma_semaphore, #tpu.memory_space<semaphore_mem>> -> memref<!tpu.dma_semaphore, #tpu.memory_space<semaphore_mem>>
      %dma_start3A_693 = tpu.memref_slice %arg6[%multiple_of3A_688] : memref<33536xf32, #tpu.memory_space<vmem>> -> memref<3352xf32, #tpu.memory_space<vmem>>
      %dma_start3A_694 = tpu.memref_slice %arg2[%multiple_of3A] : memref<8386560xf32, #tpu.memory_space<hbm>> -> memref<3352xf32, #tpu.memory_space<hbm>>
      tpu.enqueue_dma source(%dma_start3A_694 : memref<3352xf32, #tpu.memory_space<hbm>>) target(%dma_start3A_693 : memref<3352xf32, #tpu.memory_space<vmem>>) target_semaphore(%dma_start3A_692 : memref<!tpu.dma_semaphore, #tpu.memory_space<semaphore_mem>>)
    } else {
    }
    %eq3A_217 = arith.constant 13 : i32
    %eq3A_218 = arith.cmpi eq, %shift_right_arithmetic3A_151, %eq3A_217 : i32
    %convert_element_type3A_219 = arith.extui %eq3A_218 : i1 to i32
    %cond3A_220 = arith.constant 0 : i32
    %cond3A_221 = arith.cmpi ne, %convert_element_type3A_219, %cond3A_220 : i32
    scf.if %cond3A_221 {
      %min3A = arith.constant 8382952 : i32
      %min3A_681 = arith.minsi %shift_left3A_149, %min3A : i32
      %multiple_of3A = tpu.assume_multiple %min3A_681, 8 : i32
      %sub3A_682 = arith.subi %select_n3A, %multiple_of3A : i32
      %mul3A_683 = arith.constant 4192 : i32
      %mul3A_684 = arith.muli %rem3A_154, %mul3A_683 : i32
      %add3A_685 = arith.constant 48 : i32
      %add3A_686 = arith.addi %mul3A_684, %add3A_685 : i32
      %sub3A_687 = arith.subi %add3A_686, %sub3A_682 : i32
      %multiple_of3A_688 = tpu.assume_multiple %sub3A_687, 8 : i32
      %dma_start3A_689 = tpu.memref_slice %arg6[%multiple_of3A_688] : memref<33536xf32, #tpu.memory_space<vmem>> -> memref<3608xf32, #tpu.memory_space<vmem>>
      %dma_start3A_690 = tpu.memref_slice %arg2[%multiple_of3A] : memref<8386560xf32, #tpu.memory_space<hbm>> -> memref<3608xf32, #tpu.memory_space<hbm>>
      %dma_start3A_691 = tpu.memref_slice %arg8[%rem3A_154] : memref<8x!tpu.dma_semaphore, #tpu.memory_space<semaphore_mem>> -> memref<1x!tpu.dma_semaphore, #tpu.memory_space<semaphore_mem>>
      %dma_start3A_692 = tpu.memref_squeeze %dma_start3A_691 : memref<1x!tpu.dma_semaphore, #tpu.memory_space<semaphore_mem>> -> memref<!tpu.dma_semaphore, #tpu.memory_space<semaphore_mem>>
      %dma_start3A_693 = tpu.memref_slice %arg6[%multiple_of3A_688] : memref<33536xf32, #tpu.memory_space<vmem>> -> memref<3608xf32, #tpu.memory_space<vmem>>
      %dma_start3A_694 = tpu.memref_slice %arg2[%multiple_of3A] : memref<8386560xf32, #tpu.memory_space<hbm>> -> memref<3608xf32, #tpu.memory_space<hbm>>
      tpu.enqueue_dma source(%dma_start3A_694 : memref<3608xf32, #tpu.memory_space<hbm>>) target(%dma_start3A_693 : memref<3608xf32, #tpu.memory_space<vmem>>) target_semaphore(%dma_start3A_692 : memref<!tpu.dma_semaphore, #tpu.memory_space<semaphore_mem>>)
    } else {
    }
    %eq3A_222 = arith.constant 14 : i32
    %eq3A_223 = arith.cmpi eq, %shift_right_arithmetic3A_151, %eq3A_222 : i32
    %convert_element_type3A_224 = arith.extui %eq3A_223 : i1 to i32
    %cond3A_225 = arith.constant 0 : i32
    %cond3A_226 = arith.cmpi ne, %convert_element_type3A_224, %cond3A_225 : i32
    scf.if %cond3A_226 {
      %min3A = arith.constant 8382696 : i32
      %min3A_681 = arith.minsi %shift_left3A_149, %min3A : i32
      %multiple_of3A = tpu.assume_multiple %min3A_681, 8 : i32
      %sub3A_682 = arith.subi %select_n3A, %multiple_of3A : i32
      %mul3A_683 = arith.constant 4192 : i32
      %mul3A_684 = arith.muli %rem3A_154, %mul3A_683 : i32
      %add3A_685 = arith.constant 48 : i32
      %add3A_686 = arith.addi %mul3A_684, %add3A_685 : i32
      %sub3A_687 = arith.subi %add3A_686, %sub3A_682 : i32
      %multiple_of3A_688 = tpu.assume_multiple %sub3A_687, 8 : i32
      %dma_start3A_689 = tpu.memref_slice %arg6[%multiple_of3A_688] : memref<33536xf32, #tpu.memory_space<vmem>> -> memref<3864xf32, #tpu.memory_space<vmem>>
      %dma_start3A_690 = tpu.memref_slice %arg2[%multiple_of3A] : memref<8386560xf32, #tpu.memory_space<hbm>> -> memref<3864xf32, #tpu.memory_space<hbm>>
      %dma_start3A_691 = tpu.memref_slice %arg8[%rem3A_154] : memref<8x!tpu.dma_semaphore, #tpu.memory_space<semaphore_mem>> -> memref<1x!tpu.dma_semaphore, #tpu.memory_space<semaphore_mem>>
      %dma_start3A_692 = tpu.memref_squeeze %dma_start3A_691 : memref<1x!tpu.dma_semaphore, #tpu.memory_space<semaphore_mem>> -> memref<!tpu.dma_semaphore, #tpu.memory_space<semaphore_mem>>
      %dma_start3A_693 = tpu.memref_slice %arg6[%multiple_of3A_688] : memref<33536xf32, #tpu.memory_space<vmem>> -> memref<3864xf32, #tpu.memory_space<vmem>>
      %dma_start3A_694 = tpu.memref_slice %arg2[%multiple_of3A] : memref<8386560xf32, #tpu.memory_space<hbm>> -> memref<3864xf32, #tpu.memory_space<hbm>>
      tpu.enqueue_dma source(%dma_start3A_694 : memref<3864xf32, #tpu.memory_space<hbm>>) target(%dma_start3A_693 : memref<3864xf32, #tpu.memory_space<vmem>>) target_semaphore(%dma_start3A_692 : memref<!tpu.dma_semaphore, #tpu.memory_space<semaphore_mem>>)
    } else {
    }
    %eq3A_227 = arith.constant 15 : i32
    %eq3A_228 = arith.cmpi eq, %shift_right_arithmetic3A_151, %eq3A_227 : i32
    %convert_element_type3A_229 = arith.extui %eq3A_228 : i1 to i32
    %cond3A_230 = arith.constant 0 : i32
    %cond3A_231 = arith.cmpi ne, %convert_element_type3A_229, %cond3A_230 : i32
    scf.if %cond3A_231 {
      %min3A = arith.constant 8382440 : i32
      %min3A_681 = arith.minsi %shift_left3A_149, %min3A : i32
      %multiple_of3A = tpu.assume_multiple %min3A_681, 8 : i32
      %sub3A_682 = arith.subi %select_n3A, %multiple_of3A : i32
      %mul3A_683 = arith.constant 4192 : i32
      %mul3A_684 = arith.muli %rem3A_154, %mul3A_683 : i32
      %add3A_685 = arith.constant 48 : i32
      %add3A_686 = arith.addi %mul3A_684, %add3A_685 : i32
      %sub3A_687 = arith.subi %add3A_686, %sub3A_682 : i32
      %multiple_of3A_688 = tpu.assume_multiple %sub3A_687, 8 : i32
      %dma_start3A_689 = tpu.memref_slice %arg6[%multiple_of3A_688] : memref<33536xf32, #tpu.memory_space<vmem>> -> memref<4120xf32, #tpu.memory_space<vmem>>
      %dma_start3A_690 = tpu.memref_slice %arg2[%multiple_of3A] : memref<8386560xf32, #tpu.memory_space<hbm>> -> memref<4120xf32, #tpu.memory_space<hbm>>
      %dma_start3A_691 = tpu.memref_slice %arg8[%rem3A_154] : memref<8x!tpu.dma_semaphore, #tpu.memory_space<semaphore_mem>> -> memref<1x!tpu.dma_semaphore, #tpu.memory_space<semaphore_mem>>
      %dma_start3A_692 = tpu.memref_squeeze %dma_start3A_691 : memref<1x!tpu.dma_semaphore, #tpu.memory_space<semaphore_mem>> -> memref<!tpu.dma_semaphore, #tpu.memory_space<semaphore_mem>>
      %dma_start3A_693 = tpu.memref_slice %arg6[%multiple_of3A_688] : memref<33536xf32, #tpu.memory_space<vmem>> -> memref<4120xf32, #tpu.memory_space<vmem>>
      %dma_start3A_694 = tpu.memref_slice %arg2[%multiple_of3A] : memref<8386560xf32, #tpu.memory_space<hbm>> -> memref<4120xf32, #tpu.memory_space<hbm>>
      tpu.enqueue_dma source(%dma_start3A_694 : memref<4120xf32, #tpu.memory_space<hbm>>) target(%dma_start3A_693 : memref<4120xf32, #tpu.memory_space<vmem>>) target_semaphore(%dma_start3A_692 : memref<!tpu.dma_semaphore, #tpu.memory_space<semaphore_mem>>)
    } else {
    }
    %add3A_232 = arith.constant 32 : i32
    %add3A_233 = arith.addi %add3A, %add3A_232 : i32
    %sub3A_234 = arith.constant 1 : i32
    %sub3A_235 = arith.subi %add3A_233, %sub3A_234 : i32
    %mul3A_236 = arith.muli %add3A_233, %sub3A_235 : i32
    %jit3A_237 = arith.constant 2 : i32
    %div3A_238 = arith.divsi %mul3A_236, %jit3A_237 : i32
    %sign3A_239 = arith.constant 0 : i32
    %sign3A_240 = arith.cmpi sgt, %mul3A_236, %sign3A_239 : i32
    %sign3A_241 = arith.extui %sign3A_240 : i1 to i32
    %sign3A_242 = arith.constant 0 : i32
    %sign3A_243 = arith.cmpi slt, %mul3A_236, %sign3A_242 : i32
    %sign3A_244 = arith.extui %sign3A_243 : i1 to i32
    %sign3A_245 = arith.subi %sign3A_241, %sign3A_244 : i32
    %sign3A_246 = arith.constant 0 : i32
    %sign3A_247 = arith.cmpi sgt, %jit3A_237, %sign3A_246 : i32
    %sign3A_248 = arith.extui %sign3A_247 : i1 to i32
    %sign3A_249 = arith.constant 0 : i32
    %sign3A_250 = arith.cmpi slt, %jit3A_237, %sign3A_249 : i32
    %sign3A_251 = arith.extui %sign3A_250 : i1 to i32
    %sign3A_252 = arith.subi %sign3A_248, %sign3A_251 : i32
    %ne3A_253 = arith.cmpi ne, %sign3A_245, %sign3A_252 : i32
    %rem3A_254 = arith.remsi %mul3A_236, %jit3A_237 : i32
    %ne3A_255 = arith.constant 0 : i32
    %ne3A_256 = arith.cmpi ne, %rem3A_254, %ne3A_255 : i32
    %and3A_257 = arith.andi %ne3A_253, %ne3A_256 : i1
    %sub3A_258 = arith.constant 1 : i32
    %sub3A_259 = arith.subi %div3A_238, %sub3A_258 : i32
    %select_n3A_260 = arith.select %and3A_257, %sub3A_259, %div3A_238 : i32
    %shift_right_arithmetic3A_261 = arith.constant 3 : i32
    %shift_right_arithmetic3A_262 = arith.shrsi %select_n3A_260, %shift_right_arithmetic3A_261 : i32
    %shift_left3A_263 = arith.constant 3 : i32
    %shift_left3A_264 = arith.shli %shift_right_arithmetic3A_262, %shift_left3A_263 : i32
    %shift_right_arithmetic3A_265 = arith.constant 8 : i32
    %shift_right_arithmetic3A_266 = arith.shrsi %add3A_233, %shift_right_arithmetic3A_265 : i32
    %rem3A_267 = arith.constant 1 : i32
    %rem3A_268 = arith.constant 8 : i32
    %rem3A_269 = arith.remsi %rem3A_267, %rem3A_268 : i32
    %eq3A_270 = arith.constant 0 : i32
    %eq3A_271 = arith.cmpi eq, %shift_right_arithmetic3A_266, %eq3A_270 : i32
    %convert_element_type3A_272 = arith.extui %eq3A_271 : i1 to i32
    %cond3A_273 = arith.constant 0 : i32
    %cond3A_274 = arith.cmpi ne, %convert_element_type3A_272, %cond3A_273 : i32
    scf.if %cond3A_274 {
      %min3A = arith.constant 8386280 : i32
      %min3A_681 = arith.minsi %shift_left3A_264, %min3A : i32
      %multiple_of3A = tpu.assume_multiple %min3A_681, 8 : i32
      %sub3A_682 = arith.subi %select_n3A_260, %multiple_of3A : i32
      %mul3A_683 = arith.constant 4192 : i32
      %mul3A_684 = arith.muli %rem3A_269, %mul3A_683 : i32
      %add3A_685 = arith.constant 48 : i32
      %add3A_686 = arith.addi %mul3A_684, %add3A_685 : i32
      %sub3A_687 = arith.subi %add3A_686, %sub3A_682 : i32
      %multiple_of3A_688 = tpu.assume_multiple %sub3A_687, 8 : i32
      %dma_start3A_689 = tpu.memref_slice %arg6[%multiple_of3A_688] : memref<33536xf32, #tpu.memory_space<vmem>> -> memref<280xf32, #tpu.memory_space<vmem>>
      %dma_start3A_690 = tpu.memref_slice %arg2[%multiple_of3A] : memref<8386560xf32, #tpu.memory_space<hbm>> -> memref<280xf32, #tpu.memory_space<hbm>>
      %dma_start3A_691 = tpu.memref_slice %arg8[%rem3A_269] : memref<8x!tpu.dma_semaphore, #tpu.memory_space<semaphore_mem>> -> memref<1x!tpu.dma_semaphore, #tpu.memory_space<semaphore_mem>>
      %dma_start3A_692 = tpu.memref_squeeze %dma_start3A_691 : memref<1x!tpu.dma_semaphore, #tpu.memory_space<semaphore_mem>> -> memref<!tpu.dma_semaphore, #tpu.memory_space<semaphore_mem>>
      %dma_start3A_693 = tpu.memref_slice %arg6[%multiple_of3A_688] : memref<33536xf32, #tpu.memory_space<vmem>> -> memref<280xf32, #tpu.memory_space<vmem>>
      %dma_start3A_694 = tpu.memref_slice %arg2[%multiple_of3A] : memref<8386560xf32, #tpu.memory_space<hbm>> -> memref<280xf32, #tpu.memory_space<hbm>>
      tpu.enqueue_dma source(%dma_start3A_694 : memref<280xf32, #tpu.memory_space<hbm>>) target(%dma_start3A_693 : memref<280xf32, #tpu.memory_space<vmem>>) target_semaphore(%dma_start3A_692 : memref<!tpu.dma_semaphore, #tpu.memory_space<semaphore_mem>>)
    } else {
    }
    %eq3A_275 = arith.constant 1 : i32
    %eq3A_276 = arith.cmpi eq, %shift_right_arithmetic3A_266, %eq3A_275 : i32
    %convert_element_type3A_277 = arith.extui %eq3A_276 : i1 to i32
    %cond3A_278 = arith.constant 0 : i32
    %cond3A_279 = arith.cmpi ne, %convert_element_type3A_277, %cond3A_278 : i32
    scf.if %cond3A_279 {
      %min3A = arith.constant 8386024 : i32
      %min3A_681 = arith.minsi %shift_left3A_264, %min3A : i32
      %multiple_of3A = tpu.assume_multiple %min3A_681, 8 : i32
      %sub3A_682 = arith.subi %select_n3A_260, %multiple_of3A : i32
      %mul3A_683 = arith.constant 4192 : i32
      %mul3A_684 = arith.muli %rem3A_269, %mul3A_683 : i32
      %add3A_685 = arith.constant 48 : i32
      %add3A_686 = arith.addi %mul3A_684, %add3A_685 : i32
      %sub3A_687 = arith.subi %add3A_686, %sub3A_682 : i32
      %multiple_of3A_688 = tpu.assume_multiple %sub3A_687, 8 : i32
      %dma_start3A_689 = tpu.memref_slice %arg6[%multiple_of3A_688] : memref<33536xf32, #tpu.memory_space<vmem>> -> memref<536xf32, #tpu.memory_space<vmem>>
      %dma_start3A_690 = tpu.memref_slice %arg2[%multiple_of3A] : memref<8386560xf32, #tpu.memory_space<hbm>> -> memref<536xf32, #tpu.memory_space<hbm>>
      %dma_start3A_691 = tpu.memref_slice %arg8[%rem3A_269] : memref<8x!tpu.dma_semaphore, #tpu.memory_space<semaphore_mem>> -> memref<1x!tpu.dma_semaphore, #tpu.memory_space<semaphore_mem>>
      %dma_start3A_692 = tpu.memref_squeeze %dma_start3A_691 : memref<1x!tpu.dma_semaphore, #tpu.memory_space<semaphore_mem>> -> memref<!tpu.dma_semaphore, #tpu.memory_space<semaphore_mem>>
      %dma_start3A_693 = tpu.memref_slice %arg6[%multiple_of3A_688] : memref<33536xf32, #tpu.memory_space<vmem>> -> memref<536xf32, #tpu.memory_space<vmem>>
      %dma_start3A_694 = tpu.memref_slice %arg2[%multiple_of3A] : memref<8386560xf32, #tpu.memory_space<hbm>> -> memref<536xf32, #tpu.memory_space<hbm>>
      tpu.enqueue_dma source(%dma_start3A_694 : memref<536xf32, #tpu.memory_space<hbm>>) target(%dma_start3A_693 : memref<536xf32, #tpu.memory_space<vmem>>) target_semaphore(%dma_start3A_692 : memref<!tpu.dma_semaphore, #tpu.memory_space<semaphore_mem>>)
    } else {
    }
    %eq3A_280 = arith.constant 2 : i32
    %eq3A_281 = arith.cmpi eq, %shift_right_arithmetic3A_266, %eq3A_280 : i32
    %convert_element_type3A_282 = arith.extui %eq3A_281 : i1 to i32
    %cond3A_283 = arith.constant 0 : i32
    %cond3A_284 = arith.cmpi ne, %convert_element_type3A_282, %cond3A_283 : i32
    scf.if %cond3A_284 {
      %min3A = arith.constant 8385768 : i32
      %min3A_681 = arith.minsi %shift_left3A_264, %min3A : i32
      %multiple_of3A = tpu.assume_multiple %min3A_681, 8 : i32
      %sub3A_682 = arith.subi %select_n3A_260, %multiple_of3A : i32
      %mul3A_683 = arith.constant 4192 : i32
      %mul3A_684 = arith.muli %rem3A_269, %mul3A_683 : i32
      %add3A_685 = arith.constant 48 : i32
      %add3A_686 = arith.addi %mul3A_684, %add3A_685 : i32
      %sub3A_687 = arith.subi %add3A_686, %sub3A_682 : i32
      %multiple_of3A_688 = tpu.assume_multiple %sub3A_687, 8 : i32
      %dma_start3A_689 = tpu.memref_slice %arg6[%multiple_of3A_688] : memref<33536xf32, #tpu.memory_space<vmem>> -> memref<792xf32, #tpu.memory_space<vmem>>
      %dma_start3A_690 = tpu.memref_slice %arg2[%multiple_of3A] : memref<8386560xf32, #tpu.memory_space<hbm>> -> memref<792xf32, #tpu.memory_space<hbm>>
      %dma_start3A_691 = tpu.memref_slice %arg8[%rem3A_269] : memref<8x!tpu.dma_semaphore, #tpu.memory_space<semaphore_mem>> -> memref<1x!tpu.dma_semaphore, #tpu.memory_space<semaphore_mem>>
      %dma_start3A_692 = tpu.memref_squeeze %dma_start3A_691 : memref<1x!tpu.dma_semaphore, #tpu.memory_space<semaphore_mem>> -> memref<!tpu.dma_semaphore, #tpu.memory_space<semaphore_mem>>
      %dma_start3A_693 = tpu.memref_slice %arg6[%multiple_of3A_688] : memref<33536xf32, #tpu.memory_space<vmem>> -> memref<792xf32, #tpu.memory_space<vmem>>
      %dma_start3A_694 = tpu.memref_slice %arg2[%multiple_of3A] : memref<8386560xf32, #tpu.memory_space<hbm>> -> memref<792xf32, #tpu.memory_space<hbm>>
      tpu.enqueue_dma source(%dma_start3A_694 : memref<792xf32, #tpu.memory_space<hbm>>) target(%dma_start3A_693 : memref<792xf32, #tpu.memory_space<vmem>>) target_semaphore(%dma_start3A_692 : memref<!tpu.dma_semaphore, #tpu.memory_space<semaphore_mem>>)
    } else {
    }
    %eq3A_285 = arith.constant 3 : i32
    %eq3A_286 = arith.cmpi eq, %shift_right_arithmetic3A_266, %eq3A_285 : i32
    %convert_element_type3A_287 = arith.extui %eq3A_286 : i1 to i32
    %cond3A_288 = arith.constant 0 : i32
    %cond3A_289 = arith.cmpi ne, %convert_element_type3A_287, %cond3A_288 : i32
    scf.if %cond3A_289 {
      %min3A = arith.constant 8385512 : i32
      %min3A_681 = arith.minsi %shift_left3A_264, %min3A : i32
      %multiple_of3A = tpu.assume_multiple %min3A_681, 8 : i32
      %sub3A_682 = arith.subi %select_n3A_260, %multiple_of3A : i32
      %mul3A_683 = arith.constant 4192 : i32
      %mul3A_684 = arith.muli %rem3A_269, %mul3A_683 : i32
      %add3A_685 = arith.constant 48 : i32
      %add3A_686 = arith.addi %mul3A_684, %add3A_685 : i32
      %sub3A_687 = arith.subi %add3A_686, %sub3A_682 : i32
      %multiple_of3A_688 = tpu.assume_multiple %sub3A_687, 8 : i32
      %dma_start3A_689 = tpu.memref_slice %arg6[%multiple_of3A_688] : memref<33536xf32, #tpu.memory_space<vmem>> -> memref<1048xf32, #tpu.memory_space<vmem>>
      %dma_start3A_690 = tpu.memref_slice %arg2[%multiple_of3A] : memref<8386560xf32, #tpu.memory_space<hbm>> -> memref<1048xf32, #tpu.memory_space<hbm>>
      %dma_start3A_691 = tpu.memref_slice %arg8[%rem3A_269] : memref<8x!tpu.dma_semaphore, #tpu.memory_space<semaphore_mem>> -> memref<1x!tpu.dma_semaphore, #tpu.memory_space<semaphore_mem>>
      %dma_start3A_692 = tpu.memref_squeeze %dma_start3A_691 : memref<1x!tpu.dma_semaphore, #tpu.memory_space<semaphore_mem>> -> memref<!tpu.dma_semaphore, #tpu.memory_space<semaphore_mem>>
      %dma_start3A_693 = tpu.memref_slice %arg6[%multiple_of3A_688] : memref<33536xf32, #tpu.memory_space<vmem>> -> memref<1048xf32, #tpu.memory_space<vmem>>
      %dma_start3A_694 = tpu.memref_slice %arg2[%multiple_of3A] : memref<8386560xf32, #tpu.memory_space<hbm>> -> memref<1048xf32, #tpu.memory_space<hbm>>
      tpu.enqueue_dma source(%dma_start3A_694 : memref<1048xf32, #tpu.memory_space<hbm>>) target(%dma_start3A_693 : memref<1048xf32, #tpu.memory_space<vmem>>) target_semaphore(%dma_start3A_692 : memref<!tpu.dma_semaphore, #tpu.memory_space<semaphore_mem>>)
    } else {
    }
    %eq3A_290 = arith.constant 4 : i32
    %eq3A_291 = arith.cmpi eq, %shift_right_arithmetic3A_266, %eq3A_290 : i32
    %convert_element_type3A_292 = arith.extui %eq3A_291 : i1 to i32
    %cond3A_293 = arith.constant 0 : i32
    %cond3A_294 = arith.cmpi ne, %convert_element_type3A_292, %cond3A_293 : i32
    scf.if %cond3A_294 {
      %min3A = arith.constant 8385256 : i32
      %min3A_681 = arith.minsi %shift_left3A_264, %min3A : i32
      %multiple_of3A = tpu.assume_multiple %min3A_681, 8 : i32
      %sub3A_682 = arith.subi %select_n3A_260, %multiple_of3A : i32
      %mul3A_683 = arith.constant 4192 : i32
      %mul3A_684 = arith.muli %rem3A_269, %mul3A_683 : i32
      %add3A_685 = arith.constant 48 : i32
      %add3A_686 = arith.addi %mul3A_684, %add3A_685 : i32
      %sub3A_687 = arith.subi %add3A_686, %sub3A_682 : i32
      %multiple_of3A_688 = tpu.assume_multiple %sub3A_687, 8 : i32
      %dma_start3A_689 = tpu.memref_slice %arg6[%multiple_of3A_688] : memref<33536xf32, #tpu.memory_space<vmem>> -> memref<1304xf32, #tpu.memory_space<vmem>>
      %dma_start3A_690 = tpu.memref_slice %arg2[%multiple_of3A] : memref<8386560xf32, #tpu.memory_space<hbm>> -> memref<1304xf32, #tpu.memory_space<hbm>>
      %dma_start3A_691 = tpu.memref_slice %arg8[%rem3A_269] : memref<8x!tpu.dma_semaphore, #tpu.memory_space<semaphore_mem>> -> memref<1x!tpu.dma_semaphore, #tpu.memory_space<semaphore_mem>>
      %dma_start3A_692 = tpu.memref_squeeze %dma_start3A_691 : memref<1x!tpu.dma_semaphore, #tpu.memory_space<semaphore_mem>> -> memref<!tpu.dma_semaphore, #tpu.memory_space<semaphore_mem>>
      %dma_start3A_693 = tpu.memref_slice %arg6[%multiple_of3A_688] : memref<33536xf32, #tpu.memory_space<vmem>> -> memref<1304xf32, #tpu.memory_space<vmem>>
      %dma_start3A_694 = tpu.memref_slice %arg2[%multiple_of3A] : memref<8386560xf32, #tpu.memory_space<hbm>> -> memref<1304xf32, #tpu.memory_space<hbm>>
      tpu.enqueue_dma source(%dma_start3A_694 : memref<1304xf32, #tpu.memory_space<hbm>>) target(%dma_start3A_693 : memref<1304xf32, #tpu.memory_space<vmem>>) target_semaphore(%dma_start3A_692 : memref<!tpu.dma_semaphore, #tpu.memory_space<semaphore_mem>>)
    } else {
    }
    %eq3A_295 = arith.constant 5 : i32
    %eq3A_296 = arith.cmpi eq, %shift_right_arithmetic3A_266, %eq3A_295 : i32
    %convert_element_type3A_297 = arith.extui %eq3A_296 : i1 to i32
    %cond3A_298 = arith.constant 0 : i32
    %cond3A_299 = arith.cmpi ne, %convert_element_type3A_297, %cond3A_298 : i32
    scf.if %cond3A_299 {
      %min3A = arith.constant 8385000 : i32
      %min3A_681 = arith.minsi %shift_left3A_264, %min3A : i32
      %multiple_of3A = tpu.assume_multiple %min3A_681, 8 : i32
      %sub3A_682 = arith.subi %select_n3A_260, %multiple_of3A : i32
      %mul3A_683 = arith.constant 4192 : i32
      %mul3A_684 = arith.muli %rem3A_269, %mul3A_683 : i32
      %add3A_685 = arith.constant 48 : i32
      %add3A_686 = arith.addi %mul3A_684, %add3A_685 : i32
      %sub3A_687 = arith.subi %add3A_686, %sub3A_682 : i32
      %multiple_of3A_688 = tpu.assume_multiple %sub3A_687, 8 : i32
      %dma_start3A_689 = tpu.memref_slice %arg6[%multiple_of3A_688] : memref<33536xf32, #tpu.memory_space<vmem>> -> memref<1560xf32, #tpu.memory_space<vmem>>
      %dma_start3A_690 = tpu.memref_slice %arg2[%multiple_of3A] : memref<8386560xf32, #tpu.memory_space<hbm>> -> memref<1560xf32, #tpu.memory_space<hbm>>
      %dma_start3A_691 = tpu.memref_slice %arg8[%rem3A_269] : memref<8x!tpu.dma_semaphore, #tpu.memory_space<semaphore_mem>> -> memref<1x!tpu.dma_semaphore, #tpu.memory_space<semaphore_mem>>
      %dma_start3A_692 = tpu.memref_squeeze %dma_start3A_691 : memref<1x!tpu.dma_semaphore, #tpu.memory_space<semaphore_mem>> -> memref<!tpu.dma_semaphore, #tpu.memory_space<semaphore_mem>>
      %dma_start3A_693 = tpu.memref_slice %arg6[%multiple_of3A_688] : memref<33536xf32, #tpu.memory_space<vmem>> -> memref<1560xf32, #tpu.memory_space<vmem>>
      %dma_start3A_694 = tpu.memref_slice %arg2[%multiple_of3A] : memref<8386560xf32, #tpu.memory_space<hbm>> -> memref<1560xf32, #tpu.memory_space<hbm>>
      tpu.enqueue_dma source(%dma_start3A_694 : memref<1560xf32, #tpu.memory_space<hbm>>) target(%dma_start3A_693 : memref<1560xf32, #tpu.memory_space<vmem>>) target_semaphore(%dma_start3A_692 : memref<!tpu.dma_semaphore, #tpu.memory_space<semaphore_mem>>)
    } else {
    }
    %eq3A_300 = arith.constant 6 : i32
    %eq3A_301 = arith.cmpi eq, %shift_right_arithmetic3A_266, %eq3A_300 : i32
    %convert_element_type3A_302 = arith.extui %eq3A_301 : i1 to i32
    %cond3A_303 = arith.constant 0 : i32
    %cond3A_304 = arith.cmpi ne, %convert_element_type3A_302, %cond3A_303 : i32
    scf.if %cond3A_304 {
      %min3A = arith.constant 8384744 : i32
      %min3A_681 = arith.minsi %shift_left3A_264, %min3A : i32
      %multiple_of3A = tpu.assume_multiple %min3A_681, 8 : i32
      %sub3A_682 = arith.subi %select_n3A_260, %multiple_of3A : i32
      %mul3A_683 = arith.constant 4192 : i32
      %mul3A_684 = arith.muli %rem3A_269, %mul3A_683 : i32
      %add3A_685 = arith.constant 48 : i32
      %add3A_686 = arith.addi %mul3A_684, %add3A_685 : i32
      %sub3A_687 = arith.subi %add3A_686, %sub3A_682 : i32
      %multiple_of3A_688 = tpu.assume_multiple %sub3A_687, 8 : i32
      %dma_start3A_689 = tpu.memref_slice %arg6[%multiple_of3A_688] : memref<33536xf32, #tpu.memory_space<vmem>> -> memref<1816xf32, #tpu.memory_space<vmem>>
      %dma_start3A_690 = tpu.memref_slice %arg2[%multiple_of3A] : memref<8386560xf32, #tpu.memory_space<hbm>> -> memref<1816xf32, #tpu.memory_space<hbm>>
      %dma_start3A_691 = tpu.memref_slice %arg8[%rem3A_269] : memref<8x!tpu.dma_semaphore, #tpu.memory_space<semaphore_mem>> -> memref<1x!tpu.dma_semaphore, #tpu.memory_space<semaphore_mem>>
      %dma_start3A_692 = tpu.memref_squeeze %dma_start3A_691 : memref<1x!tpu.dma_semaphore, #tpu.memory_space<semaphore_mem>> -> memref<!tpu.dma_semaphore, #tpu.memory_space<semaphore_mem>>
      %dma_start3A_693 = tpu.memref_slice %arg6[%multiple_of3A_688] : memref<33536xf32, #tpu.memory_space<vmem>> -> memref<1816xf32, #tpu.memory_space<vmem>>
      %dma_start3A_694 = tpu.memref_slice %arg2[%multiple_of3A] : memref<8386560xf32, #tpu.memory_space<hbm>> -> memref<1816xf32, #tpu.memory_space<hbm>>
      tpu.enqueue_dma source(%dma_start3A_694 : memref<1816xf32, #tpu.memory_space<hbm>>) target(%dma_start3A_693 : memref<1816xf32, #tpu.memory_space<vmem>>) target_semaphore(%dma_start3A_692 : memref<!tpu.dma_semaphore, #tpu.memory_space<semaphore_mem>>)
    } else {
    }
    %eq3A_305 = arith.constant 7 : i32
    %eq3A_306 = arith.cmpi eq, %shift_right_arithmetic3A_266, %eq3A_305 : i32
    %convert_element_type3A_307 = arith.extui %eq3A_306 : i1 to i32
    %cond3A_308 = arith.constant 0 : i32
    %cond3A_309 = arith.cmpi ne, %convert_element_type3A_307, %cond3A_308 : i32
    scf.if %cond3A_309 {
      %min3A = arith.constant 8384488 : i32
      %min3A_681 = arith.minsi %shift_left3A_264, %min3A : i32
      %multiple_of3A = tpu.assume_multiple %min3A_681, 8 : i32
      %sub3A_682 = arith.subi %select_n3A_260, %multiple_of3A : i32
      %mul3A_683 = arith.constant 4192 : i32
      %mul3A_684 = arith.muli %rem3A_269, %mul3A_683 : i32
      %add3A_685 = arith.constant 48 : i32
      %add3A_686 = arith.addi %mul3A_684, %add3A_685 : i32
      %sub3A_687 = arith.subi %add3A_686, %sub3A_682 : i32
      %multiple_of3A_688 = tpu.assume_multiple %sub3A_687, 8 : i32
      %dma_start3A_689 = tpu.memref_slice %arg6[%multiple_of3A_688] : memref<33536xf32, #tpu.memory_space<vmem>> -> memref<2072xf32, #tpu.memory_space<vmem>>
      %dma_start3A_690 = tpu.memref_slice %arg2[%multiple_of3A] : memref<8386560xf32, #tpu.memory_space<hbm>> -> memref<2072xf32, #tpu.memory_space<hbm>>
      %dma_start3A_691 = tpu.memref_slice %arg8[%rem3A_269] : memref<8x!tpu.dma_semaphore, #tpu.memory_space<semaphore_mem>> -> memref<1x!tpu.dma_semaphore, #tpu.memory_space<semaphore_mem>>
      %dma_start3A_692 = tpu.memref_squeeze %dma_start3A_691 : memref<1x!tpu.dma_semaphore, #tpu.memory_space<semaphore_mem>> -> memref<!tpu.dma_semaphore, #tpu.memory_space<semaphore_mem>>
      %dma_start3A_693 = tpu.memref_slice %arg6[%multiple_of3A_688] : memref<33536xf32, #tpu.memory_space<vmem>> -> memref<2072xf32, #tpu.memory_space<vmem>>
      %dma_start3A_694 = tpu.memref_slice %arg2[%multiple_of3A] : memref<8386560xf32, #tpu.memory_space<hbm>> -> memref<2072xf32, #tpu.memory_space<hbm>>
      tpu.enqueue_dma source(%dma_start3A_694 : memref<2072xf32, #tpu.memory_space<hbm>>) target(%dma_start3A_693 : memref<2072xf32, #tpu.memory_space<vmem>>) target_semaphore(%dma_start3A_692 : memref<!tpu.dma_semaphore, #tpu.memory_space<semaphore_mem>>)
    } else {
    }
    %eq3A_310 = arith.constant 8 : i32
    %eq3A_311 = arith.cmpi eq, %shift_right_arithmetic3A_266, %eq3A_310 : i32
    %convert_element_type3A_312 = arith.extui %eq3A_311 : i1 to i32
    %cond3A_313 = arith.constant 0 : i32
    %cond3A_314 = arith.cmpi ne, %convert_element_type3A_312, %cond3A_313 : i32
    scf.if %cond3A_314 {
      %min3A = arith.constant 8384232 : i32
      %min3A_681 = arith.minsi %shift_left3A_264, %min3A : i32
      %multiple_of3A = tpu.assume_multiple %min3A_681, 8 : i32
      %sub3A_682 = arith.subi %select_n3A_260, %multiple_of3A : i32
      %mul3A_683 = arith.constant 4192 : i32
      %mul3A_684 = arith.muli %rem3A_269, %mul3A_683 : i32
      %add3A_685 = arith.constant 48 : i32
      %add3A_686 = arith.addi %mul3A_684, %add3A_685 : i32
      %sub3A_687 = arith.subi %add3A_686, %sub3A_682 : i32
      %multiple_of3A_688 = tpu.assume_multiple %sub3A_687, 8 : i32
      %dma_start3A_689 = tpu.memref_slice %arg6[%multiple_of3A_688] : memref<33536xf32, #tpu.memory_space<vmem>> -> memref<2328xf32, #tpu.memory_space<vmem>>
      %dma_start3A_690 = tpu.memref_slice %arg2[%multiple_of3A] : memref<8386560xf32, #tpu.memory_space<hbm>> -> memref<2328xf32, #tpu.memory_space<hbm>>
      %dma_start3A_691 = tpu.memref_slice %arg8[%rem3A_269] : memref<8x!tpu.dma_semaphore, #tpu.memory_space<semaphore_mem>> -> memref<1x!tpu.dma_semaphore, #tpu.memory_space<semaphore_mem>>
      %dma_start3A_692 = tpu.memref_squeeze %dma_start3A_691 : memref<1x!tpu.dma_semaphore, #tpu.memory_space<semaphore_mem>> -> memref<!tpu.dma_semaphore, #tpu.memory_space<semaphore_mem>>
      %dma_start3A_693 = tpu.memref_slice %arg6[%multiple_of3A_688] : memref<33536xf32, #tpu.memory_space<vmem>> -> memref<2328xf32, #tpu.memory_space<vmem>>
      %dma_start3A_694 = tpu.memref_slice %arg2[%multiple_of3A] : memref<8386560xf32, #tpu.memory_space<hbm>> -> memref<2328xf32, #tpu.memory_space<hbm>>
      tpu.enqueue_dma source(%dma_start3A_694 : memref<2328xf32, #tpu.memory_space<hbm>>) target(%dma_start3A_693 : memref<2328xf32, #tpu.memory_space<vmem>>) target_semaphore(%dma_start3A_692 : memref<!tpu.dma_semaphore, #tpu.memory_space<semaphore_mem>>)
    } else {
    }
    %eq3A_315 = arith.constant 9 : i32
    %eq3A_316 = arith.cmpi eq, %shift_right_arithmetic3A_266, %eq3A_315 : i32
    %convert_element_type3A_317 = arith.extui %eq3A_316 : i1 to i32
    %cond3A_318 = arith.constant 0 : i32
    %cond3A_319 = arith.cmpi ne, %convert_element_type3A_317, %cond3A_318 : i32
    scf.if %cond3A_319 {
      %min3A = arith.constant 8383976 : i32
      %min3A_681 = arith.minsi %shift_left3A_264, %min3A : i32
      %multiple_of3A = tpu.assume_multiple %min3A_681, 8 : i32
      %sub3A_682 = arith.subi %select_n3A_260, %multiple_of3A : i32
      %mul3A_683 = arith.constant 4192 : i32
      %mul3A_684 = arith.muli %rem3A_269, %mul3A_683 : i32
      %add3A_685 = arith.constant 48 : i32
      %add3A_686 = arith.addi %mul3A_684, %add3A_685 : i32
      %sub3A_687 = arith.subi %add3A_686, %sub3A_682 : i32
      %multiple_of3A_688 = tpu.assume_multiple %sub3A_687, 8 : i32
      %dma_start3A_689 = tpu.memref_slice %arg6[%multiple_of3A_688] : memref<33536xf32, #tpu.memory_space<vmem>> -> memref<2584xf32, #tpu.memory_space<vmem>>
      %dma_start3A_690 = tpu.memref_slice %arg2[%multiple_of3A] : memref<8386560xf32, #tpu.memory_space<hbm>> -> memref<2584xf32, #tpu.memory_space<hbm>>
      %dma_start3A_691 = tpu.memref_slice %arg8[%rem3A_269] : memref<8x!tpu.dma_semaphore, #tpu.memory_space<semaphore_mem>> -> memref<1x!tpu.dma_semaphore, #tpu.memory_space<semaphore_mem>>
      %dma_start3A_692 = tpu.memref_squeeze %dma_start3A_691 : memref<1x!tpu.dma_semaphore, #tpu.memory_space<semaphore_mem>> -> memref<!tpu.dma_semaphore, #tpu.memory_space<semaphore_mem>>
      %dma_start3A_693 = tpu.memref_slice %arg6[%multiple_of3A_688] : memref<33536xf32, #tpu.memory_space<vmem>> -> memref<2584xf32, #tpu.memory_space<vmem>>
      %dma_start3A_694 = tpu.memref_slice %arg2[%multiple_of3A] : memref<8386560xf32, #tpu.memory_space<hbm>> -> memref<2584xf32, #tpu.memory_space<hbm>>
      tpu.enqueue_dma source(%dma_start3A_694 : memref<2584xf32, #tpu.memory_space<hbm>>) target(%dma_start3A_693 : memref<2584xf32, #tpu.memory_space<vmem>>) target_semaphore(%dma_start3A_692 : memref<!tpu.dma_semaphore, #tpu.memory_space<semaphore_mem>>)
    } else {
    }
    %eq3A_320 = arith.constant 10 : i32
    %eq3A_321 = arith.cmpi eq, %shift_right_arithmetic3A_266, %eq3A_320 : i32
    %convert_element_type3A_322 = arith.extui %eq3A_321 : i1 to i32
    %cond3A_323 = arith.constant 0 : i32
    %cond3A_324 = arith.cmpi ne, %convert_element_type3A_322, %cond3A_323 : i32
    scf.if %cond3A_324 {
      %min3A = arith.constant 8383720 : i32
      %min3A_681 = arith.minsi %shift_left3A_264, %min3A : i32
      %multiple_of3A = tpu.assume_multiple %min3A_681, 8 : i32
      %sub3A_682 = arith.subi %select_n3A_260, %multiple_of3A : i32
      %mul3A_683 = arith.constant 4192 : i32
      %mul3A_684 = arith.muli %rem3A_269, %mul3A_683 : i32
      %add3A_685 = arith.constant 48 : i32
      %add3A_686 = arith.addi %mul3A_684, %add3A_685 : i32
      %sub3A_687 = arith.subi %add3A_686, %sub3A_682 : i32
      %multiple_of3A_688 = tpu.assume_multiple %sub3A_687, 8 : i32
      %dma_start3A_689 = tpu.memref_slice %arg6[%multiple_of3A_688] : memref<33536xf32, #tpu.memory_space<vmem>> -> memref<2840xf32, #tpu.memory_space<vmem>>
      %dma_start3A_690 = tpu.memref_slice %arg2[%multiple_of3A] : memref<8386560xf32, #tpu.memory_space<hbm>> -> memref<2840xf32, #tpu.memory_space<hbm>>
      %dma_start3A_691 = tpu.memref_slice %arg8[%rem3A_269] : memref<8x!tpu.dma_semaphore, #tpu.memory_space<semaphore_mem>> -> memref<1x!tpu.dma_semaphore, #tpu.memory_space<semaphore_mem>>
      %dma_start3A_692 = tpu.memref_squeeze %dma_start3A_691 : memref<1x!tpu.dma_semaphore, #tpu.memory_space<semaphore_mem>> -> memref<!tpu.dma_semaphore, #tpu.memory_space<semaphore_mem>>
      %dma_start3A_693 = tpu.memref_slice %arg6[%multiple_of3A_688] : memref<33536xf32, #tpu.memory_space<vmem>> -> memref<2840xf32, #tpu.memory_space<vmem>>
      %dma_start3A_694 = tpu.memref_slice %arg2[%multiple_of3A] : memref<8386560xf32, #tpu.memory_space<hbm>> -> memref<2840xf32, #tpu.memory_space<hbm>>
      tpu.enqueue_dma source(%dma_start3A_694 : memref<2840xf32, #tpu.memory_space<hbm>>) target(%dma_start3A_693 : memref<2840xf32, #tpu.memory_space<vmem>>) target_semaphore(%dma_start3A_692 : memref<!tpu.dma_semaphore, #tpu.memory_space<semaphore_mem>>)
    } else {
    }
    %eq3A_325 = arith.constant 11 : i32
    %eq3A_326 = arith.cmpi eq, %shift_right_arithmetic3A_266, %eq3A_325 : i32
    %convert_element_type3A_327 = arith.extui %eq3A_326 : i1 to i32
    %cond3A_328 = arith.constant 0 : i32
    %cond3A_329 = arith.cmpi ne, %convert_element_type3A_327, %cond3A_328 : i32
    scf.if %cond3A_329 {
      %min3A = arith.constant 8383464 : i32
      %min3A_681 = arith.minsi %shift_left3A_264, %min3A : i32
      %multiple_of3A = tpu.assume_multiple %min3A_681, 8 : i32
      %sub3A_682 = arith.subi %select_n3A_260, %multiple_of3A : i32
      %mul3A_683 = arith.constant 4192 : i32
      %mul3A_684 = arith.muli %rem3A_269, %mul3A_683 : i32
      %add3A_685 = arith.constant 48 : i32
      %add3A_686 = arith.addi %mul3A_684, %add3A_685 : i32
      %sub3A_687 = arith.subi %add3A_686, %sub3A_682 : i32
      %multiple_of3A_688 = tpu.assume_multiple %sub3A_687, 8 : i32
      %dma_start3A_689 = tpu.memref_slice %arg6[%multiple_of3A_688] : memref<33536xf32, #tpu.memory_space<vmem>> -> memref<3096xf32, #tpu.memory_space<vmem>>
      %dma_start3A_690 = tpu.memref_slice %arg2[%multiple_of3A] : memref<8386560xf32, #tpu.memory_space<hbm>> -> memref<3096xf32, #tpu.memory_space<hbm>>
      %dma_start3A_691 = tpu.memref_slice %arg8[%rem3A_269] : memref<8x!tpu.dma_semaphore, #tpu.memory_space<semaphore_mem>> -> memref<1x!tpu.dma_semaphore, #tpu.memory_space<semaphore_mem>>
      %dma_start3A_692 = tpu.memref_squeeze %dma_start3A_691 : memref<1x!tpu.dma_semaphore, #tpu.memory_space<semaphore_mem>> -> memref<!tpu.dma_semaphore, #tpu.memory_space<semaphore_mem>>
      %dma_start3A_693 = tpu.memref_slice %arg6[%multiple_of3A_688] : memref<33536xf32, #tpu.memory_space<vmem>> -> memref<3096xf32, #tpu.memory_space<vmem>>
      %dma_start3A_694 = tpu.memref_slice %arg2[%multiple_of3A] : memref<8386560xf32, #tpu.memory_space<hbm>> -> memref<3096xf32, #tpu.memory_space<hbm>>
      tpu.enqueue_dma source(%dma_start3A_694 : memref<3096xf32, #tpu.memory_space<hbm>>) target(%dma_start3A_693 : memref<3096xf32, #tpu.memory_space<vmem>>) target_semaphore(%dma_start3A_692 : memref<!tpu.dma_semaphore, #tpu.memory_space<semaphore_mem>>)
    } else {
    }
    %eq3A_330 = arith.constant 12 : i32
    %eq3A_331 = arith.cmpi eq, %shift_right_arithmetic3A_266, %eq3A_330 : i32
    %convert_element_type3A_332 = arith.extui %eq3A_331 : i1 to i32
    %cond3A_333 = arith.constant 0 : i32
    %cond3A_334 = arith.cmpi ne, %convert_element_type3A_332, %cond3A_333 : i32
    scf.if %cond3A_334 {
      %min3A = arith.constant 8383208 : i32
      %min3A_681 = arith.minsi %shift_left3A_264, %min3A : i32
      %multiple_of3A = tpu.assume_multiple %min3A_681, 8 : i32
      %sub3A_682 = arith.subi %select_n3A_260, %multiple_of3A : i32
      %mul3A_683 = arith.constant 4192 : i32
      %mul3A_684 = arith.muli %rem3A_269, %mul3A_683 : i32
      %add3A_685 = arith.constant 48 : i32
      %add3A_686 = arith.addi %mul3A_684, %add3A_685 : i32
      %sub3A_687 = arith.subi %add3A_686, %sub3A_682 : i32
      %multiple_of3A_688 = tpu.assume_multiple %sub3A_687, 8 : i32
      %dma_start3A_689 = tpu.memref_slice %arg6[%multiple_of3A_688] : memref<33536xf32, #tpu.memory_space<vmem>> -> memref<3352xf32, #tpu.memory_space<vmem>>
      %dma_start3A_690 = tpu.memref_slice %arg2[%multiple_of3A] : memref<8386560xf32, #tpu.memory_space<hbm>> -> memref<3352xf32, #tpu.memory_space<hbm>>
      %dma_start3A_691 = tpu.memref_slice %arg8[%rem3A_269] : memref<8x!tpu.dma_semaphore, #tpu.memory_space<semaphore_mem>> -> memref<1x!tpu.dma_semaphore, #tpu.memory_space<semaphore_mem>>
      %dma_start3A_692 = tpu.memref_squeeze %dma_start3A_691 : memref<1x!tpu.dma_semaphore, #tpu.memory_space<semaphore_mem>> -> memref<!tpu.dma_semaphore, #tpu.memory_space<semaphore_mem>>
      %dma_start3A_693 = tpu.memref_slice %arg6[%multiple_of3A_688] : memref<33536xf32, #tpu.memory_space<vmem>> -> memref<3352xf32, #tpu.memory_space<vmem>>
      %dma_start3A_694 = tpu.memref_slice %arg2[%multiple_of3A] : memref<8386560xf32, #tpu.memory_space<hbm>> -> memref<3352xf32, #tpu.memory_space<hbm>>
      tpu.enqueue_dma source(%dma_start3A_694 : memref<3352xf32, #tpu.memory_space<hbm>>) target(%dma_start3A_693 : memref<3352xf32, #tpu.memory_space<vmem>>) target_semaphore(%dma_start3A_692 : memref<!tpu.dma_semaphore, #tpu.memory_space<semaphore_mem>>)
    } else {
    }
    %eq3A_335 = arith.constant 13 : i32
    %eq3A_336 = arith.cmpi eq, %shift_right_arithmetic3A_266, %eq3A_335 : i32
    %convert_element_type3A_337 = arith.extui %eq3A_336 : i1 to i32
    %cond3A_338 = arith.constant 0 : i32
    %cond3A_339 = arith.cmpi ne, %convert_element_type3A_337, %cond3A_338 : i32
    scf.if %cond3A_339 {
      %min3A = arith.constant 8382952 : i32
      %min3A_681 = arith.minsi %shift_left3A_264, %min3A : i32
      %multiple_of3A = tpu.assume_multiple %min3A_681, 8 : i32
      %sub3A_682 = arith.subi %select_n3A_260, %multiple_of3A : i32
      %mul3A_683 = arith.constant 4192 : i32
      %mul3A_684 = arith.muli %rem3A_269, %mul3A_683 : i32
      %add3A_685 = arith.constant 48 : i32
      %add3A_686 = arith.addi %mul3A_684, %add3A_685 : i32
      %sub3A_687 = arith.subi %add3A_686, %sub3A_682 : i32
      %multiple_of3A_688 = tpu.assume_multiple %sub3A_687, 8 : i32
      %dma_start3A_689 = tpu.memref_slice %arg6[%multiple_of3A_688] : memref<33536xf32, #tpu.memory_space<vmem>> -> memref<3608xf32, #tpu.memory_space<vmem>>
      %dma_start3A_690 = tpu.memref_slice %arg2[%multiple_of3A] : memref<8386560xf32, #tpu.memory_space<hbm>> -> memref<3608xf32, #tpu.memory_space<hbm>>
      %dma_start3A_691 = tpu.memref_slice %arg8[%rem3A_269] : memref<8x!tpu.dma_semaphore, #tpu.memory_space<semaphore_mem>> -> memref<1x!tpu.dma_semaphore, #tpu.memory_space<semaphore_mem>>
      %dma_start3A_692 = tpu.memref_squeeze %dma_start3A_691 : memref<1x!tpu.dma_semaphore, #tpu.memory_space<semaphore_mem>> -> memref<!tpu.dma_semaphore, #tpu.memory_space<semaphore_mem>>
      %dma_start3A_693 = tpu.memref_slice %arg6[%multiple_of3A_688] : memref<33536xf32, #tpu.memory_space<vmem>> -> memref<3608xf32, #tpu.memory_space<vmem>>
      %dma_start3A_694 = tpu.memref_slice %arg2[%multiple_of3A] : memref<8386560xf32, #tpu.memory_space<hbm>> -> memref<3608xf32, #tpu.memory_space<hbm>>
      tpu.enqueue_dma source(%dma_start3A_694 : memref<3608xf32, #tpu.memory_space<hbm>>) target(%dma_start3A_693 : memref<3608xf32, #tpu.memory_space<vmem>>) target_semaphore(%dma_start3A_692 : memref<!tpu.dma_semaphore, #tpu.memory_space<semaphore_mem>>)
    } else {
    }
    %eq3A_340 = arith.constant 14 : i32
    %eq3A_341 = arith.cmpi eq, %shift_right_arithmetic3A_266, %eq3A_340 : i32
    %convert_element_type3A_342 = arith.extui %eq3A_341 : i1 to i32
    %cond3A_343 = arith.constant 0 : i32
    %cond3A_344 = arith.cmpi ne, %convert_element_type3A_342, %cond3A_343 : i32
    scf.if %cond3A_344 {
      %min3A = arith.constant 8382696 : i32
      %min3A_681 = arith.minsi %shift_left3A_264, %min3A : i32
      %multiple_of3A = tpu.assume_multiple %min3A_681, 8 : i32
      %sub3A_682 = arith.subi %select_n3A_260, %multiple_of3A : i32
      %mul3A_683 = arith.constant 4192 : i32
      %mul3A_684 = arith.muli %rem3A_269, %mul3A_683 : i32
      %add3A_685 = arith.constant 48 : i32
      %add3A_686 = arith.addi %mul3A_684, %add3A_685 : i32
      %sub3A_687 = arith.subi %add3A_686, %sub3A_682 : i32
      %multiple_of3A_688 = tpu.assume_multiple %sub3A_687, 8 : i32
      %dma_start3A_689 = tpu.memref_slice %arg6[%multiple_of3A_688] : memref<33536xf32, #tpu.memory_space<vmem>> -> memref<3864xf32, #tpu.memory_space<vmem>>
      %dma_start3A_690 = tpu.memref_slice %arg2[%multiple_of3A] : memref<8386560xf32, #tpu.memory_space<hbm>> -> memref<3864xf32, #tpu.memory_space<hbm>>
      %dma_start3A_691 = tpu.memref_slice %arg8[%rem3A_269] : memref<8x!tpu.dma_semaphore, #tpu.memory_space<semaphore_mem>> -> memref<1x!tpu.dma_semaphore, #tpu.memory_space<semaphore_mem>>
      %dma_start3A_692 = tpu.memref_squeeze %dma_start3A_691 : memref<1x!tpu.dma_semaphore, #tpu.memory_space<semaphore_mem>> -> memref<!tpu.dma_semaphore, #tpu.memory_space<semaphore_mem>>
      %dma_start3A_693 = tpu.memref_slice %arg6[%multiple_of3A_688] : memref<33536xf32, #tpu.memory_space<vmem>> -> memref<3864xf32, #tpu.memory_space<vmem>>
      %dma_start3A_694 = tpu.memref_slice %arg2[%multiple_of3A] : memref<8386560xf32, #tpu.memory_space<hbm>> -> memref<3864xf32, #tpu.memory_space<hbm>>
      tpu.enqueue_dma source(%dma_start3A_694 : memref<3864xf32, #tpu.memory_space<hbm>>) target(%dma_start3A_693 : memref<3864xf32, #tpu.memory_space<vmem>>) target_semaphore(%dma_start3A_692 : memref<!tpu.dma_semaphore, #tpu.memory_space<semaphore_mem>>)
    } else {
    }
    %eq3A_345 = arith.constant 15 : i32
    %eq3A_346 = arith.cmpi eq, %shift_right_arithmetic3A_266, %eq3A_345 : i32
    %convert_element_type3A_347 = arith.extui %eq3A_346 : i1 to i32
    %cond3A_348 = arith.constant 0 : i32
    %cond3A_349 = arith.cmpi ne, %convert_element_type3A_347, %cond3A_348 : i32
    scf.if %cond3A_349 {
      %min3A = arith.constant 8382440 : i32
      %min3A_681 = arith.minsi %shift_left3A_264, %min3A : i32
      %multiple_of3A = tpu.assume_multiple %min3A_681, 8 : i32
      %sub3A_682 = arith.subi %select_n3A_260, %multiple_of3A : i32
      %mul3A_683 = arith.constant 4192 : i32
      %mul3A_684 = arith.muli %rem3A_269, %mul3A_683 : i32
      %add3A_685 = arith.constant 48 : i32
      %add3A_686 = arith.addi %mul3A_684, %add3A_685 : i32
      %sub3A_687 = arith.subi %add3A_686, %sub3A_682 : i32
      %multiple_of3A_688 = tpu.assume_multiple %sub3A_687, 8 : i32
      %dma_start3A_689 = tpu.memref_slice %arg6[%multiple_of3A_688] : memref<33536xf32, #tpu.memory_space<vmem>> -> memref<4120xf32, #tpu.memory_space<vmem>>
      %dma_start3A_690 = tpu.memref_slice %arg2[%multiple_of3A] : memref<8386560xf32, #tpu.memory_space<hbm>> -> memref<4120xf32, #tpu.memory_space<hbm>>
      %dma_start3A_691 = tpu.memref_slice %arg8[%rem3A_269] : memref<8x!tpu.dma_semaphore, #tpu.memory_space<semaphore_mem>> -> memref<1x!tpu.dma_semaphore, #tpu.memory_space<semaphore_mem>>
      %dma_start3A_692 = tpu.memref_squeeze %dma_start3A_691 : memref<1x!tpu.dma_semaphore, #tpu.memory_space<semaphore_mem>> -> memref<!tpu.dma_semaphore, #tpu.memory_space<semaphore_mem>>
      %dma_start3A_693 = tpu.memref_slice %arg6[%multiple_of3A_688] : memref<33536xf32, #tpu.memory_space<vmem>> -> memref<4120xf32, #tpu.memory_space<vmem>>
      %dma_start3A_694 = tpu.memref_slice %arg2[%multiple_of3A] : memref<8386560xf32, #tpu.memory_space<hbm>> -> memref<4120xf32, #tpu.memory_space<hbm>>
      tpu.enqueue_dma source(%dma_start3A_694 : memref<4120xf32, #tpu.memory_space<hbm>>) target(%dma_start3A_693 : memref<4120xf32, #tpu.memory_space<vmem>>) target_semaphore(%dma_start3A_692 : memref<!tpu.dma_semaphore, #tpu.memory_space<semaphore_mem>>)
    } else {
    }
    %add3A_350 = arith.constant 64 : i32
    %add3A_351 = arith.addi %add3A, %add3A_350 : i32
    %sub3A_352 = arith.constant 1 : i32
    %sub3A_353 = arith.subi %add3A_351, %sub3A_352 : i32
    %mul3A_354 = arith.muli %add3A_351, %sub3A_353 : i32
    %jit3A_355 = arith.constant 2 : i32
    %div3A_356 = arith.divsi %mul3A_354, %jit3A_355 : i32
    %sign3A_357 = arith.constant 0 : i32
    %sign3A_358 = arith.cmpi sgt, %mul3A_354, %sign3A_357 : i32
    %sign3A_359 = arith.extui %sign3A_358 : i1 to i32
    %sign3A_360 = arith.constant 0 : i32
    %sign3A_361 = arith.cmpi slt, %mul3A_354, %sign3A_360 : i32
    %sign3A_362 = arith.extui %sign3A_361 : i1 to i32
    %sign3A_363 = arith.subi %sign3A_359, %sign3A_362 : i32
    %sign3A_364 = arith.constant 0 : i32
    %sign3A_365 = arith.cmpi sgt, %jit3A_355, %sign3A_364 : i32
    %sign3A_366 = arith.extui %sign3A_365 : i1 to i32
    %sign3A_367 = arith.constant 0 : i32
    %sign3A_368 = arith.cmpi slt, %jit3A_355, %sign3A_367 : i32
    %sign3A_369 = arith.extui %sign3A_368 : i1 to i32
    %sign3A_370 = arith.subi %sign3A_366, %sign3A_369 : i32
    %ne3A_371 = arith.cmpi ne, %sign3A_363, %sign3A_370 : i32
    %rem3A_372 = arith.remsi %mul3A_354, %jit3A_355 : i32
    %ne3A_373 = arith.constant 0 : i32
    %ne3A_374 = arith.cmpi ne, %rem3A_372, %ne3A_373 : i32
    %and3A_375 = arith.andi %ne3A_371, %ne3A_374 : i1
    %sub3A_376 = arith.constant 1 : i32
    %sub3A_377 = arith.subi %div3A_356, %sub3A_376 : i32
    %select_n3A_378 = arith.select %and3A_375, %sub3A_377, %div3A_356 : i32
    %shift_right_arithmetic3A_379 = arith.constant 3 : i32
    %shift_right_arithmetic3A_380 = arith.shrsi %select_n3A_378, %shift_right_arithmetic3A_379 : i32
    %shift_left3A_381 = arith.constant 3 : i32
    %shift_left3A_382 = arith.shli %shift_right_arithmetic3A_380, %shift_left3A_381 : i32
    %shift_right_arithmetic3A_383 = arith.constant 8 : i32
    %shift_right_arithmetic3A_384 = arith.shrsi %add3A_351, %shift_right_arithmetic3A_383 : i32
    %rem3A_385 = arith.constant 2 : i32
    %rem3A_386 = arith.constant 8 : i32
    %rem3A_387 = arith.remsi %rem3A_385, %rem3A_386 : i32
    %eq3A_388 = arith.constant 0 : i32
    %eq3A_389 = arith.cmpi eq, %shift_right_arithmetic3A_384, %eq3A_388 : i32
    %convert_element_type3A_390 = arith.extui %eq3A_389 : i1 to i32
    %cond3A_391 = arith.constant 0 : i32
    %cond3A_392 = arith.cmpi ne, %convert_element_type3A_390, %cond3A_391 : i32
    scf.if %cond3A_392 {
      %min3A = arith.constant 8386280 : i32
      %min3A_681 = arith.minsi %shift_left3A_382, %min3A : i32
      %multiple_of3A = tpu.assume_multiple %min3A_681, 8 : i32
      %sub3A_682 = arith.subi %select_n3A_378, %multiple_of3A : i32
      %mul3A_683 = arith.constant 4192 : i32
      %mul3A_684 = arith.muli %rem3A_387, %mul3A_683 : i32
      %add3A_685 = arith.constant 48 : i32
      %add3A_686 = arith.addi %mul3A_684, %add3A_685 : i32
      %sub3A_687 = arith.subi %add3A_686, %sub3A_682 : i32
      %multiple_of3A_688 = tpu.assume_multiple %sub3A_687, 8 : i32
      %dma_start3A_689 = tpu.memref_slice %arg6[%multiple_of3A_688] : memref<33536xf32, #tpu.memory_space<vmem>> -> memref<280xf32, #tpu.memory_space<vmem>>
      %dma_start3A_690 = tpu.memref_slice %arg2[%multiple_of3A] : memref<8386560xf32, #tpu.memory_space<hbm>> -> memref<280xf32, #tpu.memory_space<hbm>>
      %dma_start3A_691 = tpu.memref_slice %arg8[%rem3A_387] : memref<8x!tpu.dma_semaphore, #tpu.memory_space<semaphore_mem>> -> memref<1x!tpu.dma_semaphore, #tpu.memory_space<semaphore_mem>>
      %dma_start3A_692 = tpu.memref_squeeze %dma_start3A_691 : memref<1x!tpu.dma_semaphore, #tpu.memory_space<semaphore_mem>> -> memref<!tpu.dma_semaphore, #tpu.memory_space<semaphore_mem>>
      %dma_start3A_693 = tpu.memref_slice %arg6[%multiple_of3A_688] : memref<33536xf32, #tpu.memory_space<vmem>> -> memref<280xf32, #tpu.memory_space<vmem>>
      %dma_start3A_694 = tpu.memref_slice %arg2[%multiple_of3A] : memref<8386560xf32, #tpu.memory_space<hbm>> -> memref<280xf32, #tpu.memory_space<hbm>>
      tpu.enqueue_dma source(%dma_start3A_694 : memref<280xf32, #tpu.memory_space<hbm>>) target(%dma_start3A_693 : memref<280xf32, #tpu.memory_space<vmem>>) target_semaphore(%dma_start3A_692 : memref<!tpu.dma_semaphore, #tpu.memory_space<semaphore_mem>>)
    } else {
    }
    %eq3A_393 = arith.constant 1 : i32
    %eq3A_394 = arith.cmpi eq, %shift_right_arithmetic3A_384, %eq3A_393 : i32
    %convert_element_type3A_395 = arith.extui %eq3A_394 : i1 to i32
    %cond3A_396 = arith.constant 0 : i32
    %cond3A_397 = arith.cmpi ne, %convert_element_type3A_395, %cond3A_396 : i32
    scf.if %cond3A_397 {
      %min3A = arith.constant 8386024 : i32
      %min3A_681 = arith.minsi %shift_left3A_382, %min3A : i32
      %multiple_of3A = tpu.assume_multiple %min3A_681, 8 : i32
      %sub3A_682 = arith.subi %select_n3A_378, %multiple_of3A : i32
      %mul3A_683 = arith.constant 4192 : i32
      %mul3A_684 = arith.muli %rem3A_387, %mul3A_683 : i32
      %add3A_685 = arith.constant 48 : i32
      %add3A_686 = arith.addi %mul3A_684, %add3A_685 : i32
      %sub3A_687 = arith.subi %add3A_686, %sub3A_682 : i32
      %multiple_of3A_688 = tpu.assume_multiple %sub3A_687, 8 : i32
      %dma_start3A_689 = tpu.memref_slice %arg6[%multiple_of3A_688] : memref<33536xf32, #tpu.memory_space<vmem>> -> memref<536xf32, #tpu.memory_space<vmem>>
      %dma_start3A_690 = tpu.memref_slice %arg2[%multiple_of3A] : memref<8386560xf32, #tpu.memory_space<hbm>> -> memref<536xf32, #tpu.memory_space<hbm>>
      %dma_start3A_691 = tpu.memref_slice %arg8[%rem3A_387] : memref<8x!tpu.dma_semaphore, #tpu.memory_space<semaphore_mem>> -> memref<1x!tpu.dma_semaphore, #tpu.memory_space<semaphore_mem>>
      %dma_start3A_692 = tpu.memref_squeeze %dma_start3A_691 : memref<1x!tpu.dma_semaphore, #tpu.memory_space<semaphore_mem>> -> memref<!tpu.dma_semaphore, #tpu.memory_space<semaphore_mem>>
      %dma_start3A_693 = tpu.memref_slice %arg6[%multiple_of3A_688] : memref<33536xf32, #tpu.memory_space<vmem>> -> memref<536xf32, #tpu.memory_space<vmem>>
      %dma_start3A_694 = tpu.memref_slice %arg2[%multiple_of3A] : memref<8386560xf32, #tpu.memory_space<hbm>> -> memref<536xf32, #tpu.memory_space<hbm>>
      tpu.enqueue_dma source(%dma_start3A_694 : memref<536xf32, #tpu.memory_space<hbm>>) target(%dma_start3A_693 : memref<536xf32, #tpu.memory_space<vmem>>) target_semaphore(%dma_start3A_692 : memref<!tpu.dma_semaphore, #tpu.memory_space<semaphore_mem>>)
    } else {
    }
    %eq3A_398 = arith.constant 2 : i32
    %eq3A_399 = arith.cmpi eq, %shift_right_arithmetic3A_384, %eq3A_398 : i32
    %convert_element_type3A_400 = arith.extui %eq3A_399 : i1 to i32
    %cond3A_401 = arith.constant 0 : i32
    %cond3A_402 = arith.cmpi ne, %convert_element_type3A_400, %cond3A_401 : i32
    scf.if %cond3A_402 {
      %min3A = arith.constant 8385768 : i32
      %min3A_681 = arith.minsi %shift_left3A_382, %min3A : i32
      %multiple_of3A = tpu.assume_multiple %min3A_681, 8 : i32
      %sub3A_682 = arith.subi %select_n3A_378, %multiple_of3A : i32
      %mul3A_683 = arith.constant 4192 : i32
      %mul3A_684 = arith.muli %rem3A_387, %mul3A_683 : i32
      %add3A_685 = arith.constant 48 : i32
      %add3A_686 = arith.addi %mul3A_684, %add3A_685 : i32
      %sub3A_687 = arith.subi %add3A_686, %sub3A_682 : i32
      %multiple_of3A_688 = tpu.assume_multiple %sub3A_687, 8 : i32
      %dma_start3A_689 = tpu.memref_slice %arg6[%multiple_of3A_688] : memref<33536xf32, #tpu.memory_space<vmem>> -> memref<792xf32, #tpu.memory_space<vmem>>
      %dma_start3A_690 = tpu.memref_slice %arg2[%multiple_of3A] : memref<8386560xf32, #tpu.memory_space<hbm>> -> memref<792xf32, #tpu.memory_space<hbm>>
      %dma_start3A_691 = tpu.memref_slice %arg8[%rem3A_387] : memref<8x!tpu.dma_semaphore, #tpu.memory_space<semaphore_mem>> -> memref<1x!tpu.dma_semaphore, #tpu.memory_space<semaphore_mem>>
      %dma_start3A_692 = tpu.memref_squeeze %dma_start3A_691 : memref<1x!tpu.dma_semaphore, #tpu.memory_space<semaphore_mem>> -> memref<!tpu.dma_semaphore, #tpu.memory_space<semaphore_mem>>
      %dma_start3A_693 = tpu.memref_slice %arg6[%multiple_of3A_688] : memref<33536xf32, #tpu.memory_space<vmem>> -> memref<792xf32, #tpu.memory_space<vmem>>
      %dma_start3A_694 = tpu.memref_slice %arg2[%multiple_of3A] : memref<8386560xf32, #tpu.memory_space<hbm>> -> memref<792xf32, #tpu.memory_space<hbm>>
      tpu.enqueue_dma source(%dma_start3A_694 : memref<792xf32, #tpu.memory_space<hbm>>) target(%dma_start3A_693 : memref<792xf32, #tpu.memory_space<vmem>>) target_semaphore(%dma_start3A_692 : memref<!tpu.dma_semaphore, #tpu.memory_space<semaphore_mem>>)
    } else {
    }
    %eq3A_403 = arith.constant 3 : i32
    %eq3A_404 = arith.cmpi eq, %shift_right_arithmetic3A_384, %eq3A_403 : i32
    %convert_element_type3A_405 = arith.extui %eq3A_404 : i1 to i32
    %cond3A_406 = arith.constant 0 : i32
    %cond3A_407 = arith.cmpi ne, %convert_element_type3A_405, %cond3A_406 : i32
    scf.if %cond3A_407 {
      %min3A = arith.constant 8385512 : i32
      %min3A_681 = arith.minsi %shift_left3A_382, %min3A : i32
      %multiple_of3A = tpu.assume_multiple %min3A_681, 8 : i32
      %sub3A_682 = arith.subi %select_n3A_378, %multiple_of3A : i32
      %mul3A_683 = arith.constant 4192 : i32
      %mul3A_684 = arith.muli %rem3A_387, %mul3A_683 : i32
      %add3A_685 = arith.constant 48 : i32
      %add3A_686 = arith.addi %mul3A_684, %add3A_685 : i32
      %sub3A_687 = arith.subi %add3A_686, %sub3A_682 : i32
      %multiple_of3A_688 = tpu.assume_multiple %sub3A_687, 8 : i32
      %dma_start3A_689 = tpu.memref_slice %arg6[%multiple_of3A_688] : memref<33536xf32, #tpu.memory_space<vmem>> -> memref<1048xf32, #tpu.memory_space<vmem>>
      %dma_start3A_690 = tpu.memref_slice %arg2[%multiple_of3A] : memref<8386560xf32, #tpu.memory_space<hbm>> -> memref<1048xf32, #tpu.memory_space<hbm>>
      %dma_start3A_691 = tpu.memref_slice %arg8[%rem3A_387] : memref<8x!tpu.dma_semaphore, #tpu.memory_space<semaphore_mem>> -> memref<1x!tpu.dma_semaphore, #tpu.memory_space<semaphore_mem>>
      %dma_start3A_692 = tpu.memref_squeeze %dma_start3A_691 : memref<1x!tpu.dma_semaphore, #tpu.memory_space<semaphore_mem>> -> memref<!tpu.dma_semaphore, #tpu.memory_space<semaphore_mem>>
      %dma_start3A_693 = tpu.memref_slice %arg6[%multiple_of3A_688] : memref<33536xf32, #tpu.memory_space<vmem>> -> memref<1048xf32, #tpu.memory_space<vmem>>
      %dma_start3A_694 = tpu.memref_slice %arg2[%multiple_of3A] : memref<8386560xf32, #tpu.memory_space<hbm>> -> memref<1048xf32, #tpu.memory_space<hbm>>
      tpu.enqueue_dma source(%dma_start3A_694 : memref<1048xf32, #tpu.memory_space<hbm>>) target(%dma_start3A_693 : memref<1048xf32, #tpu.memory_space<vmem>>) target_semaphore(%dma_start3A_692 : memref<!tpu.dma_semaphore, #tpu.memory_space<semaphore_mem>>)
    } else {
    }
    %eq3A_408 = arith.constant 4 : i32
    %eq3A_409 = arith.cmpi eq, %shift_right_arithmetic3A_384, %eq3A_408 : i32
    %convert_element_type3A_410 = arith.extui %eq3A_409 : i1 to i32
    %cond3A_411 = arith.constant 0 : i32
    %cond3A_412 = arith.cmpi ne, %convert_element_type3A_410, %cond3A_411 : i32
    scf.if %cond3A_412 {
      %min3A = arith.constant 8385256 : i32
      %min3A_681 = arith.minsi %shift_left3A_382, %min3A : i32
      %multiple_of3A = tpu.assume_multiple %min3A_681, 8 : i32
      %sub3A_682 = arith.subi %select_n3A_378, %multiple_of3A : i32
      %mul3A_683 = arith.constant 4192 : i32
      %mul3A_684 = arith.muli %rem3A_387, %mul3A_683 : i32
      %add3A_685 = arith.constant 48 : i32
      %add3A_686 = arith.addi %mul3A_684, %add3A_685 : i32
      %sub3A_687 = arith.subi %add3A_686, %sub3A_682 : i32
      %multiple_of3A_688 = tpu.assume_multiple %sub3A_687, 8 : i32
      %dma_start3A_689 = tpu.memref_slice %arg6[%multiple_of3A_688] : memref<33536xf32, #tpu.memory_space<vmem>> -> memref<1304xf32, #tpu.memory_space<vmem>>
      %dma_start3A_690 = tpu.memref_slice %arg2[%multiple_of3A] : memref<8386560xf32, #tpu.memory_space<hbm>> -> memref<1304xf32, #tpu.memory_space<hbm>>
      %dma_start3A_691 = tpu.memref_slice %arg8[%rem3A_387] : memref<8x!tpu.dma_semaphore, #tpu.memory_space<semaphore_mem>> -> memref<1x!tpu.dma_semaphore, #tpu.memory_space<semaphore_mem>>
      %dma_start3A_692 = tpu.memref_squeeze %dma_start3A_691 : memref<1x!tpu.dma_semaphore, #tpu.memory_space<semaphore_mem>> -> memref<!tpu.dma_semaphore, #tpu.memory_space<semaphore_mem>>
      %dma_start3A_693 = tpu.memref_slice %arg6[%multiple_of3A_688] : memref<33536xf32, #tpu.memory_space<vmem>> -> memref<1304xf32, #tpu.memory_space<vmem>>
      %dma_start3A_694 = tpu.memref_slice %arg2[%multiple_of3A] : memref<8386560xf32, #tpu.memory_space<hbm>> -> memref<1304xf32, #tpu.memory_space<hbm>>
      tpu.enqueue_dma source(%dma_start3A_694 : memref<1304xf32, #tpu.memory_space<hbm>>) target(%dma_start3A_693 : memref<1304xf32, #tpu.memory_space<vmem>>) target_semaphore(%dma_start3A_692 : memref<!tpu.dma_semaphore, #tpu.memory_space<semaphore_mem>>)
    } else {
    }
    %eq3A_413 = arith.constant 5 : i32
    %eq3A_414 = arith.cmpi eq, %shift_right_arithmetic3A_384, %eq3A_413 : i32
    %convert_element_type3A_415 = arith.extui %eq3A_414 : i1 to i32
    %cond3A_416 = arith.constant 0 : i32
    %cond3A_417 = arith.cmpi ne, %convert_element_type3A_415, %cond3A_416 : i32
    scf.if %cond3A_417 {
      %min3A = arith.constant 8385000 : i32
      %min3A_681 = arith.minsi %shift_left3A_382, %min3A : i32
      %multiple_of3A = tpu.assume_multiple %min3A_681, 8 : i32
      %sub3A_682 = arith.subi %select_n3A_378, %multiple_of3A : i32
      %mul3A_683 = arith.constant 4192 : i32
      %mul3A_684 = arith.muli %rem3A_387, %mul3A_683 : i32
      %add3A_685 = arith.constant 48 : i32
      %add3A_686 = arith.addi %mul3A_684, %add3A_685 : i32
      %sub3A_687 = arith.subi %add3A_686, %sub3A_682 : i32
      %multiple_of3A_688 = tpu.assume_multiple %sub3A_687, 8 : i32
      %dma_start3A_689 = tpu.memref_slice %arg6[%multiple_of3A_688] : memref<33536xf32, #tpu.memory_space<vmem>> -> memref<1560xf32, #tpu.memory_space<vmem>>
      %dma_start3A_690 = tpu.memref_slice %arg2[%multiple_of3A] : memref<8386560xf32, #tpu.memory_space<hbm>> -> memref<1560xf32, #tpu.memory_space<hbm>>
      %dma_start3A_691 = tpu.memref_slice %arg8[%rem3A_387] : memref<8x!tpu.dma_semaphore, #tpu.memory_space<semaphore_mem>> -> memref<1x!tpu.dma_semaphore, #tpu.memory_space<semaphore_mem>>
      %dma_start3A_692 = tpu.memref_squeeze %dma_start3A_691 : memref<1x!tpu.dma_semaphore, #tpu.memory_space<semaphore_mem>> -> memref<!tpu.dma_semaphore, #tpu.memory_space<semaphore_mem>>
      %dma_start3A_693 = tpu.memref_slice %arg6[%multiple_of3A_688] : memref<33536xf32, #tpu.memory_space<vmem>> -> memref<1560xf32, #tpu.memory_space<vmem>>
      %dma_start3A_694 = tpu.memref_slice %arg2[%multiple_of3A] : memref<8386560xf32, #tpu.memory_space<hbm>> -> memref<1560xf32, #tpu.memory_space<hbm>>
      tpu.enqueue_dma source(%dma_start3A_694 : memref<1560xf32, #tpu.memory_space<hbm>>) target(%dma_start3A_693 : memref<1560xf32, #tpu.memory_space<vmem>>) target_semaphore(%dma_start3A_692 : memref<!tpu.dma_semaphore, #tpu.memory_space<semaphore_mem>>)
    } else {
    }
    %eq3A_418 = arith.constant 6 : i32
    %eq3A_419 = arith.cmpi eq, %shift_right_arithmetic3A_384, %eq3A_418 : i32
    %convert_element_type3A_420 = arith.extui %eq3A_419 : i1 to i32
    %cond3A_421 = arith.constant 0 : i32
    %cond3A_422 = arith.cmpi ne, %convert_element_type3A_420, %cond3A_421 : i32
    scf.if %cond3A_422 {
      %min3A = arith.constant 8384744 : i32
      %min3A_681 = arith.minsi %shift_left3A_382, %min3A : i32
      %multiple_of3A = tpu.assume_multiple %min3A_681, 8 : i32
      %sub3A_682 = arith.subi %select_n3A_378, %multiple_of3A : i32
      %mul3A_683 = arith.constant 4192 : i32
      %mul3A_684 = arith.muli %rem3A_387, %mul3A_683 : i32
      %add3A_685 = arith.constant 48 : i32
      %add3A_686 = arith.addi %mul3A_684, %add3A_685 : i32
      %sub3A_687 = arith.subi %add3A_686, %sub3A_682 : i32
      %multiple_of3A_688 = tpu.assume_multiple %sub3A_687, 8 : i32
      %dma_start3A_689 = tpu.memref_slice %arg6[%multiple_of3A_688] : memref<33536xf32, #tpu.memory_space<vmem>> -> memref<1816xf32, #tpu.memory_space<vmem>>
      %dma_start3A_690 = tpu.memref_slice %arg2[%multiple_of3A] : memref<8386560xf32, #tpu.memory_space<hbm>> -> memref<1816xf32, #tpu.memory_space<hbm>>
      %dma_start3A_691 = tpu.memref_slice %arg8[%rem3A_387] : memref<8x!tpu.dma_semaphore, #tpu.memory_space<semaphore_mem>> -> memref<1x!tpu.dma_semaphore, #tpu.memory_space<semaphore_mem>>
      %dma_start3A_692 = tpu.memref_squeeze %dma_start3A_691 : memref<1x!tpu.dma_semaphore, #tpu.memory_space<semaphore_mem>> -> memref<!tpu.dma_semaphore, #tpu.memory_space<semaphore_mem>>
      %dma_start3A_693 = tpu.memref_slice %arg6[%multiple_of3A_688] : memref<33536xf32, #tpu.memory_space<vmem>> -> memref<1816xf32, #tpu.memory_space<vmem>>
      %dma_start3A_694 = tpu.memref_slice %arg2[%multiple_of3A] : memref<8386560xf32, #tpu.memory_space<hbm>> -> memref<1816xf32, #tpu.memory_space<hbm>>
      tpu.enqueue_dma source(%dma_start3A_694 : memref<1816xf32, #tpu.memory_space<hbm>>) target(%dma_start3A_693 : memref<1816xf32, #tpu.memory_space<vmem>>) target_semaphore(%dma_start3A_692 : memref<!tpu.dma_semaphore, #tpu.memory_space<semaphore_mem>>)
    } else {
    }
    %eq3A_423 = arith.constant 7 : i32
    %eq3A_424 = arith.cmpi eq, %shift_right_arithmetic3A_384, %eq3A_423 : i32
    %convert_element_type3A_425 = arith.extui %eq3A_424 : i1 to i32
    %cond3A_426 = arith.constant 0 : i32
    %cond3A_427 = arith.cmpi ne, %convert_element_type3A_425, %cond3A_426 : i32
    scf.if %cond3A_427 {
      %min3A = arith.constant 8384488 : i32
      %min3A_681 = arith.minsi %shift_left3A_382, %min3A : i32
      %multiple_of3A = tpu.assume_multiple %min3A_681, 8 : i32
      %sub3A_682 = arith.subi %select_n3A_378, %multiple_of3A : i32
      %mul3A_683 = arith.constant 4192 : i32
      %mul3A_684 = arith.muli %rem3A_387, %mul3A_683 : i32
      %add3A_685 = arith.constant 48 : i32
      %add3A_686 = arith.addi %mul3A_684, %add3A_685 : i32
      %sub3A_687 = arith.subi %add3A_686, %sub3A_682 : i32
      %multiple_of3A_688 = tpu.assume_multiple %sub3A_687, 8 : i32
      %dma_start3A_689 = tpu.memref_slice %arg6[%multiple_of3A_688] : memref<33536xf32, #tpu.memory_space<vmem>> -> memref<2072xf32, #tpu.memory_space<vmem>>
      %dma_start3A_690 = tpu.memref_slice %arg2[%multiple_of3A] : memref<8386560xf32, #tpu.memory_space<hbm>> -> memref<2072xf32, #tpu.memory_space<hbm>>
      %dma_start3A_691 = tpu.memref_slice %arg8[%rem3A_387] : memref<8x!tpu.dma_semaphore, #tpu.memory_space<semaphore_mem>> -> memref<1x!tpu.dma_semaphore, #tpu.memory_space<semaphore_mem>>
      %dma_start3A_692 = tpu.memref_squeeze %dma_start3A_691 : memref<1x!tpu.dma_semaphore, #tpu.memory_space<semaphore_mem>> -> memref<!tpu.dma_semaphore, #tpu.memory_space<semaphore_mem>>
      %dma_start3A_693 = tpu.memref_slice %arg6[%multiple_of3A_688] : memref<33536xf32, #tpu.memory_space<vmem>> -> memref<2072xf32, #tpu.memory_space<vmem>>
      %dma_start3A_694 = tpu.memref_slice %arg2[%multiple_of3A] : memref<8386560xf32, #tpu.memory_space<hbm>> -> memref<2072xf32, #tpu.memory_space<hbm>>
      tpu.enqueue_dma source(%dma_start3A_694 : memref<2072xf32, #tpu.memory_space<hbm>>) target(%dma_start3A_693 : memref<2072xf32, #tpu.memory_space<vmem>>) target_semaphore(%dma_start3A_692 : memref<!tpu.dma_semaphore, #tpu.memory_space<semaphore_mem>>)
    } else {
    }
    %eq3A_428 = arith.constant 8 : i32
    %eq3A_429 = arith.cmpi eq, %shift_right_arithmetic3A_384, %eq3A_428 : i32
    %convert_element_type3A_430 = arith.extui %eq3A_429 : i1 to i32
    %cond3A_431 = arith.constant 0 : i32
    %cond3A_432 = arith.cmpi ne, %convert_element_type3A_430, %cond3A_431 : i32
    scf.if %cond3A_432 {
      %min3A = arith.constant 8384232 : i32
      %min3A_681 = arith.minsi %shift_left3A_382, %min3A : i32
      %multiple_of3A = tpu.assume_multiple %min3A_681, 8 : i32
      %sub3A_682 = arith.subi %select_n3A_378, %multiple_of3A : i32
      %mul3A_683 = arith.constant 4192 : i32
      %mul3A_684 = arith.muli %rem3A_387, %mul3A_683 : i32
      %add3A_685 = arith.constant 48 : i32
      %add3A_686 = arith.addi %mul3A_684, %add3A_685 : i32
      %sub3A_687 = arith.subi %add3A_686, %sub3A_682 : i32
      %multiple_of3A_688 = tpu.assume_multiple %sub3A_687, 8 : i32
      %dma_start3A_689 = tpu.memref_slice %arg6[%multiple_of3A_688] : memref<33536xf32, #tpu.memory_space<vmem>> -> memref<2328xf32, #tpu.memory_space<vmem>>
      %dma_start3A_690 = tpu.memref_slice %arg2[%multiple_of3A] : memref<8386560xf32, #tpu.memory_space<hbm>> -> memref<2328xf32, #tpu.memory_space<hbm>>
      %dma_start3A_691 = tpu.memref_slice %arg8[%rem3A_387] : memref<8x!tpu.dma_semaphore, #tpu.memory_space<semaphore_mem>> -> memref<1x!tpu.dma_semaphore, #tpu.memory_space<semaphore_mem>>
      %dma_start3A_692 = tpu.memref_squeeze %dma_start3A_691 : memref<1x!tpu.dma_semaphore, #tpu.memory_space<semaphore_mem>> -> memref<!tpu.dma_semaphore, #tpu.memory_space<semaphore_mem>>
      %dma_start3A_693 = tpu.memref_slice %arg6[%multiple_of3A_688] : memref<33536xf32, #tpu.memory_space<vmem>> -> memref<2328xf32, #tpu.memory_space<vmem>>
      %dma_start3A_694 = tpu.memref_slice %arg2[%multiple_of3A] : memref<8386560xf32, #tpu.memory_space<hbm>> -> memref<2328xf32, #tpu.memory_space<hbm>>
      tpu.enqueue_dma source(%dma_start3A_694 : memref<2328xf32, #tpu.memory_space<hbm>>) target(%dma_start3A_693 : memref<2328xf32, #tpu.memory_space<vmem>>) target_semaphore(%dma_start3A_692 : memref<!tpu.dma_semaphore, #tpu.memory_space<semaphore_mem>>)
    } else {
    }
    %eq3A_433 = arith.constant 9 : i32
    %eq3A_434 = arith.cmpi eq, %shift_right_arithmetic3A_384, %eq3A_433 : i32
    %convert_element_type3A_435 = arith.extui %eq3A_434 : i1 to i32
    %cond3A_436 = arith.constant 0 : i32
    %cond3A_437 = arith.cmpi ne, %convert_element_type3A_435, %cond3A_436 : i32
    scf.if %cond3A_437 {
      %min3A = arith.constant 8383976 : i32
      %min3A_681 = arith.minsi %shift_left3A_382, %min3A : i32
      %multiple_of3A = tpu.assume_multiple %min3A_681, 8 : i32
      %sub3A_682 = arith.subi %select_n3A_378, %multiple_of3A : i32
      %mul3A_683 = arith.constant 4192 : i32
      %mul3A_684 = arith.muli %rem3A_387, %mul3A_683 : i32
      %add3A_685 = arith.constant 48 : i32
      %add3A_686 = arith.addi %mul3A_684, %add3A_685 : i32
      %sub3A_687 = arith.subi %add3A_686, %sub3A_682 : i32
      %multiple_of3A_688 = tpu.assume_multiple %sub3A_687, 8 : i32
      %dma_start3A_689 = tpu.memref_slice %arg6[%multiple_of3A_688] : memref<33536xf32, #tpu.memory_space<vmem>> -> memref<2584xf32, #tpu.memory_space<vmem>>
      %dma_start3A_690 = tpu.memref_slice %arg2[%multiple_of3A] : memref<8386560xf32, #tpu.memory_space<hbm>> -> memref<2584xf32, #tpu.memory_space<hbm>>
      %dma_start3A_691 = tpu.memref_slice %arg8[%rem3A_387] : memref<8x!tpu.dma_semaphore, #tpu.memory_space<semaphore_mem>> -> memref<1x!tpu.dma_semaphore, #tpu.memory_space<semaphore_mem>>
      %dma_start3A_692 = tpu.memref_squeeze %dma_start3A_691 : memref<1x!tpu.dma_semaphore, #tpu.memory_space<semaphore_mem>> -> memref<!tpu.dma_semaphore, #tpu.memory_space<semaphore_mem>>
      %dma_start3A_693 = tpu.memref_slice %arg6[%multiple_of3A_688] : memref<33536xf32, #tpu.memory_space<vmem>> -> memref<2584xf32, #tpu.memory_space<vmem>>
      %dma_start3A_694 = tpu.memref_slice %arg2[%multiple_of3A] : memref<8386560xf32, #tpu.memory_space<hbm>> -> memref<2584xf32, #tpu.memory_space<hbm>>
      tpu.enqueue_dma source(%dma_start3A_694 : memref<2584xf32, #tpu.memory_space<hbm>>) target(%dma_start3A_693 : memref<2584xf32, #tpu.memory_space<vmem>>) target_semaphore(%dma_start3A_692 : memref<!tpu.dma_semaphore, #tpu.memory_space<semaphore_mem>>)
    } else {
    }
    %eq3A_438 = arith.constant 10 : i32
    %eq3A_439 = arith.cmpi eq, %shift_right_arithmetic3A_384, %eq3A_438 : i32
    %convert_element_type3A_440 = arith.extui %eq3A_439 : i1 to i32
    %cond3A_441 = arith.constant 0 : i32
    %cond3A_442 = arith.cmpi ne, %convert_element_type3A_440, %cond3A_441 : i32
    scf.if %cond3A_442 {
      %min3A = arith.constant 8383720 : i32
      %min3A_681 = arith.minsi %shift_left3A_382, %min3A : i32
      %multiple_of3A = tpu.assume_multiple %min3A_681, 8 : i32
      %sub3A_682 = arith.subi %select_n3A_378, %multiple_of3A : i32
      %mul3A_683 = arith.constant 4192 : i32
      %mul3A_684 = arith.muli %rem3A_387, %mul3A_683 : i32
      %add3A_685 = arith.constant 48 : i32
      %add3A_686 = arith.addi %mul3A_684, %add3A_685 : i32
      %sub3A_687 = arith.subi %add3A_686, %sub3A_682 : i32
      %multiple_of3A_688 = tpu.assume_multiple %sub3A_687, 8 : i32
      %dma_start3A_689 = tpu.memref_slice %arg6[%multiple_of3A_688] : memref<33536xf32, #tpu.memory_space<vmem>> -> memref<2840xf32, #tpu.memory_space<vmem>>
      %dma_start3A_690 = tpu.memref_slice %arg2[%multiple_of3A] : memref<8386560xf32, #tpu.memory_space<hbm>> -> memref<2840xf32, #tpu.memory_space<hbm>>
      %dma_start3A_691 = tpu.memref_slice %arg8[%rem3A_387] : memref<8x!tpu.dma_semaphore, #tpu.memory_space<semaphore_mem>> -> memref<1x!tpu.dma_semaphore, #tpu.memory_space<semaphore_mem>>
      %dma_start3A_692 = tpu.memref_squeeze %dma_start3A_691 : memref<1x!tpu.dma_semaphore, #tpu.memory_space<semaphore_mem>> -> memref<!tpu.dma_semaphore, #tpu.memory_space<semaphore_mem>>
      %dma_start3A_693 = tpu.memref_slice %arg6[%multiple_of3A_688] : memref<33536xf32, #tpu.memory_space<vmem>> -> memref<2840xf32, #tpu.memory_space<vmem>>
      %dma_start3A_694 = tpu.memref_slice %arg2[%multiple_of3A] : memref<8386560xf32, #tpu.memory_space<hbm>> -> memref<2840xf32, #tpu.memory_space<hbm>>
      tpu.enqueue_dma source(%dma_start3A_694 : memref<2840xf32, #tpu.memory_space<hbm>>) target(%dma_start3A_693 : memref<2840xf32, #tpu.memory_space<vmem>>) target_semaphore(%dma_start3A_692 : memref<!tpu.dma_semaphore, #tpu.memory_space<semaphore_mem>>)
    } else {
    }
    %eq3A_443 = arith.constant 11 : i32
    %eq3A_444 = arith.cmpi eq, %shift_right_arithmetic3A_384, %eq3A_443 : i32
    %convert_element_type3A_445 = arith.extui %eq3A_444 : i1 to i32
    %cond3A_446 = arith.constant 0 : i32
    %cond3A_447 = arith.cmpi ne, %convert_element_type3A_445, %cond3A_446 : i32
    scf.if %cond3A_447 {
      %min3A = arith.constant 8383464 : i32
      %min3A_681 = arith.minsi %shift_left3A_382, %min3A : i32
      %multiple_of3A = tpu.assume_multiple %min3A_681, 8 : i32
      %sub3A_682 = arith.subi %select_n3A_378, %multiple_of3A : i32
      %mul3A_683 = arith.constant 4192 : i32
      %mul3A_684 = arith.muli %rem3A_387, %mul3A_683 : i32
      %add3A_685 = arith.constant 48 : i32
      %add3A_686 = arith.addi %mul3A_684, %add3A_685 : i32
      %sub3A_687 = arith.subi %add3A_686, %sub3A_682 : i32
      %multiple_of3A_688 = tpu.assume_multiple %sub3A_687, 8 : i32
      %dma_start3A_689 = tpu.memref_slice %arg6[%multiple_of3A_688] : memref<33536xf32, #tpu.memory_space<vmem>> -> memref<3096xf32, #tpu.memory_space<vmem>>
      %dma_start3A_690 = tpu.memref_slice %arg2[%multiple_of3A] : memref<8386560xf32, #tpu.memory_space<hbm>> -> memref<3096xf32, #tpu.memory_space<hbm>>
      %dma_start3A_691 = tpu.memref_slice %arg8[%rem3A_387] : memref<8x!tpu.dma_semaphore, #tpu.memory_space<semaphore_mem>> -> memref<1x!tpu.dma_semaphore, #tpu.memory_space<semaphore_mem>>
      %dma_start3A_692 = tpu.memref_squeeze %dma_start3A_691 : memref<1x!tpu.dma_semaphore, #tpu.memory_space<semaphore_mem>> -> memref<!tpu.dma_semaphore, #tpu.memory_space<semaphore_mem>>
      %dma_start3A_693 = tpu.memref_slice %arg6[%multiple_of3A_688] : memref<33536xf32, #tpu.memory_space<vmem>> -> memref<3096xf32, #tpu.memory_space<vmem>>
      %dma_start3A_694 = tpu.memref_slice %arg2[%multiple_of3A] : memref<8386560xf32, #tpu.memory_space<hbm>> -> memref<3096xf32, #tpu.memory_space<hbm>>
      tpu.enqueue_dma source(%dma_start3A_694 : memref<3096xf32, #tpu.memory_space<hbm>>) target(%dma_start3A_693 : memref<3096xf32, #tpu.memory_space<vmem>>) target_semaphore(%dma_start3A_692 : memref<!tpu.dma_semaphore, #tpu.memory_space<semaphore_mem>>)
    } else {
    }
    %eq3A_448 = arith.constant 12 : i32
    %eq3A_449 = arith.cmpi eq, %shift_right_arithmetic3A_384, %eq3A_448 : i32
    %convert_element_type3A_450 = arith.extui %eq3A_449 : i1 to i32
    %cond3A_451 = arith.constant 0 : i32
    %cond3A_452 = arith.cmpi ne, %convert_element_type3A_450, %cond3A_451 : i32
    scf.if %cond3A_452 {
      %min3A = arith.constant 8383208 : i32
      %min3A_681 = arith.minsi %shift_left3A_382, %min3A : i32
      %multiple_of3A = tpu.assume_multiple %min3A_681, 8 : i32
      %sub3A_682 = arith.subi %select_n3A_378, %multiple_of3A : i32
      %mul3A_683 = arith.constant 4192 : i32
      %mul3A_684 = arith.muli %rem3A_387, %mul3A_683 : i32
      %add3A_685 = arith.constant 48 : i32
      %add3A_686 = arith.addi %mul3A_684, %add3A_685 : i32
      %sub3A_687 = arith.subi %add3A_686, %sub3A_682 : i32
      %multiple_of3A_688 = tpu.assume_multiple %sub3A_687, 8 : i32
      %dma_start3A_689 = tpu.memref_slice %arg6[%multiple_of3A_688] : memref<33536xf32, #tpu.memory_space<vmem>> -> memref<3352xf32, #tpu.memory_space<vmem>>
      %dma_start3A_690 = tpu.memref_slice %arg2[%multiple_of3A] : memref<8386560xf32, #tpu.memory_space<hbm>> -> memref<3352xf32, #tpu.memory_space<hbm>>
      %dma_start3A_691 = tpu.memref_slice %arg8[%rem3A_387] : memref<8x!tpu.dma_semaphore, #tpu.memory_space<semaphore_mem>> -> memref<1x!tpu.dma_semaphore, #tpu.memory_space<semaphore_mem>>
      %dma_start3A_692 = tpu.memref_squeeze %dma_start3A_691 : memref<1x!tpu.dma_semaphore, #tpu.memory_space<semaphore_mem>> -> memref<!tpu.dma_semaphore, #tpu.memory_space<semaphore_mem>>
      %dma_start3A_693 = tpu.memref_slice %arg6[%multiple_of3A_688] : memref<33536xf32, #tpu.memory_space<vmem>> -> memref<3352xf32, #tpu.memory_space<vmem>>
      %dma_start3A_694 = tpu.memref_slice %arg2[%multiple_of3A] : memref<8386560xf32, #tpu.memory_space<hbm>> -> memref<3352xf32, #tpu.memory_space<hbm>>
      tpu.enqueue_dma source(%dma_start3A_694 : memref<3352xf32, #tpu.memory_space<hbm>>) target(%dma_start3A_693 : memref<3352xf32, #tpu.memory_space<vmem>>) target_semaphore(%dma_start3A_692 : memref<!tpu.dma_semaphore, #tpu.memory_space<semaphore_mem>>)
    } else {
    }
    %eq3A_453 = arith.constant 13 : i32
    %eq3A_454 = arith.cmpi eq, %shift_right_arithmetic3A_384, %eq3A_453 : i32
    %convert_element_type3A_455 = arith.extui %eq3A_454 : i1 to i32
    %cond3A_456 = arith.constant 0 : i32
    %cond3A_457 = arith.cmpi ne, %convert_element_type3A_455, %cond3A_456 : i32
    scf.if %cond3A_457 {
      %min3A = arith.constant 8382952 : i32
      %min3A_681 = arith.minsi %shift_left3A_382, %min3A : i32
      %multiple_of3A = tpu.assume_multiple %min3A_681, 8 : i32
      %sub3A_682 = arith.subi %select_n3A_378, %multiple_of3A : i32
      %mul3A_683 = arith.constant 4192 : i32
      %mul3A_684 = arith.muli %rem3A_387, %mul3A_683 : i32
      %add3A_685 = arith.constant 48 : i32
      %add3A_686 = arith.addi %mul3A_684, %add3A_685 : i32
      %sub3A_687 = arith.subi %add3A_686, %sub3A_682 : i32
      %multiple_of3A_688 = tpu.assume_multiple %sub3A_687, 8 : i32
      %dma_start3A_689 = tpu.memref_slice %arg6[%multiple_of3A_688] : memref<33536xf32, #tpu.memory_space<vmem>> -> memref<3608xf32, #tpu.memory_space<vmem>>
      %dma_start3A_690 = tpu.memref_slice %arg2[%multiple_of3A] : memref<8386560xf32, #tpu.memory_space<hbm>> -> memref<3608xf32, #tpu.memory_space<hbm>>
      %dma_start3A_691 = tpu.memref_slice %arg8[%rem3A_387] : memref<8x!tpu.dma_semaphore, #tpu.memory_space<semaphore_mem>> -> memref<1x!tpu.dma_semaphore, #tpu.memory_space<semaphore_mem>>
      %dma_start3A_692 = tpu.memref_squeeze %dma_start3A_691 : memref<1x!tpu.dma_semaphore, #tpu.memory_space<semaphore_mem>> -> memref<!tpu.dma_semaphore, #tpu.memory_space<semaphore_mem>>
      %dma_start3A_693 = tpu.memref_slice %arg6[%multiple_of3A_688] : memref<33536xf32, #tpu.memory_space<vmem>> -> memref<3608xf32, #tpu.memory_space<vmem>>
      %dma_start3A_694 = tpu.memref_slice %arg2[%multiple_of3A] : memref<8386560xf32, #tpu.memory_space<hbm>> -> memref<3608xf32, #tpu.memory_space<hbm>>
      tpu.enqueue_dma source(%dma_start3A_694 : memref<3608xf32, #tpu.memory_space<hbm>>) target(%dma_start3A_693 : memref<3608xf32, #tpu.memory_space<vmem>>) target_semaphore(%dma_start3A_692 : memref<!tpu.dma_semaphore, #tpu.memory_space<semaphore_mem>>)
    } else {
    }
    %eq3A_458 = arith.constant 14 : i32
    %eq3A_459 = arith.cmpi eq, %shift_right_arithmetic3A_384, %eq3A_458 : i32
    %convert_element_type3A_460 = arith.extui %eq3A_459 : i1 to i32
    %cond3A_461 = arith.constant 0 : i32
    %cond3A_462 = arith.cmpi ne, %convert_element_type3A_460, %cond3A_461 : i32
    scf.if %cond3A_462 {
      %min3A = arith.constant 8382696 : i32
      %min3A_681 = arith.minsi %shift_left3A_382, %min3A : i32
      %multiple_of3A = tpu.assume_multiple %min3A_681, 8 : i32
      %sub3A_682 = arith.subi %select_n3A_378, %multiple_of3A : i32
      %mul3A_683 = arith.constant 4192 : i32
      %mul3A_684 = arith.muli %rem3A_387, %mul3A_683 : i32
      %add3A_685 = arith.constant 48 : i32
      %add3A_686 = arith.addi %mul3A_684, %add3A_685 : i32
      %sub3A_687 = arith.subi %add3A_686, %sub3A_682 : i32
      %multiple_of3A_688 = tpu.assume_multiple %sub3A_687, 8 : i32
      %dma_start3A_689 = tpu.memref_slice %arg6[%multiple_of3A_688] : memref<33536xf32, #tpu.memory_space<vmem>> -> memref<3864xf32, #tpu.memory_space<vmem>>
      %dma_start3A_690 = tpu.memref_slice %arg2[%multiple_of3A] : memref<8386560xf32, #tpu.memory_space<hbm>> -> memref<3864xf32, #tpu.memory_space<hbm>>
      %dma_start3A_691 = tpu.memref_slice %arg8[%rem3A_387] : memref<8x!tpu.dma_semaphore, #tpu.memory_space<semaphore_mem>> -> memref<1x!tpu.dma_semaphore, #tpu.memory_space<semaphore_mem>>
      %dma_start3A_692 = tpu.memref_squeeze %dma_start3A_691 : memref<1x!tpu.dma_semaphore, #tpu.memory_space<semaphore_mem>> -> memref<!tpu.dma_semaphore, #tpu.memory_space<semaphore_mem>>
      %dma_start3A_693 = tpu.memref_slice %arg6[%multiple_of3A_688] : memref<33536xf32, #tpu.memory_space<vmem>> -> memref<3864xf32, #tpu.memory_space<vmem>>
      %dma_start3A_694 = tpu.memref_slice %arg2[%multiple_of3A] : memref<8386560xf32, #tpu.memory_space<hbm>> -> memref<3864xf32, #tpu.memory_space<hbm>>
      tpu.enqueue_dma source(%dma_start3A_694 : memref<3864xf32, #tpu.memory_space<hbm>>) target(%dma_start3A_693 : memref<3864xf32, #tpu.memory_space<vmem>>) target_semaphore(%dma_start3A_692 : memref<!tpu.dma_semaphore, #tpu.memory_space<semaphore_mem>>)
    } else {
    }
    %eq3A_463 = arith.constant 15 : i32
    %eq3A_464 = arith.cmpi eq, %shift_right_arithmetic3A_384, %eq3A_463 : i32
    %convert_element_type3A_465 = arith.extui %eq3A_464 : i1 to i32
    %cond3A_466 = arith.constant 0 : i32
    %cond3A_467 = arith.cmpi ne, %convert_element_type3A_465, %cond3A_466 : i32
    scf.if %cond3A_467 {
      %min3A = arith.constant 8382440 : i32
      %min3A_681 = arith.minsi %shift_left3A_382, %min3A : i32
      %multiple_of3A = tpu.assume_multiple %min3A_681, 8 : i32
      %sub3A_682 = arith.subi %select_n3A_378, %multiple_of3A : i32
      %mul3A_683 = arith.constant 4192 : i32
      %mul3A_684 = arith.muli %rem3A_387, %mul3A_683 : i32
      %add3A_685 = arith.constant 48 : i32
      %add3A_686 = arith.addi %mul3A_684, %add3A_685 : i32
      %sub3A_687 = arith.subi %add3A_686, %sub3A_682 : i32
      %multiple_of3A_688 = tpu.assume_multiple %sub3A_687, 8 : i32
      %dma_start3A_689 = tpu.memref_slice %arg6[%multiple_of3A_688] : memref<33536xf32, #tpu.memory_space<vmem>> -> memref<4120xf32, #tpu.memory_space<vmem>>
      %dma_start3A_690 = tpu.memref_slice %arg2[%multiple_of3A] : memref<8386560xf32, #tpu.memory_space<hbm>> -> memref<4120xf32, #tpu.memory_space<hbm>>
      %dma_start3A_691 = tpu.memref_slice %arg8[%rem3A_387] : memref<8x!tpu.dma_semaphore, #tpu.memory_space<semaphore_mem>> -> memref<1x!tpu.dma_semaphore, #tpu.memory_space<semaphore_mem>>
      %dma_start3A_692 = tpu.memref_squeeze %dma_start3A_691 : memref<1x!tpu.dma_semaphore, #tpu.memory_space<semaphore_mem>> -> memref<!tpu.dma_semaphore, #tpu.memory_space<semaphore_mem>>
      %dma_start3A_693 = tpu.memref_slice %arg6[%multiple_of3A_688] : memref<33536xf32, #tpu.memory_space<vmem>> -> memref<4120xf32, #tpu.memory_space<vmem>>
      %dma_start3A_694 = tpu.memref_slice %arg2[%multiple_of3A] : memref<8386560xf32, #tpu.memory_space<hbm>> -> memref<4120xf32, #tpu.memory_space<hbm>>
      tpu.enqueue_dma source(%dma_start3A_694 : memref<4120xf32, #tpu.memory_space<hbm>>) target(%dma_start3A_693 : memref<4120xf32, #tpu.memory_space<vmem>>) target_semaphore(%dma_start3A_692 : memref<!tpu.dma_semaphore, #tpu.memory_space<semaphore_mem>>)
    } else {
    }
    %add3A_468 = arith.constant 96 : i32
    %add3A_469 = arith.addi %add3A, %add3A_468 : i32
    %sub3A_470 = arith.constant 1 : i32
    %sub3A_471 = arith.subi %add3A_469, %sub3A_470 : i32
    %mul3A_472 = arith.muli %add3A_469, %sub3A_471 : i32
    %jit3A_473 = arith.constant 2 : i32
    %div3A_474 = arith.divsi %mul3A_472, %jit3A_473 : i32
    %sign3A_475 = arith.constant 0 : i32
    %sign3A_476 = arith.cmpi sgt, %mul3A_472, %sign3A_475 : i32
    %sign3A_477 = arith.extui %sign3A_476 : i1 to i32
    %sign3A_478 = arith.constant 0 : i32
    %sign3A_479 = arith.cmpi slt, %mul3A_472, %sign3A_478 : i32
    %sign3A_480 = arith.extui %sign3A_479 : i1 to i32
    %sign3A_481 = arith.subi %sign3A_477, %sign3A_480 : i32
    %sign3A_482 = arith.constant 0 : i32
    %sign3A_483 = arith.cmpi sgt, %jit3A_473, %sign3A_482 : i32
    %sign3A_484 = arith.extui %sign3A_483 : i1 to i32
    %sign3A_485 = arith.constant 0 : i32
    %sign3A_486 = arith.cmpi slt, %jit3A_473, %sign3A_485 : i32
    %sign3A_487 = arith.extui %sign3A_486 : i1 to i32
    %sign3A_488 = arith.subi %sign3A_484, %sign3A_487 : i32
    %ne3A_489 = arith.cmpi ne, %sign3A_481, %sign3A_488 : i32
    %rem3A_490 = arith.remsi %mul3A_472, %jit3A_473 : i32
    %ne3A_491 = arith.constant 0 : i32
    %ne3A_492 = arith.cmpi ne, %rem3A_490, %ne3A_491 : i32
    %and3A_493 = arith.andi %ne3A_489, %ne3A_492 : i1
    %sub3A_494 = arith.constant 1 : i32
    %sub3A_495 = arith.subi %div3A_474, %sub3A_494 : i32
    %select_n3A_496 = arith.select %and3A_493, %sub3A_495, %div3A_474 : i32
    %shift_right_arithmetic3A_497 = arith.constant 3 : i32
    %shift_right_arithmetic3A_498 = arith.shrsi %select_n3A_496, %shift_right_arithmetic3A_497 : i32
    %shift_left3A_499 = arith.constant 3 : i32
    %shift_left3A_500 = arith.shli %shift_right_arithmetic3A_498, %shift_left3A_499 : i32
    %shift_right_arithmetic3A_501 = arith.constant 8 : i32
    %shift_right_arithmetic3A_502 = arith.shrsi %add3A_469, %shift_right_arithmetic3A_501 : i32
    %rem3A_503 = arith.constant 3 : i32
    %rem3A_504 = arith.constant 8 : i32
    %rem3A_505 = arith.remsi %rem3A_503, %rem3A_504 : i32
    %eq3A_506 = arith.constant 0 : i32
    %eq3A_507 = arith.cmpi eq, %shift_right_arithmetic3A_502, %eq3A_506 : i32
    %convert_element_type3A_508 = arith.extui %eq3A_507 : i1 to i32
    %cond3A_509 = arith.constant 0 : i32
    %cond3A_510 = arith.cmpi ne, %convert_element_type3A_508, %cond3A_509 : i32
    scf.if %cond3A_510 {
      %min3A = arith.constant 8386280 : i32
      %min3A_681 = arith.minsi %shift_left3A_500, %min3A : i32
      %multiple_of3A = tpu.assume_multiple %min3A_681, 8 : i32
      %sub3A_682 = arith.subi %select_n3A_496, %multiple_of3A : i32
      %mul3A_683 = arith.constant 4192 : i32
      %mul3A_684 = arith.muli %rem3A_505, %mul3A_683 : i32
      %add3A_685 = arith.constant 48 : i32
      %add3A_686 = arith.addi %mul3A_684, %add3A_685 : i32
      %sub3A_687 = arith.subi %add3A_686, %sub3A_682 : i32
      %multiple_of3A_688 = tpu.assume_multiple %sub3A_687, 8 : i32
      %dma_start3A_689 = tpu.memref_slice %arg6[%multiple_of3A_688] : memref<33536xf32, #tpu.memory_space<vmem>> -> memref<280xf32, #tpu.memory_space<vmem>>
      %dma_start3A_690 = tpu.memref_slice %arg2[%multiple_of3A] : memref<8386560xf32, #tpu.memory_space<hbm>> -> memref<280xf32, #tpu.memory_space<hbm>>
      %dma_start3A_691 = tpu.memref_slice %arg8[%rem3A_505] : memref<8x!tpu.dma_semaphore, #tpu.memory_space<semaphore_mem>> -> memref<1x!tpu.dma_semaphore, #tpu.memory_space<semaphore_mem>>
      %dma_start3A_692 = tpu.memref_squeeze %dma_start3A_691 : memref<1x!tpu.dma_semaphore, #tpu.memory_space<semaphore_mem>> -> memref<!tpu.dma_semaphore, #tpu.memory_space<semaphore_mem>>
      %dma_start3A_693 = tpu.memref_slice %arg6[%multiple_of3A_688] : memref<33536xf32, #tpu.memory_space<vmem>> -> memref<280xf32, #tpu.memory_space<vmem>>
      %dma_start3A_694 = tpu.memref_slice %arg2[%multiple_of3A] : memref<8386560xf32, #tpu.memory_space<hbm>> -> memref<280xf32, #tpu.memory_space<hbm>>
      tpu.enqueue_dma source(%dma_start3A_694 : memref<280xf32, #tpu.memory_space<hbm>>) target(%dma_start3A_693 : memref<280xf32, #tpu.memory_space<vmem>>) target_semaphore(%dma_start3A_692 : memref<!tpu.dma_semaphore, #tpu.memory_space<semaphore_mem>>)
    } else {
    }
    %eq3A_511 = arith.constant 1 : i32
    %eq3A_512 = arith.cmpi eq, %shift_right_arithmetic3A_502, %eq3A_511 : i32
    %convert_element_type3A_513 = arith.extui %eq3A_512 : i1 to i32
    %cond3A_514 = arith.constant 0 : i32
    %cond3A_515 = arith.cmpi ne, %convert_element_type3A_513, %cond3A_514 : i32
    scf.if %cond3A_515 {
      %min3A = arith.constant 8386024 : i32
      %min3A_681 = arith.minsi %shift_left3A_500, %min3A : i32
      %multiple_of3A = tpu.assume_multiple %min3A_681, 8 : i32
      %sub3A_682 = arith.subi %select_n3A_496, %multiple_of3A : i32
      %mul3A_683 = arith.constant 4192 : i32
      %mul3A_684 = arith.muli %rem3A_505, %mul3A_683 : i32
      %add3A_685 = arith.constant 48 : i32
      %add3A_686 = arith.addi %mul3A_684, %add3A_685 : i32
      %sub3A_687 = arith.subi %add3A_686, %sub3A_682 : i32
      %multiple_of3A_688 = tpu.assume_multiple %sub3A_687, 8 : i32
      %dma_start3A_689 = tpu.memref_slice %arg6[%multiple_of3A_688] : memref<33536xf32, #tpu.memory_space<vmem>> -> memref<536xf32, #tpu.memory_space<vmem>>
      %dma_start3A_690 = tpu.memref_slice %arg2[%multiple_of3A] : memref<8386560xf32, #tpu.memory_space<hbm>> -> memref<536xf32, #tpu.memory_space<hbm>>
      %dma_start3A_691 = tpu.memref_slice %arg8[%rem3A_505] : memref<8x!tpu.dma_semaphore, #tpu.memory_space<semaphore_mem>> -> memref<1x!tpu.dma_semaphore, #tpu.memory_space<semaphore_mem>>
      %dma_start3A_692 = tpu.memref_squeeze %dma_start3A_691 : memref<1x!tpu.dma_semaphore, #tpu.memory_space<semaphore_mem>> -> memref<!tpu.dma_semaphore, #tpu.memory_space<semaphore_mem>>
      %dma_start3A_693 = tpu.memref_slice %arg6[%multiple_of3A_688] : memref<33536xf32, #tpu.memory_space<vmem>> -> memref<536xf32, #tpu.memory_space<vmem>>
      %dma_start3A_694 = tpu.memref_slice %arg2[%multiple_of3A] : memref<8386560xf32, #tpu.memory_space<hbm>> -> memref<536xf32, #tpu.memory_space<hbm>>
      tpu.enqueue_dma source(%dma_start3A_694 : memref<536xf32, #tpu.memory_space<hbm>>) target(%dma_start3A_693 : memref<536xf32, #tpu.memory_space<vmem>>) target_semaphore(%dma_start3A_692 : memref<!tpu.dma_semaphore, #tpu.memory_space<semaphore_mem>>)
    } else {
    }
    %eq3A_516 = arith.constant 2 : i32
    %eq3A_517 = arith.cmpi eq, %shift_right_arithmetic3A_502, %eq3A_516 : i32
    %convert_element_type3A_518 = arith.extui %eq3A_517 : i1 to i32
    %cond3A_519 = arith.constant 0 : i32
    %cond3A_520 = arith.cmpi ne, %convert_element_type3A_518, %cond3A_519 : i32
    scf.if %cond3A_520 {
      %min3A = arith.constant 8385768 : i32
      %min3A_681 = arith.minsi %shift_left3A_500, %min3A : i32
      %multiple_of3A = tpu.assume_multiple %min3A_681, 8 : i32
      %sub3A_682 = arith.subi %select_n3A_496, %multiple_of3A : i32
      %mul3A_683 = arith.constant 4192 : i32
      %mul3A_684 = arith.muli %rem3A_505, %mul3A_683 : i32
      %add3A_685 = arith.constant 48 : i32
      %add3A_686 = arith.addi %mul3A_684, %add3A_685 : i32
      %sub3A_687 = arith.subi %add3A_686, %sub3A_682 : i32
      %multiple_of3A_688 = tpu.assume_multiple %sub3A_687, 8 : i32
      %dma_start3A_689 = tpu.memref_slice %arg6[%multiple_of3A_688] : memref<33536xf32, #tpu.memory_space<vmem>> -> memref<792xf32, #tpu.memory_space<vmem>>
      %dma_start3A_690 = tpu.memref_slice %arg2[%multiple_of3A] : memref<8386560xf32, #tpu.memory_space<hbm>> -> memref<792xf32, #tpu.memory_space<hbm>>
      %dma_start3A_691 = tpu.memref_slice %arg8[%rem3A_505] : memref<8x!tpu.dma_semaphore, #tpu.memory_space<semaphore_mem>> -> memref<1x!tpu.dma_semaphore, #tpu.memory_space<semaphore_mem>>
      %dma_start3A_692 = tpu.memref_squeeze %dma_start3A_691 : memref<1x!tpu.dma_semaphore, #tpu.memory_space<semaphore_mem>> -> memref<!tpu.dma_semaphore, #tpu.memory_space<semaphore_mem>>
      %dma_start3A_693 = tpu.memref_slice %arg6[%multiple_of3A_688] : memref<33536xf32, #tpu.memory_space<vmem>> -> memref<792xf32, #tpu.memory_space<vmem>>
      %dma_start3A_694 = tpu.memref_slice %arg2[%multiple_of3A] : memref<8386560xf32, #tpu.memory_space<hbm>> -> memref<792xf32, #tpu.memory_space<hbm>>
      tpu.enqueue_dma source(%dma_start3A_694 : memref<792xf32, #tpu.memory_space<hbm>>) target(%dma_start3A_693 : memref<792xf32, #tpu.memory_space<vmem>>) target_semaphore(%dma_start3A_692 : memref<!tpu.dma_semaphore, #tpu.memory_space<semaphore_mem>>)
    } else {
    }
    %eq3A_521 = arith.constant 3 : i32
    %eq3A_522 = arith.cmpi eq, %shift_right_arithmetic3A_502, %eq3A_521 : i32
    %convert_element_type3A_523 = arith.extui %eq3A_522 : i1 to i32
    %cond3A_524 = arith.constant 0 : i32
    %cond3A_525 = arith.cmpi ne, %convert_element_type3A_523, %cond3A_524 : i32
    scf.if %cond3A_525 {
      %min3A = arith.constant 8385512 : i32
      %min3A_681 = arith.minsi %shift_left3A_500, %min3A : i32
      %multiple_of3A = tpu.assume_multiple %min3A_681, 8 : i32
      %sub3A_682 = arith.subi %select_n3A_496, %multiple_of3A : i32
      %mul3A_683 = arith.constant 4192 : i32
      %mul3A_684 = arith.muli %rem3A_505, %mul3A_683 : i32
      %add3A_685 = arith.constant 48 : i32
      %add3A_686 = arith.addi %mul3A_684, %add3A_685 : i32
      %sub3A_687 = arith.subi %add3A_686, %sub3A_682 : i32
      %multiple_of3A_688 = tpu.assume_multiple %sub3A_687, 8 : i32
      %dma_start3A_689 = tpu.memref_slice %arg6[%multiple_of3A_688] : memref<33536xf32, #tpu.memory_space<vmem>> -> memref<1048xf32, #tpu.memory_space<vmem>>
      %dma_start3A_690 = tpu.memref_slice %arg2[%multiple_of3A] : memref<8386560xf32, #tpu.memory_space<hbm>> -> memref<1048xf32, #tpu.memory_space<hbm>>
      %dma_start3A_691 = tpu.memref_slice %arg8[%rem3A_505] : memref<8x!tpu.dma_semaphore, #tpu.memory_space<semaphore_mem>> -> memref<1x!tpu.dma_semaphore, #tpu.memory_space<semaphore_mem>>
      %dma_start3A_692 = tpu.memref_squeeze %dma_start3A_691 : memref<1x!tpu.dma_semaphore, #tpu.memory_space<semaphore_mem>> -> memref<!tpu.dma_semaphore, #tpu.memory_space<semaphore_mem>>
      %dma_start3A_693 = tpu.memref_slice %arg6[%multiple_of3A_688] : memref<33536xf32, #tpu.memory_space<vmem>> -> memref<1048xf32, #tpu.memory_space<vmem>>
      %dma_start3A_694 = tpu.memref_slice %arg2[%multiple_of3A] : memref<8386560xf32, #tpu.memory_space<hbm>> -> memref<1048xf32, #tpu.memory_space<hbm>>
      tpu.enqueue_dma source(%dma_start3A_694 : memref<1048xf32, #tpu.memory_space<hbm>>) target(%dma_start3A_693 : memref<1048xf32, #tpu.memory_space<vmem>>) target_semaphore(%dma_start3A_692 : memref<!tpu.dma_semaphore, #tpu.memory_space<semaphore_mem>>)
    } else {
    }
    %eq3A_526 = arith.constant 4 : i32
    %eq3A_527 = arith.cmpi eq, %shift_right_arithmetic3A_502, %eq3A_526 : i32
    %convert_element_type3A_528 = arith.extui %eq3A_527 : i1 to i32
    %cond3A_529 = arith.constant 0 : i32
    %cond3A_530 = arith.cmpi ne, %convert_element_type3A_528, %cond3A_529 : i32
    scf.if %cond3A_530 {
      %min3A = arith.constant 8385256 : i32
      %min3A_681 = arith.minsi %shift_left3A_500, %min3A : i32
      %multiple_of3A = tpu.assume_multiple %min3A_681, 8 : i32
      %sub3A_682 = arith.subi %select_n3A_496, %multiple_of3A : i32
      %mul3A_683 = arith.constant 4192 : i32
      %mul3A_684 = arith.muli %rem3A_505, %mul3A_683 : i32
      %add3A_685 = arith.constant 48 : i32
      %add3A_686 = arith.addi %mul3A_684, %add3A_685 : i32
      %sub3A_687 = arith.subi %add3A_686, %sub3A_682 : i32
      %multiple_of3A_688 = tpu.assume_multiple %sub3A_687, 8 : i32
      %dma_start3A_689 = tpu.memref_slice %arg6[%multiple_of3A_688] : memref<33536xf32, #tpu.memory_space<vmem>> -> memref<1304xf32, #tpu.memory_space<vmem>>
      %dma_start3A_690 = tpu.memref_slice %arg2[%multiple_of3A] : memref<8386560xf32, #tpu.memory_space<hbm>> -> memref<1304xf32, #tpu.memory_space<hbm>>
      %dma_start3A_691 = tpu.memref_slice %arg8[%rem3A_505] : memref<8x!tpu.dma_semaphore, #tpu.memory_space<semaphore_mem>> -> memref<1x!tpu.dma_semaphore, #tpu.memory_space<semaphore_mem>>
      %dma_start3A_692 = tpu.memref_squeeze %dma_start3A_691 : memref<1x!tpu.dma_semaphore, #tpu.memory_space<semaphore_mem>> -> memref<!tpu.dma_semaphore, #tpu.memory_space<semaphore_mem>>
      %dma_start3A_693 = tpu.memref_slice %arg6[%multiple_of3A_688] : memref<33536xf32, #tpu.memory_space<vmem>> -> memref<1304xf32, #tpu.memory_space<vmem>>
      %dma_start3A_694 = tpu.memref_slice %arg2[%multiple_of3A] : memref<8386560xf32, #tpu.memory_space<hbm>> -> memref<1304xf32, #tpu.memory_space<hbm>>
      tpu.enqueue_dma source(%dma_start3A_694 : memref<1304xf32, #tpu.memory_space<hbm>>) target(%dma_start3A_693 : memref<1304xf32, #tpu.memory_space<vmem>>) target_semaphore(%dma_start3A_692 : memref<!tpu.dma_semaphore, #tpu.memory_space<semaphore_mem>>)
    } else {
    }
    %eq3A_531 = arith.constant 5 : i32
    %eq3A_532 = arith.cmpi eq, %shift_right_arithmetic3A_502, %eq3A_531 : i32
    %convert_element_type3A_533 = arith.extui %eq3A_532 : i1 to i32
    %cond3A_534 = arith.constant 0 : i32
    %cond3A_535 = arith.cmpi ne, %convert_element_type3A_533, %cond3A_534 : i32
    scf.if %cond3A_535 {
      %min3A = arith.constant 8385000 : i32
      %min3A_681 = arith.minsi %shift_left3A_500, %min3A : i32
      %multiple_of3A = tpu.assume_multiple %min3A_681, 8 : i32
      %sub3A_682 = arith.subi %select_n3A_496, %multiple_of3A : i32
      %mul3A_683 = arith.constant 4192 : i32
      %mul3A_684 = arith.muli %rem3A_505, %mul3A_683 : i32
      %add3A_685 = arith.constant 48 : i32
      %add3A_686 = arith.addi %mul3A_684, %add3A_685 : i32
      %sub3A_687 = arith.subi %add3A_686, %sub3A_682 : i32
      %multiple_of3A_688 = tpu.assume_multiple %sub3A_687, 8 : i32
      %dma_start3A_689 = tpu.memref_slice %arg6[%multiple_of3A_688] : memref<33536xf32, #tpu.memory_space<vmem>> -> memref<1560xf32, #tpu.memory_space<vmem>>
      %dma_start3A_690 = tpu.memref_slice %arg2[%multiple_of3A] : memref<8386560xf32, #tpu.memory_space<hbm>> -> memref<1560xf32, #tpu.memory_space<hbm>>
      %dma_start3A_691 = tpu.memref_slice %arg8[%rem3A_505] : memref<8x!tpu.dma_semaphore, #tpu.memory_space<semaphore_mem>> -> memref<1x!tpu.dma_semaphore, #tpu.memory_space<semaphore_mem>>
      %dma_start3A_692 = tpu.memref_squeeze %dma_start3A_691 : memref<1x!tpu.dma_semaphore, #tpu.memory_space<semaphore_mem>> -> memref<!tpu.dma_semaphore, #tpu.memory_space<semaphore_mem>>
      %dma_start3A_693 = tpu.memref_slice %arg6[%multiple_of3A_688] : memref<33536xf32, #tpu.memory_space<vmem>> -> memref<1560xf32, #tpu.memory_space<vmem>>
      %dma_start3A_694 = tpu.memref_slice %arg2[%multiple_of3A] : memref<8386560xf32, #tpu.memory_space<hbm>> -> memref<1560xf32, #tpu.memory_space<hbm>>
      tpu.enqueue_dma source(%dma_start3A_694 : memref<1560xf32, #tpu.memory_space<hbm>>) target(%dma_start3A_693 : memref<1560xf32, #tpu.memory_space<vmem>>) target_semaphore(%dma_start3A_692 : memref<!tpu.dma_semaphore, #tpu.memory_space<semaphore_mem>>)
    } else {
    }
    %eq3A_536 = arith.constant 6 : i32
    %eq3A_537 = arith.cmpi eq, %shift_right_arithmetic3A_502, %eq3A_536 : i32
    %convert_element_type3A_538 = arith.extui %eq3A_537 : i1 to i32
    %cond3A_539 = arith.constant 0 : i32
    %cond3A_540 = arith.cmpi ne, %convert_element_type3A_538, %cond3A_539 : i32
    scf.if %cond3A_540 {
      %min3A = arith.constant 8384744 : i32
      %min3A_681 = arith.minsi %shift_left3A_500, %min3A : i32
      %multiple_of3A = tpu.assume_multiple %min3A_681, 8 : i32
      %sub3A_682 = arith.subi %select_n3A_496, %multiple_of3A : i32
      %mul3A_683 = arith.constant 4192 : i32
      %mul3A_684 = arith.muli %rem3A_505, %mul3A_683 : i32
      %add3A_685 = arith.constant 48 : i32
      %add3A_686 = arith.addi %mul3A_684, %add3A_685 : i32
      %sub3A_687 = arith.subi %add3A_686, %sub3A_682 : i32
      %multiple_of3A_688 = tpu.assume_multiple %sub3A_687, 8 : i32
      %dma_start3A_689 = tpu.memref_slice %arg6[%multiple_of3A_688] : memref<33536xf32, #tpu.memory_space<vmem>> -> memref<1816xf32, #tpu.memory_space<vmem>>
      %dma_start3A_690 = tpu.memref_slice %arg2[%multiple_of3A] : memref<8386560xf32, #tpu.memory_space<hbm>> -> memref<1816xf32, #tpu.memory_space<hbm>>
      %dma_start3A_691 = tpu.memref_slice %arg8[%rem3A_505] : memref<8x!tpu.dma_semaphore, #tpu.memory_space<semaphore_mem>> -> memref<1x!tpu.dma_semaphore, #tpu.memory_space<semaphore_mem>>
      %dma_start3A_692 = tpu.memref_squeeze %dma_start3A_691 : memref<1x!tpu.dma_semaphore, #tpu.memory_space<semaphore_mem>> -> memref<!tpu.dma_semaphore, #tpu.memory_space<semaphore_mem>>
      %dma_start3A_693 = tpu.memref_slice %arg6[%multiple_of3A_688] : memref<33536xf32, #tpu.memory_space<vmem>> -> memref<1816xf32, #tpu.memory_space<vmem>>
      %dma_start3A_694 = tpu.memref_slice %arg2[%multiple_of3A] : memref<8386560xf32, #tpu.memory_space<hbm>> -> memref<1816xf32, #tpu.memory_space<hbm>>
      tpu.enqueue_dma source(%dma_start3A_694 : memref<1816xf32, #tpu.memory_space<hbm>>) target(%dma_start3A_693 : memref<1816xf32, #tpu.memory_space<vmem>>) target_semaphore(%dma_start3A_692 : memref<!tpu.dma_semaphore, #tpu.memory_space<semaphore_mem>>)
    } else {
    }
    %eq3A_541 = arith.constant 7 : i32
    %eq3A_542 = arith.cmpi eq, %shift_right_arithmetic3A_502, %eq3A_541 : i32
    %convert_element_type3A_543 = arith.extui %eq3A_542 : i1 to i32
    %cond3A_544 = arith.constant 0 : i32
    %cond3A_545 = arith.cmpi ne, %convert_element_type3A_543, %cond3A_544 : i32
    scf.if %cond3A_545 {
      %min3A = arith.constant 8384488 : i32
      %min3A_681 = arith.minsi %shift_left3A_500, %min3A : i32
      %multiple_of3A = tpu.assume_multiple %min3A_681, 8 : i32
      %sub3A_682 = arith.subi %select_n3A_496, %multiple_of3A : i32
      %mul3A_683 = arith.constant 4192 : i32
      %mul3A_684 = arith.muli %rem3A_505, %mul3A_683 : i32
      %add3A_685 = arith.constant 48 : i32
      %add3A_686 = arith.addi %mul3A_684, %add3A_685 : i32
      %sub3A_687 = arith.subi %add3A_686, %sub3A_682 : i32
      %multiple_of3A_688 = tpu.assume_multiple %sub3A_687, 8 : i32
      %dma_start3A_689 = tpu.memref_slice %arg6[%multiple_of3A_688] : memref<33536xf32, #tpu.memory_space<vmem>> -> memref<2072xf32, #tpu.memory_space<vmem>>
      %dma_start3A_690 = tpu.memref_slice %arg2[%multiple_of3A] : memref<8386560xf32, #tpu.memory_space<hbm>> -> memref<2072xf32, #tpu.memory_space<hbm>>
      %dma_start3A_691 = tpu.memref_slice %arg8[%rem3A_505] : memref<8x!tpu.dma_semaphore, #tpu.memory_space<semaphore_mem>> -> memref<1x!tpu.dma_semaphore, #tpu.memory_space<semaphore_mem>>
      %dma_start3A_692 = tpu.memref_squeeze %dma_start3A_691 : memref<1x!tpu.dma_semaphore, #tpu.memory_space<semaphore_mem>> -> memref<!tpu.dma_semaphore, #tpu.memory_space<semaphore_mem>>
      %dma_start3A_693 = tpu.memref_slice %arg6[%multiple_of3A_688] : memref<33536xf32, #tpu.memory_space<vmem>> -> memref<2072xf32, #tpu.memory_space<vmem>>
      %dma_start3A_694 = tpu.memref_slice %arg2[%multiple_of3A] : memref<8386560xf32, #tpu.memory_space<hbm>> -> memref<2072xf32, #tpu.memory_space<hbm>>
      tpu.enqueue_dma source(%dma_start3A_694 : memref<2072xf32, #tpu.memory_space<hbm>>) target(%dma_start3A_693 : memref<2072xf32, #tpu.memory_space<vmem>>) target_semaphore(%dma_start3A_692 : memref<!tpu.dma_semaphore, #tpu.memory_space<semaphore_mem>>)
    } else {
    }
    %eq3A_546 = arith.constant 8 : i32
    %eq3A_547 = arith.cmpi eq, %shift_right_arithmetic3A_502, %eq3A_546 : i32
    %convert_element_type3A_548 = arith.extui %eq3A_547 : i1 to i32
    %cond3A_549 = arith.constant 0 : i32
    %cond3A_550 = arith.cmpi ne, %convert_element_type3A_548, %cond3A_549 : i32
    scf.if %cond3A_550 {
      %min3A = arith.constant 8384232 : i32
      %min3A_681 = arith.minsi %shift_left3A_500, %min3A : i32
      %multiple_of3A = tpu.assume_multiple %min3A_681, 8 : i32
      %sub3A_682 = arith.subi %select_n3A_496, %multiple_of3A : i32
      %mul3A_683 = arith.constant 4192 : i32
      %mul3A_684 = arith.muli %rem3A_505, %mul3A_683 : i32
      %add3A_685 = arith.constant 48 : i32
      %add3A_686 = arith.addi %mul3A_684, %add3A_685 : i32
      %sub3A_687 = arith.subi %add3A_686, %sub3A_682 : i32
      %multiple_of3A_688 = tpu.assume_multiple %sub3A_687, 8 : i32
      %dma_start3A_689 = tpu.memref_slice %arg6[%multiple_of3A_688] : memref<33536xf32, #tpu.memory_space<vmem>> -> memref<2328xf32, #tpu.memory_space<vmem>>
      %dma_start3A_690 = tpu.memref_slice %arg2[%multiple_of3A] : memref<8386560xf32, #tpu.memory_space<hbm>> -> memref<2328xf32, #tpu.memory_space<hbm>>
      %dma_start3A_691 = tpu.memref_slice %arg8[%rem3A_505] : memref<8x!tpu.dma_semaphore, #tpu.memory_space<semaphore_mem>> -> memref<1x!tpu.dma_semaphore, #tpu.memory_space<semaphore_mem>>
      %dma_start3A_692 = tpu.memref_squeeze %dma_start3A_691 : memref<1x!tpu.dma_semaphore, #tpu.memory_space<semaphore_mem>> -> memref<!tpu.dma_semaphore, #tpu.memory_space<semaphore_mem>>
      %dma_start3A_693 = tpu.memref_slice %arg6[%multiple_of3A_688] : memref<33536xf32, #tpu.memory_space<vmem>> -> memref<2328xf32, #tpu.memory_space<vmem>>
      %dma_start3A_694 = tpu.memref_slice %arg2[%multiple_of3A] : memref<8386560xf32, #tpu.memory_space<hbm>> -> memref<2328xf32, #tpu.memory_space<hbm>>
      tpu.enqueue_dma source(%dma_start3A_694 : memref<2328xf32, #tpu.memory_space<hbm>>) target(%dma_start3A_693 : memref<2328xf32, #tpu.memory_space<vmem>>) target_semaphore(%dma_start3A_692 : memref<!tpu.dma_semaphore, #tpu.memory_space<semaphore_mem>>)
    } else {
    }
    %eq3A_551 = arith.constant 9 : i32
    %eq3A_552 = arith.cmpi eq, %shift_right_arithmetic3A_502, %eq3A_551 : i32
    %convert_element_type3A_553 = arith.extui %eq3A_552 : i1 to i32
    %cond3A_554 = arith.constant 0 : i32
    %cond3A_555 = arith.cmpi ne, %convert_element_type3A_553, %cond3A_554 : i32
    scf.if %cond3A_555 {
      %min3A = arith.constant 8383976 : i32
      %min3A_681 = arith.minsi %shift_left3A_500, %min3A : i32
      %multiple_of3A = tpu.assume_multiple %min3A_681, 8 : i32
      %sub3A_682 = arith.subi %select_n3A_496, %multiple_of3A : i32
      %mul3A_683 = arith.constant 4192 : i32
      %mul3A_684 = arith.muli %rem3A_505, %mul3A_683 : i32
      %add3A_685 = arith.constant 48 : i32
      %add3A_686 = arith.addi %mul3A_684, %add3A_685 : i32
      %sub3A_687 = arith.subi %add3A_686, %sub3A_682 : i32
      %multiple_of3A_688 = tpu.assume_multiple %sub3A_687, 8 : i32
      %dma_start3A_689 = tpu.memref_slice %arg6[%multiple_of3A_688] : memref<33536xf32, #tpu.memory_space<vmem>> -> memref<2584xf32, #tpu.memory_space<vmem>>
      %dma_start3A_690 = tpu.memref_slice %arg2[%multiple_of3A] : memref<8386560xf32, #tpu.memory_space<hbm>> -> memref<2584xf32, #tpu.memory_space<hbm>>
      %dma_start3A_691 = tpu.memref_slice %arg8[%rem3A_505] : memref<8x!tpu.dma_semaphore, #tpu.memory_space<semaphore_mem>> -> memref<1x!tpu.dma_semaphore, #tpu.memory_space<semaphore_mem>>
      %dma_start3A_692 = tpu.memref_squeeze %dma_start3A_691 : memref<1x!tpu.dma_semaphore, #tpu.memory_space<semaphore_mem>> -> memref<!tpu.dma_semaphore, #tpu.memory_space<semaphore_mem>>
      %dma_start3A_693 = tpu.memref_slice %arg6[%multiple_of3A_688] : memref<33536xf32, #tpu.memory_space<vmem>> -> memref<2584xf32, #tpu.memory_space<vmem>>
      %dma_start3A_694 = tpu.memref_slice %arg2[%multiple_of3A] : memref<8386560xf32, #tpu.memory_space<hbm>> -> memref<2584xf32, #tpu.memory_space<hbm>>
      tpu.enqueue_dma source(%dma_start3A_694 : memref<2584xf32, #tpu.memory_space<hbm>>) target(%dma_start3A_693 : memref<2584xf32, #tpu.memory_space<vmem>>) target_semaphore(%dma_start3A_692 : memref<!tpu.dma_semaphore, #tpu.memory_space<semaphore_mem>>)
    } else {
    }
    %eq3A_556 = arith.constant 10 : i32
    %eq3A_557 = arith.cmpi eq, %shift_right_arithmetic3A_502, %eq3A_556 : i32
    %convert_element_type3A_558 = arith.extui %eq3A_557 : i1 to i32
    %cond3A_559 = arith.constant 0 : i32
    %cond3A_560 = arith.cmpi ne, %convert_element_type3A_558, %cond3A_559 : i32
    scf.if %cond3A_560 {
      %min3A = arith.constant 8383720 : i32
      %min3A_681 = arith.minsi %shift_left3A_500, %min3A : i32
      %multiple_of3A = tpu.assume_multiple %min3A_681, 8 : i32
      %sub3A_682 = arith.subi %select_n3A_496, %multiple_of3A : i32
      %mul3A_683 = arith.constant 4192 : i32
      %mul3A_684 = arith.muli %rem3A_505, %mul3A_683 : i32
      %add3A_685 = arith.constant 48 : i32
      %add3A_686 = arith.addi %mul3A_684, %add3A_685 : i32
      %sub3A_687 = arith.subi %add3A_686, %sub3A_682 : i32
      %multiple_of3A_688 = tpu.assume_multiple %sub3A_687, 8 : i32
      %dma_start3A_689 = tpu.memref_slice %arg6[%multiple_of3A_688] : memref<33536xf32, #tpu.memory_space<vmem>> -> memref<2840xf32, #tpu.memory_space<vmem>>
      %dma_start3A_690 = tpu.memref_slice %arg2[%multiple_of3A] : memref<8386560xf32, #tpu.memory_space<hbm>> -> memref<2840xf32, #tpu.memory_space<hbm>>
      %dma_start3A_691 = tpu.memref_slice %arg8[%rem3A_505] : memref<8x!tpu.dma_semaphore, #tpu.memory_space<semaphore_mem>> -> memref<1x!tpu.dma_semaphore, #tpu.memory_space<semaphore_mem>>
      %dma_start3A_692 = tpu.memref_squeeze %dma_start3A_691 : memref<1x!tpu.dma_semaphore, #tpu.memory_space<semaphore_mem>> -> memref<!tpu.dma_semaphore, #tpu.memory_space<semaphore_mem>>
      %dma_start3A_693 = tpu.memref_slice %arg6[%multiple_of3A_688] : memref<33536xf32, #tpu.memory_space<vmem>> -> memref<2840xf32, #tpu.memory_space<vmem>>
      %dma_start3A_694 = tpu.memref_slice %arg2[%multiple_of3A] : memref<8386560xf32, #tpu.memory_space<hbm>> -> memref<2840xf32, #tpu.memory_space<hbm>>
      tpu.enqueue_dma source(%dma_start3A_694 : memref<2840xf32, #tpu.memory_space<hbm>>) target(%dma_start3A_693 : memref<2840xf32, #tpu.memory_space<vmem>>) target_semaphore(%dma_start3A_692 : memref<!tpu.dma_semaphore, #tpu.memory_space<semaphore_mem>>)
    } else {
    }
    %eq3A_561 = arith.constant 11 : i32
    %eq3A_562 = arith.cmpi eq, %shift_right_arithmetic3A_502, %eq3A_561 : i32
    %convert_element_type3A_563 = arith.extui %eq3A_562 : i1 to i32
    %cond3A_564 = arith.constant 0 : i32
    %cond3A_565 = arith.cmpi ne, %convert_element_type3A_563, %cond3A_564 : i32
    scf.if %cond3A_565 {
      %min3A = arith.constant 8383464 : i32
      %min3A_681 = arith.minsi %shift_left3A_500, %min3A : i32
      %multiple_of3A = tpu.assume_multiple %min3A_681, 8 : i32
      %sub3A_682 = arith.subi %select_n3A_496, %multiple_of3A : i32
      %mul3A_683 = arith.constant 4192 : i32
      %mul3A_684 = arith.muli %rem3A_505, %mul3A_683 : i32
      %add3A_685 = arith.constant 48 : i32
      %add3A_686 = arith.addi %mul3A_684, %add3A_685 : i32
      %sub3A_687 = arith.subi %add3A_686, %sub3A_682 : i32
      %multiple_of3A_688 = tpu.assume_multiple %sub3A_687, 8 : i32
      %dma_start3A_689 = tpu.memref_slice %arg6[%multiple_of3A_688] : memref<33536xf32, #tpu.memory_space<vmem>> -> memref<3096xf32, #tpu.memory_space<vmem>>
      %dma_start3A_690 = tpu.memref_slice %arg2[%multiple_of3A] : memref<8386560xf32, #tpu.memory_space<hbm>> -> memref<3096xf32, #tpu.memory_space<hbm>>
      %dma_start3A_691 = tpu.memref_slice %arg8[%rem3A_505] : memref<8x!tpu.dma_semaphore, #tpu.memory_space<semaphore_mem>> -> memref<1x!tpu.dma_semaphore, #tpu.memory_space<semaphore_mem>>
      %dma_start3A_692 = tpu.memref_squeeze %dma_start3A_691 : memref<1x!tpu.dma_semaphore, #tpu.memory_space<semaphore_mem>> -> memref<!tpu.dma_semaphore, #tpu.memory_space<semaphore_mem>>
      %dma_start3A_693 = tpu.memref_slice %arg6[%multiple_of3A_688] : memref<33536xf32, #tpu.memory_space<vmem>> -> memref<3096xf32, #tpu.memory_space<vmem>>
      %dma_start3A_694 = tpu.memref_slice %arg2[%multiple_of3A] : memref<8386560xf32, #tpu.memory_space<hbm>> -> memref<3096xf32, #tpu.memory_space<hbm>>
      tpu.enqueue_dma source(%dma_start3A_694 : memref<3096xf32, #tpu.memory_space<hbm>>) target(%dma_start3A_693 : memref<3096xf32, #tpu.memory_space<vmem>>) target_semaphore(%dma_start3A_692 : memref<!tpu.dma_semaphore, #tpu.memory_space<semaphore_mem>>)
    } else {
    }
    %eq3A_566 = arith.constant 12 : i32
    %eq3A_567 = arith.cmpi eq, %shift_right_arithmetic3A_502, %eq3A_566 : i32
    %convert_element_type3A_568 = arith.extui %eq3A_567 : i1 to i32
    %cond3A_569 = arith.constant 0 : i32
    %cond3A_570 = arith.cmpi ne, %convert_element_type3A_568, %cond3A_569 : i32
    scf.if %cond3A_570 {
      %min3A = arith.constant 8383208 : i32
      %min3A_681 = arith.minsi %shift_left3A_500, %min3A : i32
      %multiple_of3A = tpu.assume_multiple %min3A_681, 8 : i32
      %sub3A_682 = arith.subi %select_n3A_496, %multiple_of3A : i32
      %mul3A_683 = arith.constant 4192 : i32
      %mul3A_684 = arith.muli %rem3A_505, %mul3A_683 : i32
      %add3A_685 = arith.constant 48 : i32
      %add3A_686 = arith.addi %mul3A_684, %add3A_685 : i32
      %sub3A_687 = arith.subi %add3A_686, %sub3A_682 : i32
      %multiple_of3A_688 = tpu.assume_multiple %sub3A_687, 8 : i32
      %dma_start3A_689 = tpu.memref_slice %arg6[%multiple_of3A_688] : memref<33536xf32, #tpu.memory_space<vmem>> -> memref<3352xf32, #tpu.memory_space<vmem>>
      %dma_start3A_690 = tpu.memref_slice %arg2[%multiple_of3A] : memref<8386560xf32, #tpu.memory_space<hbm>> -> memref<3352xf32, #tpu.memory_space<hbm>>
      %dma_start3A_691 = tpu.memref_slice %arg8[%rem3A_505] : memref<8x!tpu.dma_semaphore, #tpu.memory_space<semaphore_mem>> -> memref<1x!tpu.dma_semaphore, #tpu.memory_space<semaphore_mem>>
      %dma_start3A_692 = tpu.memref_squeeze %dma_start3A_691 : memref<1x!tpu.dma_semaphore, #tpu.memory_space<semaphore_mem>> -> memref<!tpu.dma_semaphore, #tpu.memory_space<semaphore_mem>>
      %dma_start3A_693 = tpu.memref_slice %arg6[%multiple_of3A_688] : memref<33536xf32, #tpu.memory_space<vmem>> -> memref<3352xf32, #tpu.memory_space<vmem>>
      %dma_start3A_694 = tpu.memref_slice %arg2[%multiple_of3A] : memref<8386560xf32, #tpu.memory_space<hbm>> -> memref<3352xf32, #tpu.memory_space<hbm>>
      tpu.enqueue_dma source(%dma_start3A_694 : memref<3352xf32, #tpu.memory_space<hbm>>) target(%dma_start3A_693 : memref<3352xf32, #tpu.memory_space<vmem>>) target_semaphore(%dma_start3A_692 : memref<!tpu.dma_semaphore, #tpu.memory_space<semaphore_mem>>)
    } else {
    }
    %eq3A_571 = arith.constant 13 : i32
    %eq3A_572 = arith.cmpi eq, %shift_right_arithmetic3A_502, %eq3A_571 : i32
    %convert_element_type3A_573 = arith.extui %eq3A_572 : i1 to i32
    %cond3A_574 = arith.constant 0 : i32
    %cond3A_575 = arith.cmpi ne, %convert_element_type3A_573, %cond3A_574 : i32
    scf.if %cond3A_575 {
      %min3A = arith.constant 8382952 : i32
      %min3A_681 = arith.minsi %shift_left3A_500, %min3A : i32
      %multiple_of3A = tpu.assume_multiple %min3A_681, 8 : i32
      %sub3A_682 = arith.subi %select_n3A_496, %multiple_of3A : i32
      %mul3A_683 = arith.constant 4192 : i32
      %mul3A_684 = arith.muli %rem3A_505, %mul3A_683 : i32
      %add3A_685 = arith.constant 48 : i32
      %add3A_686 = arith.addi %mul3A_684, %add3A_685 : i32
      %sub3A_687 = arith.subi %add3A_686, %sub3A_682 : i32
      %multiple_of3A_688 = tpu.assume_multiple %sub3A_687, 8 : i32
      %dma_start3A_689 = tpu.memref_slice %arg6[%multiple_of3A_688] : memref<33536xf32, #tpu.memory_space<vmem>> -> memref<3608xf32, #tpu.memory_space<vmem>>
      %dma_start3A_690 = tpu.memref_slice %arg2[%multiple_of3A] : memref<8386560xf32, #tpu.memory_space<hbm>> -> memref<3608xf32, #tpu.memory_space<hbm>>
      %dma_start3A_691 = tpu.memref_slice %arg8[%rem3A_505] : memref<8x!tpu.dma_semaphore, #tpu.memory_space<semaphore_mem>> -> memref<1x!tpu.dma_semaphore, #tpu.memory_space<semaphore_mem>>
      %dma_start3A_692 = tpu.memref_squeeze %dma_start3A_691 : memref<1x!tpu.dma_semaphore, #tpu.memory_space<semaphore_mem>> -> memref<!tpu.dma_semaphore, #tpu.memory_space<semaphore_mem>>
      %dma_start3A_693 = tpu.memref_slice %arg6[%multiple_of3A_688] : memref<33536xf32, #tpu.memory_space<vmem>> -> memref<3608xf32, #tpu.memory_space<vmem>>
      %dma_start3A_694 = tpu.memref_slice %arg2[%multiple_of3A] : memref<8386560xf32, #tpu.memory_space<hbm>> -> memref<3608xf32, #tpu.memory_space<hbm>>
      tpu.enqueue_dma source(%dma_start3A_694 : memref<3608xf32, #tpu.memory_space<hbm>>) target(%dma_start3A_693 : memref<3608xf32, #tpu.memory_space<vmem>>) target_semaphore(%dma_start3A_692 : memref<!tpu.dma_semaphore, #tpu.memory_space<semaphore_mem>>)
    } else {
    }
    %eq3A_576 = arith.constant 14 : i32
    %eq3A_577 = arith.cmpi eq, %shift_right_arithmetic3A_502, %eq3A_576 : i32
    %convert_element_type3A_578 = arith.extui %eq3A_577 : i1 to i32
    %cond3A_579 = arith.constant 0 : i32
    %cond3A_580 = arith.cmpi ne, %convert_element_type3A_578, %cond3A_579 : i32
    scf.if %cond3A_580 {
      %min3A = arith.constant 8382696 : i32
      %min3A_681 = arith.minsi %shift_left3A_500, %min3A : i32
      %multiple_of3A = tpu.assume_multiple %min3A_681, 8 : i32
      %sub3A_682 = arith.subi %select_n3A_496, %multiple_of3A : i32
      %mul3A_683 = arith.constant 4192 : i32
      %mul3A_684 = arith.muli %rem3A_505, %mul3A_683 : i32
      %add3A_685 = arith.constant 48 : i32
      %add3A_686 = arith.addi %mul3A_684, %add3A_685 : i32
      %sub3A_687 = arith.subi %add3A_686, %sub3A_682 : i32
      %multiple_of3A_688 = tpu.assume_multiple %sub3A_687, 8 : i32
      %dma_start3A_689 = tpu.memref_slice %arg6[%multiple_of3A_688] : memref<33536xf32, #tpu.memory_space<vmem>> -> memref<3864xf32, #tpu.memory_space<vmem>>
      %dma_start3A_690 = tpu.memref_slice %arg2[%multiple_of3A] : memref<8386560xf32, #tpu.memory_space<hbm>> -> memref<3864xf32, #tpu.memory_space<hbm>>
      %dma_start3A_691 = tpu.memref_slice %arg8[%rem3A_505] : memref<8x!tpu.dma_semaphore, #tpu.memory_space<semaphore_mem>> -> memref<1x!tpu.dma_semaphore, #tpu.memory_space<semaphore_mem>>
      %dma_start3A_692 = tpu.memref_squeeze %dma_start3A_691 : memref<1x!tpu.dma_semaphore, #tpu.memory_space<semaphore_mem>> -> memref<!tpu.dma_semaphore, #tpu.memory_space<semaphore_mem>>
      %dma_start3A_693 = tpu.memref_slice %arg6[%multiple_of3A_688] : memref<33536xf32, #tpu.memory_space<vmem>> -> memref<3864xf32, #tpu.memory_space<vmem>>
      %dma_start3A_694 = tpu.memref_slice %arg2[%multiple_of3A] : memref<8386560xf32, #tpu.memory_space<hbm>> -> memref<3864xf32, #tpu.memory_space<hbm>>
      tpu.enqueue_dma source(%dma_start3A_694 : memref<3864xf32, #tpu.memory_space<hbm>>) target(%dma_start3A_693 : memref<3864xf32, #tpu.memory_space<vmem>>) target_semaphore(%dma_start3A_692 : memref<!tpu.dma_semaphore, #tpu.memory_space<semaphore_mem>>)
    } else {
    }
    %eq3A_581 = arith.constant 15 : i32
    %eq3A_582 = arith.cmpi eq, %shift_right_arithmetic3A_502, %eq3A_581 : i32
    %convert_element_type3A_583 = arith.extui %eq3A_582 : i1 to i32
    %cond3A_584 = arith.constant 0 : i32
    %cond3A_585 = arith.cmpi ne, %convert_element_type3A_583, %cond3A_584 : i32
    scf.if %cond3A_585 {
      %min3A = arith.constant 8382440 : i32
      %min3A_681 = arith.minsi %shift_left3A_500, %min3A : i32
      %multiple_of3A = tpu.assume_multiple %min3A_681, 8 : i32
      %sub3A_682 = arith.subi %select_n3A_496, %multiple_of3A : i32
      %mul3A_683 = arith.constant 4192 : i32
      %mul3A_684 = arith.muli %rem3A_505, %mul3A_683 : i32
      %add3A_685 = arith.constant 48 : i32
      %add3A_686 = arith.addi %mul3A_684, %add3A_685 : i32
      %sub3A_687 = arith.subi %add3A_686, %sub3A_682 : i32
      %multiple_of3A_688 = tpu.assume_multiple %sub3A_687, 8 : i32
      %dma_start3A_689 = tpu.memref_slice %arg6[%multiple_of3A_688] : memref<33536xf32, #tpu.memory_space<vmem>> -> memref<4120xf32, #tpu.memory_space<vmem>>
      %dma_start3A_690 = tpu.memref_slice %arg2[%multiple_of3A] : memref<8386560xf32, #tpu.memory_space<hbm>> -> memref<4120xf32, #tpu.memory_space<hbm>>
      %dma_start3A_691 = tpu.memref_slice %arg8[%rem3A_505] : memref<8x!tpu.dma_semaphore, #tpu.memory_space<semaphore_mem>> -> memref<1x!tpu.dma_semaphore, #tpu.memory_space<semaphore_mem>>
      %dma_start3A_692 = tpu.memref_squeeze %dma_start3A_691 : memref<1x!tpu.dma_semaphore, #tpu.memory_space<semaphore_mem>> -> memref<!tpu.dma_semaphore, #tpu.memory_space<semaphore_mem>>
      %dma_start3A_693 = tpu.memref_slice %arg6[%multiple_of3A_688] : memref<33536xf32, #tpu.memory_space<vmem>> -> memref<4120xf32, #tpu.memory_space<vmem>>
      %dma_start3A_694 = tpu.memref_slice %arg2[%multiple_of3A] : memref<8386560xf32, #tpu.memory_space<hbm>> -> memref<4120xf32, #tpu.memory_space<hbm>>
      tpu.enqueue_dma source(%dma_start3A_694 : memref<4120xf32, #tpu.memory_space<hbm>>) target(%dma_start3A_693 : memref<4120xf32, #tpu.memory_space<vmem>>) target_semaphore(%dma_start3A_692 : memref<!tpu.dma_semaphore, #tpu.memory_space<semaphore_mem>>)
    } else {
    }
    %broadcast_in_dim3A = arith.constant 0.000000e+00 : f32
    %broadcast_in_dim3A_586 = vector.broadcast %broadcast_in_dim3A : f32 to vector<16xf32>
    %iota3A = tpu.iota {dimensions = array<i32: 0>} : vector<16xi32>
    %scan3A = arith.constant 0 : i32
    %scan3A_587 = arith.constant 0 : i32
    %scan3A_588 = arith.constant 128 : i32
    %scan3A_589 = arith.addi %scan3A_587, %scan3A_588 : i32
    %scan3A_590 = arith.constant 1 : i32
    %scan3A_591 = scf.for %scan3A_681 = %scan3A_587 to %scan3A_589 step %scan3A_590 iter_args(%scan3A_682 = %scan3A) -> (i32)  : i32 {
      %mul3A_683 = arith.constant 32 : i32
      %mul3A_684 = arith.muli %scan3A_681, %mul3A_683 : i32
      %add3A_685 = arith.addi %add3A, %mul3A_684 : i32
      %shift_right_arithmetic3A_686 = arith.constant 8 : i32
      %shift_right_arithmetic3A_687 = arith.shrsi %add3A_685, %shift_right_arithmetic3A_686 : i32
      %rem3A_688 = arith.constant 8 : i32
      %rem3A_689 = arith.remsi %scan3A_681, %rem3A_688 : i32
      %eq3A_690 = arith.constant 0 : i32
      %eq3A_691 = arith.cmpi eq, %shift_right_arithmetic3A_687, %eq3A_690 : i32
      %convert_element_type3A_692 = arith.extui %eq3A_691 : i1 to i32
      %cond3A_693 = arith.constant 0 : i32
      %cond3A_694 = arith.cmpi ne, %convert_element_type3A_692, %cond3A_693 : i32
      scf.if %cond3A_694 {
        %mul3A_839 = arith.constant 4192 : i32
        %mul3A_840 = arith.muli %rem3A_689, %mul3A_839 : i32
        %dma_wait3A_841 = tpu.memref_slice %arg6[%mul3A_840] : memref<33536xf32, #tpu.memory_space<vmem>> -> memref<280xf32, #tpu.memory_space<vmem>>
        %dma_wait3A_842 = arith.constant 0 : i32
        %dma_wait3A_843 = tpu.memref_slice %arg2[%dma_wait3A_842] : memref<8386560xf32, #tpu.memory_space<hbm>> -> memref<280xf32, #tpu.memory_space<hbm>>
        %dma_wait3A_844 = tpu.memref_slice %arg8[%rem3A_689] : memref<8x!tpu.dma_semaphore, #tpu.memory_space<semaphore_mem>> -> memref<1x!tpu.dma_semaphore, #tpu.memory_space<semaphore_mem>>
        %dma_wait3A_845 = tpu.memref_squeeze %dma_wait3A_844 : memref<1x!tpu.dma_semaphore, #tpu.memory_space<semaphore_mem>> -> memref<!tpu.dma_semaphore, #tpu.memory_space<semaphore_mem>>
        %dma_wait3A_846 = tpu.memref_slice %arg6[%mul3A_840] : memref<33536xf32, #tpu.memory_space<vmem>> -> memref<280xf32, #tpu.memory_space<vmem>>
        %dma_wait3A_847 = arith.constant 0 : i32
        %dma_wait3A_848 = tpu.memref_slice %arg2[%dma_wait3A_847] : memref<8386560xf32, #tpu.memory_space<hbm>> -> memref<280xf32, #tpu.memory_space<hbm>>
        tpu.wait_dma2 semaphore(%dma_wait3A_845 : memref<!tpu.dma_semaphore, #tpu.memory_space<semaphore_mem>>) src(%dma_wait3A_848 : memref<280xf32, #tpu.memory_space<hbm>>) dst(%dma_wait3A_846 : memref<280xf32, #tpu.memory_space<vmem>>)
      } else {
      }
      %eq3A_695 = arith.constant 1 : i32
      %eq3A_696 = arith.cmpi eq, %shift_right_arithmetic3A_687, %eq3A_695 : i32
      %convert_element_type3A_697 = arith.extui %eq3A_696 : i1 to i32
      %cond3A_698 = arith.constant 0 : i32
      %cond3A_699 = arith.cmpi ne, %convert_element_type3A_697, %cond3A_698 : i32
      scf.if %cond3A_699 {
        %mul3A_839 = arith.constant 4192 : i32
        %mul3A_840 = arith.muli %rem3A_689, %mul3A_839 : i32
        %dma_wait3A_841 = tpu.memref_slice %arg6[%mul3A_840] : memref<33536xf32, #tpu.memory_space<vmem>> -> memref<536xf32, #tpu.memory_space<vmem>>
        %dma_wait3A_842 = arith.constant 0 : i32
        %dma_wait3A_843 = tpu.memref_slice %arg2[%dma_wait3A_842] : memref<8386560xf32, #tpu.memory_space<hbm>> -> memref<536xf32, #tpu.memory_space<hbm>>
        %dma_wait3A_844 = tpu.memref_slice %arg8[%rem3A_689] : memref<8x!tpu.dma_semaphore, #tpu.memory_space<semaphore_mem>> -> memref<1x!tpu.dma_semaphore, #tpu.memory_space<semaphore_mem>>
        %dma_wait3A_845 = tpu.memref_squeeze %dma_wait3A_844 : memref<1x!tpu.dma_semaphore, #tpu.memory_space<semaphore_mem>> -> memref<!tpu.dma_semaphore, #tpu.memory_space<semaphore_mem>>
        %dma_wait3A_846 = tpu.memref_slice %arg6[%mul3A_840] : memref<33536xf32, #tpu.memory_space<vmem>> -> memref<536xf32, #tpu.memory_space<vmem>>
        %dma_wait3A_847 = arith.constant 0 : i32
        %dma_wait3A_848 = tpu.memref_slice %arg2[%dma_wait3A_847] : memref<8386560xf32, #tpu.memory_space<hbm>> -> memref<536xf32, #tpu.memory_space<hbm>>
        tpu.wait_dma2 semaphore(%dma_wait3A_845 : memref<!tpu.dma_semaphore, #tpu.memory_space<semaphore_mem>>) src(%dma_wait3A_848 : memref<536xf32, #tpu.memory_space<hbm>>) dst(%dma_wait3A_846 : memref<536xf32, #tpu.memory_space<vmem>>)
      } else {
      }
      %eq3A_700 = arith.constant 2 : i32
      %eq3A_701 = arith.cmpi eq, %shift_right_arithmetic3A_687, %eq3A_700 : i32
      %convert_element_type3A_702 = arith.extui %eq3A_701 : i1 to i32
      %cond3A_703 = arith.constant 0 : i32
      %cond3A_704 = arith.cmpi ne, %convert_element_type3A_702, %cond3A_703 : i32
      scf.if %cond3A_704 {
        %mul3A_839 = arith.constant 4192 : i32
        %mul3A_840 = arith.muli %rem3A_689, %mul3A_839 : i32
        %dma_wait3A_841 = tpu.memref_slice %arg6[%mul3A_840] : memref<33536xf32, #tpu.memory_space<vmem>> -> memref<792xf32, #tpu.memory_space<vmem>>
        %dma_wait3A_842 = arith.constant 0 : i32
        %dma_wait3A_843 = tpu.memref_slice %arg2[%dma_wait3A_842] : memref<8386560xf32, #tpu.memory_space<hbm>> -> memref<792xf32, #tpu.memory_space<hbm>>
        %dma_wait3A_844 = tpu.memref_slice %arg8[%rem3A_689] : memref<8x!tpu.dma_semaphore, #tpu.memory_space<semaphore_mem>> -> memref<1x!tpu.dma_semaphore, #tpu.memory_space<semaphore_mem>>
        %dma_wait3A_845 = tpu.memref_squeeze %dma_wait3A_844 : memref<1x!tpu.dma_semaphore, #tpu.memory_space<semaphore_mem>> -> memref<!tpu.dma_semaphore, #tpu.memory_space<semaphore_mem>>
        %dma_wait3A_846 = tpu.memref_slice %arg6[%mul3A_840] : memref<33536xf32, #tpu.memory_space<vmem>> -> memref<792xf32, #tpu.memory_space<vmem>>
        %dma_wait3A_847 = arith.constant 0 : i32
        %dma_wait3A_848 = tpu.memref_slice %arg2[%dma_wait3A_847] : memref<8386560xf32, #tpu.memory_space<hbm>> -> memref<792xf32, #tpu.memory_space<hbm>>
        tpu.wait_dma2 semaphore(%dma_wait3A_845 : memref<!tpu.dma_semaphore, #tpu.memory_space<semaphore_mem>>) src(%dma_wait3A_848 : memref<792xf32, #tpu.memory_space<hbm>>) dst(%dma_wait3A_846 : memref<792xf32, #tpu.memory_space<vmem>>)
      } else {
      }
      %eq3A_705 = arith.constant 3 : i32
      %eq3A_706 = arith.cmpi eq, %shift_right_arithmetic3A_687, %eq3A_705 : i32
      %convert_element_type3A_707 = arith.extui %eq3A_706 : i1 to i32
      %cond3A_708 = arith.constant 0 : i32
      %cond3A_709 = arith.cmpi ne, %convert_element_type3A_707, %cond3A_708 : i32
      scf.if %cond3A_709 {
        %mul3A_839 = arith.constant 4192 : i32
        %mul3A_840 = arith.muli %rem3A_689, %mul3A_839 : i32
        %dma_wait3A_841 = tpu.memref_slice %arg6[%mul3A_840] : memref<33536xf32, #tpu.memory_space<vmem>> -> memref<1048xf32, #tpu.memory_space<vmem>>
        %dma_wait3A_842 = arith.constant 0 : i32
        %dma_wait3A_843 = tpu.memref_slice %arg2[%dma_wait3A_842] : memref<8386560xf32, #tpu.memory_space<hbm>> -> memref<1048xf32, #tpu.memory_space<hbm>>
        %dma_wait3A_844 = tpu.memref_slice %arg8[%rem3A_689] : memref<8x!tpu.dma_semaphore, #tpu.memory_space<semaphore_mem>> -> memref<1x!tpu.dma_semaphore, #tpu.memory_space<semaphore_mem>>
        %dma_wait3A_845 = tpu.memref_squeeze %dma_wait3A_844 : memref<1x!tpu.dma_semaphore, #tpu.memory_space<semaphore_mem>> -> memref<!tpu.dma_semaphore, #tpu.memory_space<semaphore_mem>>
        %dma_wait3A_846 = tpu.memref_slice %arg6[%mul3A_840] : memref<33536xf32, #tpu.memory_space<vmem>> -> memref<1048xf32, #tpu.memory_space<vmem>>
        %dma_wait3A_847 = arith.constant 0 : i32
        %dma_wait3A_848 = tpu.memref_slice %arg2[%dma_wait3A_847] : memref<8386560xf32, #tpu.memory_space<hbm>> -> memref<1048xf32, #tpu.memory_space<hbm>>
        tpu.wait_dma2 semaphore(%dma_wait3A_845 : memref<!tpu.dma_semaphore, #tpu.memory_space<semaphore_mem>>) src(%dma_wait3A_848 : memref<1048xf32, #tpu.memory_space<hbm>>) dst(%dma_wait3A_846 : memref<1048xf32, #tpu.memory_space<vmem>>)
      } else {
      }
      %eq3A_710 = arith.constant 4 : i32
      %eq3A_711 = arith.cmpi eq, %shift_right_arithmetic3A_687, %eq3A_710 : i32
      %convert_element_type3A_712 = arith.extui %eq3A_711 : i1 to i32
      %cond3A_713 = arith.constant 0 : i32
      %cond3A_714 = arith.cmpi ne, %convert_element_type3A_712, %cond3A_713 : i32
      scf.if %cond3A_714 {
        %mul3A_839 = arith.constant 4192 : i32
        %mul3A_840 = arith.muli %rem3A_689, %mul3A_839 : i32
        %dma_wait3A_841 = tpu.memref_slice %arg6[%mul3A_840] : memref<33536xf32, #tpu.memory_space<vmem>> -> memref<1304xf32, #tpu.memory_space<vmem>>
        %dma_wait3A_842 = arith.constant 0 : i32
        %dma_wait3A_843 = tpu.memref_slice %arg2[%dma_wait3A_842] : memref<8386560xf32, #tpu.memory_space<hbm>> -> memref<1304xf32, #tpu.memory_space<hbm>>
        %dma_wait3A_844 = tpu.memref_slice %arg8[%rem3A_689] : memref<8x!tpu.dma_semaphore, #tpu.memory_space<semaphore_mem>> -> memref<1x!tpu.dma_semaphore, #tpu.memory_space<semaphore_mem>>
        %dma_wait3A_845 = tpu.memref_squeeze %dma_wait3A_844 : memref<1x!tpu.dma_semaphore, #tpu.memory_space<semaphore_mem>> -> memref<!tpu.dma_semaphore, #tpu.memory_space<semaphore_mem>>
        %dma_wait3A_846 = tpu.memref_slice %arg6[%mul3A_840] : memref<33536xf32, #tpu.memory_space<vmem>> -> memref<1304xf32, #tpu.memory_space<vmem>>
        %dma_wait3A_847 = arith.constant 0 : i32
        %dma_wait3A_848 = tpu.memref_slice %arg2[%dma_wait3A_847] : memref<8386560xf32, #tpu.memory_space<hbm>> -> memref<1304xf32, #tpu.memory_space<hbm>>
        tpu.wait_dma2 semaphore(%dma_wait3A_845 : memref<!tpu.dma_semaphore, #tpu.memory_space<semaphore_mem>>) src(%dma_wait3A_848 : memref<1304xf32, #tpu.memory_space<hbm>>) dst(%dma_wait3A_846 : memref<1304xf32, #tpu.memory_space<vmem>>)
      } else {
      }
      %eq3A_715 = arith.constant 5 : i32
      %eq3A_716 = arith.cmpi eq, %shift_right_arithmetic3A_687, %eq3A_715 : i32
      %convert_element_type3A_717 = arith.extui %eq3A_716 : i1 to i32
      %cond3A_718 = arith.constant 0 : i32
      %cond3A_719 = arith.cmpi ne, %convert_element_type3A_717, %cond3A_718 : i32
      scf.if %cond3A_719 {
        %mul3A_839 = arith.constant 4192 : i32
        %mul3A_840 = arith.muli %rem3A_689, %mul3A_839 : i32
        %dma_wait3A_841 = tpu.memref_slice %arg6[%mul3A_840] : memref<33536xf32, #tpu.memory_space<vmem>> -> memref<1560xf32, #tpu.memory_space<vmem>>
        %dma_wait3A_842 = arith.constant 0 : i32
        %dma_wait3A_843 = tpu.memref_slice %arg2[%dma_wait3A_842] : memref<8386560xf32, #tpu.memory_space<hbm>> -> memref<1560xf32, #tpu.memory_space<hbm>>
        %dma_wait3A_844 = tpu.memref_slice %arg8[%rem3A_689] : memref<8x!tpu.dma_semaphore, #tpu.memory_space<semaphore_mem>> -> memref<1x!tpu.dma_semaphore, #tpu.memory_space<semaphore_mem>>
        %dma_wait3A_845 = tpu.memref_squeeze %dma_wait3A_844 : memref<1x!tpu.dma_semaphore, #tpu.memory_space<semaphore_mem>> -> memref<!tpu.dma_semaphore, #tpu.memory_space<semaphore_mem>>
        %dma_wait3A_846 = tpu.memref_slice %arg6[%mul3A_840] : memref<33536xf32, #tpu.memory_space<vmem>> -> memref<1560xf32, #tpu.memory_space<vmem>>
        %dma_wait3A_847 = arith.constant 0 : i32
        %dma_wait3A_848 = tpu.memref_slice %arg2[%dma_wait3A_847] : memref<8386560xf32, #tpu.memory_space<hbm>> -> memref<1560xf32, #tpu.memory_space<hbm>>
        tpu.wait_dma2 semaphore(%dma_wait3A_845 : memref<!tpu.dma_semaphore, #tpu.memory_space<semaphore_mem>>) src(%dma_wait3A_848 : memref<1560xf32, #tpu.memory_space<hbm>>) dst(%dma_wait3A_846 : memref<1560xf32, #tpu.memory_space<vmem>>)
      } else {
      }
      %eq3A_720 = arith.constant 6 : i32
      %eq3A_721 = arith.cmpi eq, %shift_right_arithmetic3A_687, %eq3A_720 : i32
      %convert_element_type3A_722 = arith.extui %eq3A_721 : i1 to i32
      %cond3A_723 = arith.constant 0 : i32
      %cond3A_724 = arith.cmpi ne, %convert_element_type3A_722, %cond3A_723 : i32
      scf.if %cond3A_724 {
        %mul3A_839 = arith.constant 4192 : i32
        %mul3A_840 = arith.muli %rem3A_689, %mul3A_839 : i32
        %dma_wait3A_841 = tpu.memref_slice %arg6[%mul3A_840] : memref<33536xf32, #tpu.memory_space<vmem>> -> memref<1816xf32, #tpu.memory_space<vmem>>
        %dma_wait3A_842 = arith.constant 0 : i32
        %dma_wait3A_843 = tpu.memref_slice %arg2[%dma_wait3A_842] : memref<8386560xf32, #tpu.memory_space<hbm>> -> memref<1816xf32, #tpu.memory_space<hbm>>
        %dma_wait3A_844 = tpu.memref_slice %arg8[%rem3A_689] : memref<8x!tpu.dma_semaphore, #tpu.memory_space<semaphore_mem>> -> memref<1x!tpu.dma_semaphore, #tpu.memory_space<semaphore_mem>>
        %dma_wait3A_845 = tpu.memref_squeeze %dma_wait3A_844 : memref<1x!tpu.dma_semaphore, #tpu.memory_space<semaphore_mem>> -> memref<!tpu.dma_semaphore, #tpu.memory_space<semaphore_mem>>
        %dma_wait3A_846 = tpu.memref_slice %arg6[%mul3A_840] : memref<33536xf32, #tpu.memory_space<vmem>> -> memref<1816xf32, #tpu.memory_space<vmem>>
        %dma_wait3A_847 = arith.constant 0 : i32
        %dma_wait3A_848 = tpu.memref_slice %arg2[%dma_wait3A_847] : memref<8386560xf32, #tpu.memory_space<hbm>> -> memref<1816xf32, #tpu.memory_space<hbm>>
        tpu.wait_dma2 semaphore(%dma_wait3A_845 : memref<!tpu.dma_semaphore, #tpu.memory_space<semaphore_mem>>) src(%dma_wait3A_848 : memref<1816xf32, #tpu.memory_space<hbm>>) dst(%dma_wait3A_846 : memref<1816xf32, #tpu.memory_space<vmem>>)
      } else {
      }
      %eq3A_725 = arith.constant 7 : i32
      %eq3A_726 = arith.cmpi eq, %shift_right_arithmetic3A_687, %eq3A_725 : i32
      %convert_element_type3A_727 = arith.extui %eq3A_726 : i1 to i32
      %cond3A_728 = arith.constant 0 : i32
      %cond3A_729 = arith.cmpi ne, %convert_element_type3A_727, %cond3A_728 : i32
      scf.if %cond3A_729 {
        %mul3A_839 = arith.constant 4192 : i32
        %mul3A_840 = arith.muli %rem3A_689, %mul3A_839 : i32
        %dma_wait3A_841 = tpu.memref_slice %arg6[%mul3A_840] : memref<33536xf32, #tpu.memory_space<vmem>> -> memref<2072xf32, #tpu.memory_space<vmem>>
        %dma_wait3A_842 = arith.constant 0 : i32
        %dma_wait3A_843 = tpu.memref_slice %arg2[%dma_wait3A_842] : memref<8386560xf32, #tpu.memory_space<hbm>> -> memref<2072xf32, #tpu.memory_space<hbm>>
        %dma_wait3A_844 = tpu.memref_slice %arg8[%rem3A_689] : memref<8x!tpu.dma_semaphore, #tpu.memory_space<semaphore_mem>> -> memref<1x!tpu.dma_semaphore, #tpu.memory_space<semaphore_mem>>
        %dma_wait3A_845 = tpu.memref_squeeze %dma_wait3A_844 : memref<1x!tpu.dma_semaphore, #tpu.memory_space<semaphore_mem>> -> memref<!tpu.dma_semaphore, #tpu.memory_space<semaphore_mem>>
        %dma_wait3A_846 = tpu.memref_slice %arg6[%mul3A_840] : memref<33536xf32, #tpu.memory_space<vmem>> -> memref<2072xf32, #tpu.memory_space<vmem>>
        %dma_wait3A_847 = arith.constant 0 : i32
        %dma_wait3A_848 = tpu.memref_slice %arg2[%dma_wait3A_847] : memref<8386560xf32, #tpu.memory_space<hbm>> -> memref<2072xf32, #tpu.memory_space<hbm>>
        tpu.wait_dma2 semaphore(%dma_wait3A_845 : memref<!tpu.dma_semaphore, #tpu.memory_space<semaphore_mem>>) src(%dma_wait3A_848 : memref<2072xf32, #tpu.memory_space<hbm>>) dst(%dma_wait3A_846 : memref<2072xf32, #tpu.memory_space<vmem>>)
      } else {
      }
      %eq3A_730 = arith.constant 8 : i32
      %eq3A_731 = arith.cmpi eq, %shift_right_arithmetic3A_687, %eq3A_730 : i32
      %convert_element_type3A_732 = arith.extui %eq3A_731 : i1 to i32
      %cond3A_733 = arith.constant 0 : i32
      %cond3A_734 = arith.cmpi ne, %convert_element_type3A_732, %cond3A_733 : i32
      scf.if %cond3A_734 {
        %mul3A_839 = arith.constant 4192 : i32
        %mul3A_840 = arith.muli %rem3A_689, %mul3A_839 : i32
        %dma_wait3A_841 = tpu.memref_slice %arg6[%mul3A_840] : memref<33536xf32, #tpu.memory_space<vmem>> -> memref<2328xf32, #tpu.memory_space<vmem>>
        %dma_wait3A_842 = arith.constant 0 : i32
        %dma_wait3A_843 = tpu.memref_slice %arg2[%dma_wait3A_842] : memref<8386560xf32, #tpu.memory_space<hbm>> -> memref<2328xf32, #tpu.memory_space<hbm>>
        %dma_wait3A_844 = tpu.memref_slice %arg8[%rem3A_689] : memref<8x!tpu.dma_semaphore, #tpu.memory_space<semaphore_mem>> -> memref<1x!tpu.dma_semaphore, #tpu.memory_space<semaphore_mem>>
        %dma_wait3A_845 = tpu.memref_squeeze %dma_wait3A_844 : memref<1x!tpu.dma_semaphore, #tpu.memory_space<semaphore_mem>> -> memref<!tpu.dma_semaphore, #tpu.memory_space<semaphore_mem>>
        %dma_wait3A_846 = tpu.memref_slice %arg6[%mul3A_840] : memref<33536xf32, #tpu.memory_space<vmem>> -> memref<2328xf32, #tpu.memory_space<vmem>>
        %dma_wait3A_847 = arith.constant 0 : i32
        %dma_wait3A_848 = tpu.memref_slice %arg2[%dma_wait3A_847] : memref<8386560xf32, #tpu.memory_space<hbm>> -> memref<2328xf32, #tpu.memory_space<hbm>>
        tpu.wait_dma2 semaphore(%dma_wait3A_845 : memref<!tpu.dma_semaphore, #tpu.memory_space<semaphore_mem>>) src(%dma_wait3A_848 : memref<2328xf32, #tpu.memory_space<hbm>>) dst(%dma_wait3A_846 : memref<2328xf32, #tpu.memory_space<vmem>>)
      } else {
      }
      %eq3A_735 = arith.constant 9 : i32
      %eq3A_736 = arith.cmpi eq, %shift_right_arithmetic3A_687, %eq3A_735 : i32
      %convert_element_type3A_737 = arith.extui %eq3A_736 : i1 to i32
      %cond3A_738 = arith.constant 0 : i32
      %cond3A_739 = arith.cmpi ne, %convert_element_type3A_737, %cond3A_738 : i32
      scf.if %cond3A_739 {
        %mul3A_839 = arith.constant 4192 : i32
        %mul3A_840 = arith.muli %rem3A_689, %mul3A_839 : i32
        %dma_wait3A_841 = tpu.memref_slice %arg6[%mul3A_840] : memref<33536xf32, #tpu.memory_space<vmem>> -> memref<2584xf32, #tpu.memory_space<vmem>>
        %dma_wait3A_842 = arith.constant 0 : i32
        %dma_wait3A_843 = tpu.memref_slice %arg2[%dma_wait3A_842] : memref<8386560xf32, #tpu.memory_space<hbm>> -> memref<2584xf32, #tpu.memory_space<hbm>>
        %dma_wait3A_844 = tpu.memref_slice %arg8[%rem3A_689] : memref<8x!tpu.dma_semaphore, #tpu.memory_space<semaphore_mem>> -> memref<1x!tpu.dma_semaphore, #tpu.memory_space<semaphore_mem>>
        %dma_wait3A_845 = tpu.memref_squeeze %dma_wait3A_844 : memref<1x!tpu.dma_semaphore, #tpu.memory_space<semaphore_mem>> -> memref<!tpu.dma_semaphore, #tpu.memory_space<semaphore_mem>>
        %dma_wait3A_846 = tpu.memref_slice %arg6[%mul3A_840] : memref<33536xf32, #tpu.memory_space<vmem>> -> memref<2584xf32, #tpu.memory_space<vmem>>
        %dma_wait3A_847 = arith.constant 0 : i32
        %dma_wait3A_848 = tpu.memref_slice %arg2[%dma_wait3A_847] : memref<8386560xf32, #tpu.memory_space<hbm>> -> memref<2584xf32, #tpu.memory_space<hbm>>
        tpu.wait_dma2 semaphore(%dma_wait3A_845 : memref<!tpu.dma_semaphore, #tpu.memory_space<semaphore_mem>>) src(%dma_wait3A_848 : memref<2584xf32, #tpu.memory_space<hbm>>) dst(%dma_wait3A_846 : memref<2584xf32, #tpu.memory_space<vmem>>)
      } else {
      }
      %eq3A_740 = arith.constant 10 : i32
      %eq3A_741 = arith.cmpi eq, %shift_right_arithmetic3A_687, %eq3A_740 : i32
      %convert_element_type3A_742 = arith.extui %eq3A_741 : i1 to i32
      %cond3A_743 = arith.constant 0 : i32
      %cond3A_744 = arith.cmpi ne, %convert_element_type3A_742, %cond3A_743 : i32
      scf.if %cond3A_744 {
        %mul3A_839 = arith.constant 4192 : i32
        %mul3A_840 = arith.muli %rem3A_689, %mul3A_839 : i32
        %dma_wait3A_841 = tpu.memref_slice %arg6[%mul3A_840] : memref<33536xf32, #tpu.memory_space<vmem>> -> memref<2840xf32, #tpu.memory_space<vmem>>
        %dma_wait3A_842 = arith.constant 0 : i32
        %dma_wait3A_843 = tpu.memref_slice %arg2[%dma_wait3A_842] : memref<8386560xf32, #tpu.memory_space<hbm>> -> memref<2840xf32, #tpu.memory_space<hbm>>
        %dma_wait3A_844 = tpu.memref_slice %arg8[%rem3A_689] : memref<8x!tpu.dma_semaphore, #tpu.memory_space<semaphore_mem>> -> memref<1x!tpu.dma_semaphore, #tpu.memory_space<semaphore_mem>>
        %dma_wait3A_845 = tpu.memref_squeeze %dma_wait3A_844 : memref<1x!tpu.dma_semaphore, #tpu.memory_space<semaphore_mem>> -> memref<!tpu.dma_semaphore, #tpu.memory_space<semaphore_mem>>
        %dma_wait3A_846 = tpu.memref_slice %arg6[%mul3A_840] : memref<33536xf32, #tpu.memory_space<vmem>> -> memref<2840xf32, #tpu.memory_space<vmem>>
        %dma_wait3A_847 = arith.constant 0 : i32
        %dma_wait3A_848 = tpu.memref_slice %arg2[%dma_wait3A_847] : memref<8386560xf32, #tpu.memory_space<hbm>> -> memref<2840xf32, #tpu.memory_space<hbm>>
        tpu.wait_dma2 semaphore(%dma_wait3A_845 : memref<!tpu.dma_semaphore, #tpu.memory_space<semaphore_mem>>) src(%dma_wait3A_848 : memref<2840xf32, #tpu.memory_space<hbm>>) dst(%dma_wait3A_846 : memref<2840xf32, #tpu.memory_space<vmem>>)
      } else {
      }
      %eq3A_745 = arith.constant 11 : i32
      %eq3A_746 = arith.cmpi eq, %shift_right_arithmetic3A_687, %eq3A_745 : i32
      %convert_element_type3A_747 = arith.extui %eq3A_746 : i1 to i32
      %cond3A_748 = arith.constant 0 : i32
      %cond3A_749 = arith.cmpi ne, %convert_element_type3A_747, %cond3A_748 : i32
      scf.if %cond3A_749 {
        %mul3A_839 = arith.constant 4192 : i32
        %mul3A_840 = arith.muli %rem3A_689, %mul3A_839 : i32
        %dma_wait3A_841 = tpu.memref_slice %arg6[%mul3A_840] : memref<33536xf32, #tpu.memory_space<vmem>> -> memref<3096xf32, #tpu.memory_space<vmem>>
        %dma_wait3A_842 = arith.constant 0 : i32
        %dma_wait3A_843 = tpu.memref_slice %arg2[%dma_wait3A_842] : memref<8386560xf32, #tpu.memory_space<hbm>> -> memref<3096xf32, #tpu.memory_space<hbm>>
        %dma_wait3A_844 = tpu.memref_slice %arg8[%rem3A_689] : memref<8x!tpu.dma_semaphore, #tpu.memory_space<semaphore_mem>> -> memref<1x!tpu.dma_semaphore, #tpu.memory_space<semaphore_mem>>
        %dma_wait3A_845 = tpu.memref_squeeze %dma_wait3A_844 : memref<1x!tpu.dma_semaphore, #tpu.memory_space<semaphore_mem>> -> memref<!tpu.dma_semaphore, #tpu.memory_space<semaphore_mem>>
        %dma_wait3A_846 = tpu.memref_slice %arg6[%mul3A_840] : memref<33536xf32, #tpu.memory_space<vmem>> -> memref<3096xf32, #tpu.memory_space<vmem>>
        %dma_wait3A_847 = arith.constant 0 : i32
        %dma_wait3A_848 = tpu.memref_slice %arg2[%dma_wait3A_847] : memref<8386560xf32, #tpu.memory_space<hbm>> -> memref<3096xf32, #tpu.memory_space<hbm>>
        tpu.wait_dma2 semaphore(%dma_wait3A_845 : memref<!tpu.dma_semaphore, #tpu.memory_space<semaphore_mem>>) src(%dma_wait3A_848 : memref<3096xf32, #tpu.memory_space<hbm>>) dst(%dma_wait3A_846 : memref<3096xf32, #tpu.memory_space<vmem>>)
      } else {
      }
      %eq3A_750 = arith.constant 12 : i32
      %eq3A_751 = arith.cmpi eq, %shift_right_arithmetic3A_687, %eq3A_750 : i32
      %convert_element_type3A_752 = arith.extui %eq3A_751 : i1 to i32
      %cond3A_753 = arith.constant 0 : i32
      %cond3A_754 = arith.cmpi ne, %convert_element_type3A_752, %cond3A_753 : i32
      scf.if %cond3A_754 {
        %mul3A_839 = arith.constant 4192 : i32
        %mul3A_840 = arith.muli %rem3A_689, %mul3A_839 : i32
        %dma_wait3A_841 = tpu.memref_slice %arg6[%mul3A_840] : memref<33536xf32, #tpu.memory_space<vmem>> -> memref<3352xf32, #tpu.memory_space<vmem>>
        %dma_wait3A_842 = arith.constant 0 : i32
        %dma_wait3A_843 = tpu.memref_slice %arg2[%dma_wait3A_842] : memref<8386560xf32, #tpu.memory_space<hbm>> -> memref<3352xf32, #tpu.memory_space<hbm>>
        %dma_wait3A_844 = tpu.memref_slice %arg8[%rem3A_689] : memref<8x!tpu.dma_semaphore, #tpu.memory_space<semaphore_mem>> -> memref<1x!tpu.dma_semaphore, #tpu.memory_space<semaphore_mem>>
        %dma_wait3A_845 = tpu.memref_squeeze %dma_wait3A_844 : memref<1x!tpu.dma_semaphore, #tpu.memory_space<semaphore_mem>> -> memref<!tpu.dma_semaphore, #tpu.memory_space<semaphore_mem>>
        %dma_wait3A_846 = tpu.memref_slice %arg6[%mul3A_840] : memref<33536xf32, #tpu.memory_space<vmem>> -> memref<3352xf32, #tpu.memory_space<vmem>>
        %dma_wait3A_847 = arith.constant 0 : i32
        %dma_wait3A_848 = tpu.memref_slice %arg2[%dma_wait3A_847] : memref<8386560xf32, #tpu.memory_space<hbm>> -> memref<3352xf32, #tpu.memory_space<hbm>>
        tpu.wait_dma2 semaphore(%dma_wait3A_845 : memref<!tpu.dma_semaphore, #tpu.memory_space<semaphore_mem>>) src(%dma_wait3A_848 : memref<3352xf32, #tpu.memory_space<hbm>>) dst(%dma_wait3A_846 : memref<3352xf32, #tpu.memory_space<vmem>>)
      } else {
      }
      %eq3A_755 = arith.constant 13 : i32
      %eq3A_756 = arith.cmpi eq, %shift_right_arithmetic3A_687, %eq3A_755 : i32
      %convert_element_type3A_757 = arith.extui %eq3A_756 : i1 to i32
      %cond3A_758 = arith.constant 0 : i32
      %cond3A_759 = arith.cmpi ne, %convert_element_type3A_757, %cond3A_758 : i32
      scf.if %cond3A_759 {
        %mul3A_839 = arith.constant 4192 : i32
        %mul3A_840 = arith.muli %rem3A_689, %mul3A_839 : i32
        %dma_wait3A_841 = tpu.memref_slice %arg6[%mul3A_840] : memref<33536xf32, #tpu.memory_space<vmem>> -> memref<3608xf32, #tpu.memory_space<vmem>>
        %dma_wait3A_842 = arith.constant 0 : i32
        %dma_wait3A_843 = tpu.memref_slice %arg2[%dma_wait3A_842] : memref<8386560xf32, #tpu.memory_space<hbm>> -> memref<3608xf32, #tpu.memory_space<hbm>>
        %dma_wait3A_844 = tpu.memref_slice %arg8[%rem3A_689] : memref<8x!tpu.dma_semaphore, #tpu.memory_space<semaphore_mem>> -> memref<1x!tpu.dma_semaphore, #tpu.memory_space<semaphore_mem>>
        %dma_wait3A_845 = tpu.memref_squeeze %dma_wait3A_844 : memref<1x!tpu.dma_semaphore, #tpu.memory_space<semaphore_mem>> -> memref<!tpu.dma_semaphore, #tpu.memory_space<semaphore_mem>>
        %dma_wait3A_846 = tpu.memref_slice %arg6[%mul3A_840] : memref<33536xf32, #tpu.memory_space<vmem>> -> memref<3608xf32, #tpu.memory_space<vmem>>
        %dma_wait3A_847 = arith.constant 0 : i32
        %dma_wait3A_848 = tpu.memref_slice %arg2[%dma_wait3A_847] : memref<8386560xf32, #tpu.memory_space<hbm>> -> memref<3608xf32, #tpu.memory_space<hbm>>
        tpu.wait_dma2 semaphore(%dma_wait3A_845 : memref<!tpu.dma_semaphore, #tpu.memory_space<semaphore_mem>>) src(%dma_wait3A_848 : memref<3608xf32, #tpu.memory_space<hbm>>) dst(%dma_wait3A_846 : memref<3608xf32, #tpu.memory_space<vmem>>)
      } else {
      }
      %eq3A_760 = arith.constant 14 : i32
      %eq3A_761 = arith.cmpi eq, %shift_right_arithmetic3A_687, %eq3A_760 : i32
      %convert_element_type3A_762 = arith.extui %eq3A_761 : i1 to i32
      %cond3A_763 = arith.constant 0 : i32
      %cond3A_764 = arith.cmpi ne, %convert_element_type3A_762, %cond3A_763 : i32
      scf.if %cond3A_764 {
        %mul3A_839 = arith.constant 4192 : i32
        %mul3A_840 = arith.muli %rem3A_689, %mul3A_839 : i32
        %dma_wait3A_841 = tpu.memref_slice %arg6[%mul3A_840] : memref<33536xf32, #tpu.memory_space<vmem>> -> memref<3864xf32, #tpu.memory_space<vmem>>
        %dma_wait3A_842 = arith.constant 0 : i32
        %dma_wait3A_843 = tpu.memref_slice %arg2[%dma_wait3A_842] : memref<8386560xf32, #tpu.memory_space<hbm>> -> memref<3864xf32, #tpu.memory_space<hbm>>
        %dma_wait3A_844 = tpu.memref_slice %arg8[%rem3A_689] : memref<8x!tpu.dma_semaphore, #tpu.memory_space<semaphore_mem>> -> memref<1x!tpu.dma_semaphore, #tpu.memory_space<semaphore_mem>>
        %dma_wait3A_845 = tpu.memref_squeeze %dma_wait3A_844 : memref<1x!tpu.dma_semaphore, #tpu.memory_space<semaphore_mem>> -> memref<!tpu.dma_semaphore, #tpu.memory_space<semaphore_mem>>
        %dma_wait3A_846 = tpu.memref_slice %arg6[%mul3A_840] : memref<33536xf32, #tpu.memory_space<vmem>> -> memref<3864xf32, #tpu.memory_space<vmem>>
        %dma_wait3A_847 = arith.constant 0 : i32
        %dma_wait3A_848 = tpu.memref_slice %arg2[%dma_wait3A_847] : memref<8386560xf32, #tpu.memory_space<hbm>> -> memref<3864xf32, #tpu.memory_space<hbm>>
        tpu.wait_dma2 semaphore(%dma_wait3A_845 : memref<!tpu.dma_semaphore, #tpu.memory_space<semaphore_mem>>) src(%dma_wait3A_848 : memref<3864xf32, #tpu.memory_space<hbm>>) dst(%dma_wait3A_846 : memref<3864xf32, #tpu.memory_space<vmem>>)
      } else {
      }
      %eq3A_765 = arith.constant 15 : i32
      %eq3A_766 = arith.cmpi eq, %shift_right_arithmetic3A_687, %eq3A_765 : i32
      %convert_element_type3A_767 = arith.extui %eq3A_766 : i1 to i32
      %cond3A_768 = arith.constant 0 : i32
      %cond3A_769 = arith.cmpi ne, %convert_element_type3A_767, %cond3A_768 : i32
      scf.if %cond3A_769 {
        %mul3A_839 = arith.constant 4192 : i32
        %mul3A_840 = arith.muli %rem3A_689, %mul3A_839 : i32
        %dma_wait3A_841 = tpu.memref_slice %arg6[%mul3A_840] : memref<33536xf32, #tpu.memory_space<vmem>> -> memref<4120xf32, #tpu.memory_space<vmem>>
        %dma_wait3A_842 = arith.constant 0 : i32
        %dma_wait3A_843 = tpu.memref_slice %arg2[%dma_wait3A_842] : memref<8386560xf32, #tpu.memory_space<hbm>> -> memref<4120xf32, #tpu.memory_space<hbm>>
        %dma_wait3A_844 = tpu.memref_slice %arg8[%rem3A_689] : memref<8x!tpu.dma_semaphore, #tpu.memory_space<semaphore_mem>> -> memref<1x!tpu.dma_semaphore, #tpu.memory_space<semaphore_mem>>
        %dma_wait3A_845 = tpu.memref_squeeze %dma_wait3A_844 : memref<1x!tpu.dma_semaphore, #tpu.memory_space<semaphore_mem>> -> memref<!tpu.dma_semaphore, #tpu.memory_space<semaphore_mem>>
        %dma_wait3A_846 = tpu.memref_slice %arg6[%mul3A_840] : memref<33536xf32, #tpu.memory_space<vmem>> -> memref<4120xf32, #tpu.memory_space<vmem>>
        %dma_wait3A_847 = arith.constant 0 : i32
        %dma_wait3A_848 = tpu.memref_slice %arg2[%dma_wait3A_847] : memref<8386560xf32, #tpu.memory_space<hbm>> -> memref<4120xf32, #tpu.memory_space<hbm>>
        tpu.wait_dma2 semaphore(%dma_wait3A_845 : memref<!tpu.dma_semaphore, #tpu.memory_space<semaphore_mem>>) src(%dma_wait3A_848 : memref<4120xf32, #tpu.memory_space<hbm>>) dst(%dma_wait3A_846 : memref<4120xf32, #tpu.memory_space<vmem>>)
      } else {
      }
      %add3A_770 = arith.constant 48 : i32
      %add3A_771 = arith.addi %add3A_770, %add3A_685 : i32
      %shift_right_arithmetic3A_772 = arith.constant 4 : i32
      %shift_right_arithmetic3A_773 = arith.shrsi %add3A_771, %shift_right_arithmetic3A_772 : i32
      %shift_left3A_774 = arith.constant 4 : i32
      %shift_left3A_775 = arith.shli %shift_right_arithmetic3A_773, %shift_left3A_774 : i32
      %sub3A_776 = arith.subi %add3A_771, %shift_left3A_775 : i32
      %shift_right_arithmetic3A_777 = arith.constant 4 : i32
      %shift_right_arithmetic3A_778 = arith.shrsi %add3A_685, %shift_right_arithmetic3A_777 : i32
      %shift_left3A_779 = arith.constant 4 : i32
      %shift_left3A_780 = arith.shli %shift_right_arithmetic3A_778, %shift_left3A_779 : i32
      %get3A = arith.index_cast %shift_left3A_780 : i32 to index
      %get3A_781 = tpu.vector_load %arg7[%get3A] {strides = array<i32>} : memref<4096xf32, #tpu.memory_space<vmem>>, vector<16xf32>,
      %get3A_782 = vector.shape_cast %get3A_781 : vector<16xf32> to vector<16xf32>
      %mul3A_783 = arith.constant 4192 : i32
      %mul3A_784 = arith.muli %rem3A_689, %mul3A_783 : i32
      %add3A_785 = arith.addi %mul3A_784, %shift_left3A_775 : i32
      %get3A_786 = arith.index_cast %add3A_785 : i32 to index
      %get3A_787 = tpu.vector_load %arg6[%get3A_786] {strides = array<i32>} : memref<33536xf32, #tpu.memory_space<vmem>>, vector<16xf32>,
      %get3A_788 = vector.shape_cast %get3A_787 : vector<16xf32> to vector<16xf32>
      %eq3A_789 = vector.broadcast %sub3A_776 : i32 to vector<16xi32>
      %eq3A_790 = arith.cmpi eq, %iota3A, %eq3A_789 : vector<16xi32>
      %gt3A = vector.broadcast %sub3A_776 : i32 to vector<16xi32>
      %gt3A_791 = arith.cmpi sgt, %iota3A, %gt3A : vector<16xi32>
      %jit3A_792 = arith.constant 0.000000e+00 : f32
      %broadcast_in_dim3A_793 = vector.broadcast %jit3A_792 : f32 to vector<16xf32>
      %select_n3A_794 = arith.select %gt3A_791, %broadcast_in_dim3A_793, %get3A_788 : vector<16xi1>, vector<16xf32>
      %select_n3A_795 = arith.select %eq3A_790, %get3A_782, %select_n3A_794 : vector<16xi1>, vector<16xf32>
      %add3A_796 = arith.addi %mul3A_784, %shift_left3A_775 : i32
      %swap3A = arith.index_cast %add3A_796 : i32 to index
      %swap3A_797 = tpu.vector_load %arg6[%swap3A] {strides = array<i32>} : memref<33536xf32, #tpu.memory_space<vmem>>, vector<16xf32>,
      %swap3A_798 = vector.shape_cast %swap3A_797 : vector<16xf32> to vector<16xf32>
      %swap3A_799 = vector.shape_cast %select_n3A_795 : vector<16xf32> to vector<16xf32>
      tpu.vector_store %arg6[%swap3A], %swap3A_799 {strides = array<i32>} : memref<33536xf32, #tpu.memory_space<vmem>>, vector<16xf32>,
      %mul3A_800 = arith.constant 256 : i32
      %mul3A_801 = arith.muli %mul3A_800, %shift_right_arithmetic3A_687 : i32
      %add3A_802 = arith.constant 328 : i32
      %add3A_803 = arith.addi %add3A_802, %mul3A_801 : i32
      %add3A_804 = arith.constant 16 : i32
      %add3A_805 = arith.addi %shift_left3A_775, %add3A_804 : i32
      %sub3A_806 = arith.subi %add3A_803, %add3A_805 : i32
      %add3A_807 = arith.constant 15 : i32
      %add3A_808 = arith.addi %sub3A_806, %add3A_807 : i32
      %shift_right_arithmetic3A_809 = arith.constant 4 : i32
      %shift_right_arithmetic3A_810 = arith.shrsi %add3A_808, %shift_right_arithmetic3A_809 : i32
      %while3A = arith.constant 0 : i32
      %while3A_811 = arith.constant 0 : i32
      %while3A_812 = arith.subi %shift_right_arithmetic3A_810, %while3A : i32
      %while3A_813 = arith.addi %while3A, %while3A_812 : i32
      %while3A_814 = arith.constant 1 : i32
      %while3A_815 = arith.divsi %while3A_812, %while3A_814 : i32
      %while3A_816 = arith.muli %while3A_815, %while3A_814 : i32
      %while3A_817 = arith.addi %while3A, %while3A_816 : i32
      %while3A_818 = arith.constant 1 : i32
      %while3A_819 = scf.for %while3A_839 = %while3A to %while3A_817 step %while3A_818 iter_args(%while3A_840 = %while3A_811) -> (i32)  : i32 {
        %add3A_841 = arith.addi %mul3A_784, %shift_left3A_775 : i32
        %add3A_842 = arith.constant 16 : i32
        %add3A_843 = arith.addi %add3A_841, %add3A_842 : i32
        %mul3A_844 = arith.constant 16 : i32
        %mul3A_845 = arith.muli %while3A_839, %mul3A_844 : i32
        %add3A_846 = arith.addi %add3A_843, %mul3A_845 : i32
        %swap3A_847 = arith.index_cast %add3A_846 : i32 to index
        %swap3A_848 = tpu.vector_load %arg6[%swap3A_847] {strides = array<i32>} : memref<33536xf32, #tpu.memory_space<vmem>>, vector<16xf32>,
        %swap3A_849 = vector.shape_cast %swap3A_848 : vector<16xf32> to vector<16xf32>
        %swap3A_850 = vector.shape_cast %broadcast_in_dim3A_586 : vector<16xf32> to vector<16xf32>
        tpu.vector_store %arg6[%swap3A_847], %swap3A_850 {strides = array<i32>} : memref<33536xf32, #tpu.memory_space<vmem>>, vector<16xf32>,
        %while3A_851 = arith.constant 0 : i32
        scf.yield %while3A_851 : i32
      }
      %while3A_820 = arith.constant 1 : i32
      %while3A_821 = scf.for %while3A_839 = %while3A_817 to %while3A_813 step %while3A_820 iter_args(%while3A_840 = %while3A_819) -> (i32)  : i32 {
        %add3A_841 = arith.addi %mul3A_784, %shift_left3A_775 : i32
        %add3A_842 = arith.constant 16 : i32
        %add3A_843 = arith.addi %add3A_841, %add3A_842 : i32
        %mul3A_844 = arith.constant 16 : i32
        %mul3A_845 = arith.muli %while3A_839, %mul3A_844 : i32
        %add3A_846 = arith.addi %add3A_843, %mul3A_845 : i32
        %swap3A_847 = arith.index_cast %add3A_846 : i32 to index
        %swap3A_848 = tpu.vector_load %arg6[%swap3A_847] {strides = array<i32>} : memref<33536xf32, #tpu.memory_space<vmem>>, vector<16xf32>,
        %swap3A_849 = vector.shape_cast %swap3A_848 : vector<16xf32> to vector<16xf32>
        %swap3A_850 = vector.shape_cast %broadcast_in_dim3A_586 : vector<16xf32> to vector<16xf32>
        tpu.vector_store %arg6[%swap3A_847], %swap3A_850 {strides = array<i32>} : memref<33536xf32, #tpu.memory_space<vmem>>, vector<16xf32>,
        %while3A_851 = arith.constant 0 : i32
        scf.yield %while3A_851 : i32
      }
      %add3A_822 = arith.constant 48 : i32
      %add3A_823 = arith.addi %mul3A_784, %add3A_822 : i32
      %mul3A_824 = arith.constant 4096 : i32
      %mul3A_825 = arith.muli %add3A_685, %mul3A_824 : i32
      %multiple_of3A = tpu.assume_multiple %mul3A_825, 8 : i32
      %dma_start3A_826 = tpu.memref_slice %arg6[%add3A_823] : memref<33536xf32, #tpu.memory_space<vmem>> -> memref<4096xf32, #tpu.memory_space<vmem>>
      %dma_start3A_827 = tpu.memref_slice %arg5[%multiple_of3A] : memref<16777216xf32, #tpu.memory_space<hbm>> -> memref<4096xf32, #tpu.memory_space<hbm>>
      %dma_start3A_828 = tpu.memref_slice %arg9[%rem3A_689] : memref<8x!tpu.dma_semaphore, #tpu.memory_space<semaphore_mem>> -> memref<1x!tpu.dma_semaphore, #tpu.memory_space<semaphore_mem>>
      %dma_start3A_829 = tpu.memref_squeeze %dma_start3A_828 : memref<1x!tpu.dma_semaphore, #tpu.memory_space<semaphore_mem>> -> memref<!tpu.dma_semaphore, #tpu.memory_space<semaphore_mem>>
      %dma_start3A_830 = tpu.memref_slice %arg5[%multiple_of3A] : memref<16777216xf32, #tpu.memory_space<hbm>> -> memref<4096xf32, #tpu.memory_space<hbm>>
      %dma_start3A_831 = tpu.memref_slice %arg6[%add3A_823] : memref<33536xf32, #tpu.memory_space<vmem>> -> memref<4096xf32, #tpu.memory_space<vmem>>
      tpu.enqueue_dma source(%dma_start3A_831 : memref<4096xf32, #tpu.memory_space<vmem>>) target(%dma_start3A_830 : memref<4096xf32, #tpu.memory_space<hbm>>) target_semaphore(%dma_start3A_829 : memref<!tpu.dma_semaphore, #tpu.memory_space<semaphore_mem>>)
      %add3A_832 = arith.constant 4 : i32
      %add3A_833 = arith.addi %scan3A_681, %add3A_832 : i32
      %lt3A = arith.constant 128 : i32
      %lt3A_834 = arith.cmpi slt, %add3A_833, %lt3A : i32
      %convert_element_type3A_835 = arith.extui %lt3A_834 : i1 to i32
      %cond3A_836 = arith.constant 0 : i32
      %cond3A_837 = arith.cmpi ne, %convert_element_type3A_835, %cond3A_836 : i32
      scf.if %cond3A_837 {
        %rem3A_839 = arith.constant 8 : i32
        %rem3A_840 = arith.remsi %add3A_833, %rem3A_839 : i32
        %ge3A = arith.constant 8 : i32
        %ge3A_841 = arith.cmpi sge, %add3A_833, %ge3A : i32
        %convert_element_type3A_842 = arith.extui %ge3A_841 : i1 to i32
        %cond3A_843 = arith.constant 0 : i32
        %cond3A_844 = arith.cmpi ne, %convert_element_type3A_842, %cond3A_843 : i32
        scf.if %cond3A_844 {
          %mul3A_963 = arith.constant 4192 : i32
          %mul3A_964 = arith.muli %rem3A_840, %mul3A_963 : i32
          %add3A_965 = arith.constant 48 : i32
          %add3A_966 = arith.addi %mul3A_964, %add3A_965 : i32
          %dma_wait3A_967 = tpu.memref_slice %arg6[%add3A_966] : memref<33536xf32, #tpu.memory_space<vmem>> -> memref<4096xf32, #tpu.memory_space<vmem>>
          %dma_wait3A_968 = arith.constant 0 : i32
          %dma_wait3A_969 = tpu.memref_slice %arg5[%dma_wait3A_968] : memref<16777216xf32, #tpu.memory_space<hbm>> -> memref<4096xf32, #tpu.memory_space<hbm>>
          %dma_wait3A_970 = tpu.memref_slice %arg9[%rem3A_840] : memref<8x!tpu.dma_semaphore, #tpu.memory_space<semaphore_mem>> -> memref<1x!tpu.dma_semaphore, #tpu.memory_space<semaphore_mem>>
          %dma_wait3A_971 = tpu.memref_squeeze %dma_wait3A_970 : memref<1x!tpu.dma_semaphore, #tpu.memory_space<semaphore_mem>> -> memref<!tpu.dma_semaphore, #tpu.memory_space<semaphore_mem>>
          %dma_wait3A_972 = arith.constant 0 : i32
          %dma_wait3A_973 = tpu.memref_slice %arg5[%dma_wait3A_972] : memref<16777216xf32, #tpu.memory_space<hbm>> -> memref<4096xf32, #tpu.memory_space<hbm>>
          %dma_wait3A_974 = tpu.memref_slice %arg6[%add3A_966] : memref<33536xf32, #tpu.memory_space<vmem>> -> memref<4096xf32, #tpu.memory_space<vmem>>
          tpu.wait_dma2 semaphore(%dma_wait3A_971 : memref<!tpu.dma_semaphore, #tpu.memory_space<semaphore_mem>>) src(%dma_wait3A_974 : memref<4096xf32, #tpu.memory_space<vmem>>) dst(%dma_wait3A_973 : memref<4096xf32, #tpu.memory_space<hbm>>)
        } else {
        }
        %mul3A_845 = arith.constant 32 : i32
        %mul3A_846 = arith.muli %add3A_833, %mul3A_845 : i32
        %add3A_847 = arith.addi %add3A, %mul3A_846 : i32
        %sub3A_848 = arith.constant 1 : i32
        %sub3A_849 = arith.subi %add3A_847, %sub3A_848 : i32
        %mul3A_850 = arith.muli %add3A_847, %sub3A_849 : i32
        %jit3A_851 = arith.constant 2 : i32
        %div3A_852 = arith.divsi %mul3A_850, %jit3A_851 : i32
        %sign3A_853 = arith.constant 0 : i32
        %sign3A_854 = arith.cmpi sgt, %mul3A_850, %sign3A_853 : i32
        %sign3A_855 = arith.extui %sign3A_854 : i1 to i32
        %sign3A_856 = arith.constant 0 : i32
        %sign3A_857 = arith.cmpi slt, %mul3A_850, %sign3A_856 : i32
        %sign3A_858 = arith.extui %sign3A_857 : i1 to i32
        %sign3A_859 = arith.subi %sign3A_855, %sign3A_858 : i32
        %sign3A_860 = arith.constant 0 : i32
        %sign3A_861 = arith.cmpi sgt, %jit3A_851, %sign3A_860 : i32
        %sign3A_862 = arith.extui %sign3A_861 : i1 to i32
        %sign3A_863 = arith.constant 0 : i32
        %sign3A_864 = arith.cmpi slt, %jit3A_851, %sign3A_863 : i32
        %sign3A_865 = arith.extui %sign3A_864 : i1 to i32
        %sign3A_866 = arith.subi %sign3A_862, %sign3A_865 : i32
        %ne3A_867 = arith.cmpi ne, %sign3A_859, %sign3A_866 : i32
        %rem3A_868 = arith.remsi %mul3A_850, %jit3A_851 : i32
        %ne3A_869 = arith.constant 0 : i32
        %ne3A_870 = arith.cmpi ne, %rem3A_868, %ne3A_869 : i32
        %and3A_871 = arith.andi %ne3A_867, %ne3A_870 : i1
        %sub3A_872 = arith.constant 1 : i32
        %sub3A_873 = arith.subi %div3A_852, %sub3A_872 : i32
        %select_n3A_874 = arith.select %and3A_871, %sub3A_873, %div3A_852 : i32
        %shift_right_arithmetic3A_875 = arith.constant 3 : i32
        %shift_right_arithmetic3A_876 = arith.shrsi %select_n3A_874, %shift_right_arithmetic3A_875 : i32
        %shift_left3A_877 = arith.constant 3 : i32
        %shift_left3A_878 = arith.shli %shift_right_arithmetic3A_876, %shift_left3A_877 : i32
        %shift_right_arithmetic3A_879 = arith.constant 8 : i32
        %shift_right_arithmetic3A_880 = arith.shrsi %add3A_847, %shift_right_arithmetic3A_879 : i32
        %rem3A_881 = arith.constant 8 : i32
        %rem3A_882 = arith.remsi %add3A_833, %rem3A_881 : i32
        %eq3A_883 = arith.constant 0 : i32
        %eq3A_884 = arith.cmpi eq, %shift_right_arithmetic3A_880, %eq3A_883 : i32
        %convert_element_type3A_885 = arith.extui %eq3A_884 : i1 to i32
        %cond3A_886 = arith.constant 0 : i32
        %cond3A_887 = arith.cmpi ne, %convert_element_type3A_885, %cond3A_886 : i32
        scf.if %cond3A_887 {
          %min3A = arith.constant 8386280 : i32
          %min3A_963 = arith.minsi %shift_left3A_878, %min3A : i32
          %multiple_of3A_964 = tpu.assume_multiple %min3A_963, 8 : i32
          %sub3A_965 = arith.subi %select_n3A_874, %multiple_of3A_964 : i32
          %mul3A_966 = arith.constant 4192 : i32
          %mul3A_967 = arith.muli %rem3A_882, %mul3A_966 : i32
          %add3A_968 = arith.constant 48 : i32
          %add3A_969 = arith.addi %mul3A_967, %add3A_968 : i32
          %sub3A_970 = arith.subi %add3A_969, %sub3A_965 : i32
          %multiple_of3A_971 = tpu.assume_multiple %sub3A_970, 8 : i32
          %dma_start3A_972 = tpu.memref_slice %arg6[%multiple_of3A_971] : memref<33536xf32, #tpu.memory_space<vmem>> -> memref<280xf32, #tpu.memory_space<vmem>>
          %dma_start3A_973 = tpu.memref_slice %arg2[%multiple_of3A_964] : memref<8386560xf32, #tpu.memory_space<hbm>> -> memref<280xf32, #tpu.memory_space<hbm>>
          %dma_start3A_974 = tpu.memref_slice %arg8[%rem3A_882] : memref<8x!tpu.dma_semaphore, #tpu.memory_space<semaphore_mem>> -> memref<1x!tpu.dma_semaphore, #tpu.memory_space<semaphore_mem>>
          %dma_start3A_975 = tpu.memref_squeeze %dma_start3A_974 : memref<1x!tpu.dma_semaphore, #tpu.memory_space<semaphore_mem>> -> memref<!tpu.dma_semaphore, #tpu.memory_space<semaphore_mem>>
          %dma_start3A_976 = tpu.memref_slice %arg6[%multiple_of3A_971] : memref<33536xf32, #tpu.memory_space<vmem>> -> memref<280xf32, #tpu.memory_space<vmem>>
          %dma_start3A_977 = tpu.memref_slice %arg2[%multiple_of3A_964] : memref<8386560xf32, #tpu.memory_space<hbm>> -> memref<280xf32, #tpu.memory_space<hbm>>
          tpu.enqueue_dma source(%dma_start3A_977 : memref<280xf32, #tpu.memory_space<hbm>>) target(%dma_start3A_976 : memref<280xf32, #tpu.memory_space<vmem>>) target_semaphore(%dma_start3A_975 : memref<!tpu.dma_semaphore, #tpu.memory_space<semaphore_mem>>)
        } else {
        }
        %eq3A_888 = arith.constant 1 : i32
        %eq3A_889 = arith.cmpi eq, %shift_right_arithmetic3A_880, %eq3A_888 : i32
        %convert_element_type3A_890 = arith.extui %eq3A_889 : i1 to i32
        %cond3A_891 = arith.constant 0 : i32
        %cond3A_892 = arith.cmpi ne, %convert_element_type3A_890, %cond3A_891 : i32
        scf.if %cond3A_892 {
          %min3A = arith.constant 8386024 : i32
          %min3A_963 = arith.minsi %shift_left3A_878, %min3A : i32
          %multiple_of3A_964 = tpu.assume_multiple %min3A_963, 8 : i32
          %sub3A_965 = arith.subi %select_n3A_874, %multiple_of3A_964 : i32
          %mul3A_966 = arith.constant 4192 : i32
          %mul3A_967 = arith.muli %rem3A_882, %mul3A_966 : i32
          %add3A_968 = arith.constant 48 : i32
          %add3A_969 = arith.addi %mul3A_967, %add3A_968 : i32
          %sub3A_970 = arith.subi %add3A_969, %sub3A_965 : i32
          %multiple_of3A_971 = tpu.assume_multiple %sub3A_970, 8 : i32
          %dma_start3A_972 = tpu.memref_slice %arg6[%multiple_of3A_971] : memref<33536xf32, #tpu.memory_space<vmem>> -> memref<536xf32, #tpu.memory_space<vmem>>
          %dma_start3A_973 = tpu.memref_slice %arg2[%multiple_of3A_964] : memref<8386560xf32, #tpu.memory_space<hbm>> -> memref<536xf32, #tpu.memory_space<hbm>>
          %dma_start3A_974 = tpu.memref_slice %arg8[%rem3A_882] : memref<8x!tpu.dma_semaphore, #tpu.memory_space<semaphore_mem>> -> memref<1x!tpu.dma_semaphore, #tpu.memory_space<semaphore_mem>>
          %dma_start3A_975 = tpu.memref_squeeze %dma_start3A_974 : memref<1x!tpu.dma_semaphore, #tpu.memory_space<semaphore_mem>> -> memref<!tpu.dma_semaphore, #tpu.memory_space<semaphore_mem>>
          %dma_start3A_976 = tpu.memref_slice %arg6[%multiple_of3A_971] : memref<33536xf32, #tpu.memory_space<vmem>> -> memref<536xf32, #tpu.memory_space<vmem>>
          %dma_start3A_977 = tpu.memref_slice %arg2[%multiple_of3A_964] : memref<8386560xf32, #tpu.memory_space<hbm>> -> memref<536xf32, #tpu.memory_space<hbm>>
          tpu.enqueue_dma source(%dma_start3A_977 : memref<536xf32, #tpu.memory_space<hbm>>) target(%dma_start3A_976 : memref<536xf32, #tpu.memory_space<vmem>>) target_semaphore(%dma_start3A_975 : memref<!tpu.dma_semaphore, #tpu.memory_space<semaphore_mem>>)
        } else {
        }
        %eq3A_893 = arith.constant 2 : i32
        %eq3A_894 = arith.cmpi eq, %shift_right_arithmetic3A_880, %eq3A_893 : i32
        %convert_element_type3A_895 = arith.extui %eq3A_894 : i1 to i32
        %cond3A_896 = arith.constant 0 : i32
        %cond3A_897 = arith.cmpi ne, %convert_element_type3A_895, %cond3A_896 : i32
        scf.if %cond3A_897 {
          %min3A = arith.constant 8385768 : i32
          %min3A_963 = arith.minsi %shift_left3A_878, %min3A : i32
          %multiple_of3A_964 = tpu.assume_multiple %min3A_963, 8 : i32
          %sub3A_965 = arith.subi %select_n3A_874, %multiple_of3A_964 : i32
          %mul3A_966 = arith.constant 4192 : i32
          %mul3A_967 = arith.muli %rem3A_882, %mul3A_966 : i32
          %add3A_968 = arith.constant 48 : i32
          %add3A_969 = arith.addi %mul3A_967, %add3A_968 : i32
          %sub3A_970 = arith.subi %add3A_969, %sub3A_965 : i32
          %multiple_of3A_971 = tpu.assume_multiple %sub3A_970, 8 : i32
          %dma_start3A_972 = tpu.memref_slice %arg6[%multiple_of3A_971] : memref<33536xf32, #tpu.memory_space<vmem>> -> memref<792xf32, #tpu.memory_space<vmem>>
          %dma_start3A_973 = tpu.memref_slice %arg2[%multiple_of3A_964] : memref<8386560xf32, #tpu.memory_space<hbm>> -> memref<792xf32, #tpu.memory_space<hbm>>
          %dma_start3A_974 = tpu.memref_slice %arg8[%rem3A_882] : memref<8x!tpu.dma_semaphore, #tpu.memory_space<semaphore_mem>> -> memref<1x!tpu.dma_semaphore, #tpu.memory_space<semaphore_mem>>
          %dma_start3A_975 = tpu.memref_squeeze %dma_start3A_974 : memref<1x!tpu.dma_semaphore, #tpu.memory_space<semaphore_mem>> -> memref<!tpu.dma_semaphore, #tpu.memory_space<semaphore_mem>>
          %dma_start3A_976 = tpu.memref_slice %arg6[%multiple_of3A_971] : memref<33536xf32, #tpu.memory_space<vmem>> -> memref<792xf32, #tpu.memory_space<vmem>>
          %dma_start3A_977 = tpu.memref_slice %arg2[%multiple_of3A_964] : memref<8386560xf32, #tpu.memory_space<hbm>> -> memref<792xf32, #tpu.memory_space<hbm>>
          tpu.enqueue_dma source(%dma_start3A_977 : memref<792xf32, #tpu.memory_space<hbm>>) target(%dma_start3A_976 : memref<792xf32, #tpu.memory_space<vmem>>) target_semaphore(%dma_start3A_975 : memref<!tpu.dma_semaphore, #tpu.memory_space<semaphore_mem>>)
        } else {
        }
        %eq3A_898 = arith.constant 3 : i32
        %eq3A_899 = arith.cmpi eq, %shift_right_arithmetic3A_880, %eq3A_898 : i32
        %convert_element_type3A_900 = arith.extui %eq3A_899 : i1 to i32
        %cond3A_901 = arith.constant 0 : i32
        %cond3A_902 = arith.cmpi ne, %convert_element_type3A_900, %cond3A_901 : i32
        scf.if %cond3A_902 {
          %min3A = arith.constant 8385512 : i32
          %min3A_963 = arith.minsi %shift_left3A_878, %min3A : i32
          %multiple_of3A_964 = tpu.assume_multiple %min3A_963, 8 : i32
          %sub3A_965 = arith.subi %select_n3A_874, %multiple_of3A_964 : i32
          %mul3A_966 = arith.constant 4192 : i32
          %mul3A_967 = arith.muli %rem3A_882, %mul3A_966 : i32
          %add3A_968 = arith.constant 48 : i32
          %add3A_969 = arith.addi %mul3A_967, %add3A_968 : i32
          %sub3A_970 = arith.subi %add3A_969, %sub3A_965 : i32
          %multiple_of3A_971 = tpu.assume_multiple %sub3A_970, 8 : i32
          %dma_start3A_972 = tpu.memref_slice %arg6[%multiple_of3A_971] : memref<33536xf32, #tpu.memory_space<vmem>> -> memref<1048xf32, #tpu.memory_space<vmem>>
          %dma_start3A_973 = tpu.memref_slice %arg2[%multiple_of3A_964] : memref<8386560xf32, #tpu.memory_space<hbm>> -> memref<1048xf32, #tpu.memory_space<hbm>>
          %dma_start3A_974 = tpu.memref_slice %arg8[%rem3A_882] : memref<8x!tpu.dma_semaphore, #tpu.memory_space<semaphore_mem>> -> memref<1x!tpu.dma_semaphore, #tpu.memory_space<semaphore_mem>>
          %dma_start3A_975 = tpu.memref_squeeze %dma_start3A_974 : memref<1x!tpu.dma_semaphore, #tpu.memory_space<semaphore_mem>> -> memref<!tpu.dma_semaphore, #tpu.memory_space<semaphore_mem>>
          %dma_start3A_976 = tpu.memref_slice %arg6[%multiple_of3A_971] : memref<33536xf32, #tpu.memory_space<vmem>> -> memref<1048xf32, #tpu.memory_space<vmem>>
          %dma_start3A_977 = tpu.memref_slice %arg2[%multiple_of3A_964] : memref<8386560xf32, #tpu.memory_space<hbm>> -> memref<1048xf32, #tpu.memory_space<hbm>>
          tpu.enqueue_dma source(%dma_start3A_977 : memref<1048xf32, #tpu.memory_space<hbm>>) target(%dma_start3A_976 : memref<1048xf32, #tpu.memory_space<vmem>>) target_semaphore(%dma_start3A_975 : memref<!tpu.dma_semaphore, #tpu.memory_space<semaphore_mem>>)
        } else {
        }
        %eq3A_903 = arith.constant 4 : i32
        %eq3A_904 = arith.cmpi eq, %shift_right_arithmetic3A_880, %eq3A_903 : i32
        %convert_element_type3A_905 = arith.extui %eq3A_904 : i1 to i32
        %cond3A_906 = arith.constant 0 : i32
        %cond3A_907 = arith.cmpi ne, %convert_element_type3A_905, %cond3A_906 : i32
        scf.if %cond3A_907 {
          %min3A = arith.constant 8385256 : i32
          %min3A_963 = arith.minsi %shift_left3A_878, %min3A : i32
          %multiple_of3A_964 = tpu.assume_multiple %min3A_963, 8 : i32
          %sub3A_965 = arith.subi %select_n3A_874, %multiple_of3A_964 : i32
          %mul3A_966 = arith.constant 4192 : i32
          %mul3A_967 = arith.muli %rem3A_882, %mul3A_966 : i32
          %add3A_968 = arith.constant 48 : i32
          %add3A_969 = arith.addi %mul3A_967, %add3A_968 : i32
          %sub3A_970 = arith.subi %add3A_969, %sub3A_965 : i32
          %multiple_of3A_971 = tpu.assume_multiple %sub3A_970, 8 : i32
          %dma_start3A_972 = tpu.memref_slice %arg6[%multiple_of3A_971] : memref<33536xf32, #tpu.memory_space<vmem>> -> memref<1304xf32, #tpu.memory_space<vmem>>
          %dma_start3A_973 = tpu.memref_slice %arg2[%multiple_of3A_964] : memref<8386560xf32, #tpu.memory_space<hbm>> -> memref<1304xf32, #tpu.memory_space<hbm>>
          %dma_start3A_974 = tpu.memref_slice %arg8[%rem3A_882] : memref<8x!tpu.dma_semaphore, #tpu.memory_space<semaphore_mem>> -> memref<1x!tpu.dma_semaphore, #tpu.memory_space<semaphore_mem>>
          %dma_start3A_975 = tpu.memref_squeeze %dma_start3A_974 : memref<1x!tpu.dma_semaphore, #tpu.memory_space<semaphore_mem>> -> memref<!tpu.dma_semaphore, #tpu.memory_space<semaphore_mem>>
          %dma_start3A_976 = tpu.memref_slice %arg6[%multiple_of3A_971] : memref<33536xf32, #tpu.memory_space<vmem>> -> memref<1304xf32, #tpu.memory_space<vmem>>
          %dma_start3A_977 = tpu.memref_slice %arg2[%multiple_of3A_964] : memref<8386560xf32, #tpu.memory_space<hbm>> -> memref<1304xf32, #tpu.memory_space<hbm>>
          tpu.enqueue_dma source(%dma_start3A_977 : memref<1304xf32, #tpu.memory_space<hbm>>) target(%dma_start3A_976 : memref<1304xf32, #tpu.memory_space<vmem>>) target_semaphore(%dma_start3A_975 : memref<!tpu.dma_semaphore, #tpu.memory_space<semaphore_mem>>)
        } else {
        }
        %eq3A_908 = arith.constant 5 : i32
        %eq3A_909 = arith.cmpi eq, %shift_right_arithmetic3A_880, %eq3A_908 : i32
        %convert_element_type3A_910 = arith.extui %eq3A_909 : i1 to i32
        %cond3A_911 = arith.constant 0 : i32
        %cond3A_912 = arith.cmpi ne, %convert_element_type3A_910, %cond3A_911 : i32
        scf.if %cond3A_912 {
          %min3A = arith.constant 8385000 : i32
          %min3A_963 = arith.minsi %shift_left3A_878, %min3A : i32
          %multiple_of3A_964 = tpu.assume_multiple %min3A_963, 8 : i32
          %sub3A_965 = arith.subi %select_n3A_874, %multiple_of3A_964 : i32
          %mul3A_966 = arith.constant 4192 : i32
          %mul3A_967 = arith.muli %rem3A_882, %mul3A_966 : i32
          %add3A_968 = arith.constant 48 : i32
          %add3A_969 = arith.addi %mul3A_967, %add3A_968 : i32
          %sub3A_970 = arith.subi %add3A_969, %sub3A_965 : i32
          %multiple_of3A_971 = tpu.assume_multiple %sub3A_970, 8 : i32
          %dma_start3A_972 = tpu.memref_slice %arg6[%multiple_of3A_971] : memref<33536xf32, #tpu.memory_space<vmem>> -> memref<1560xf32, #tpu.memory_space<vmem>>
          %dma_start3A_973 = tpu.memref_slice %arg2[%multiple_of3A_964] : memref<8386560xf32, #tpu.memory_space<hbm>> -> memref<1560xf32, #tpu.memory_space<hbm>>
          %dma_start3A_974 = tpu.memref_slice %arg8[%rem3A_882] : memref<8x!tpu.dma_semaphore, #tpu.memory_space<semaphore_mem>> -> memref<1x!tpu.dma_semaphore, #tpu.memory_space<semaphore_mem>>
          %dma_start3A_975 = tpu.memref_squeeze %dma_start3A_974 : memref<1x!tpu.dma_semaphore, #tpu.memory_space<semaphore_mem>> -> memref<!tpu.dma_semaphore, #tpu.memory_space<semaphore_mem>>
          %dma_start3A_976 = tpu.memref_slice %arg6[%multiple_of3A_971] : memref<33536xf32, #tpu.memory_space<vmem>> -> memref<1560xf32, #tpu.memory_space<vmem>>
          %dma_start3A_977 = tpu.memref_slice %arg2[%multiple_of3A_964] : memref<8386560xf32, #tpu.memory_space<hbm>> -> memref<1560xf32, #tpu.memory_space<hbm>>
          tpu.enqueue_dma source(%dma_start3A_977 : memref<1560xf32, #tpu.memory_space<hbm>>) target(%dma_start3A_976 : memref<1560xf32, #tpu.memory_space<vmem>>) target_semaphore(%dma_start3A_975 : memref<!tpu.dma_semaphore, #tpu.memory_space<semaphore_mem>>)
        } else {
        }
        %eq3A_913 = arith.constant 6 : i32
        %eq3A_914 = arith.cmpi eq, %shift_right_arithmetic3A_880, %eq3A_913 : i32
        %convert_element_type3A_915 = arith.extui %eq3A_914 : i1 to i32
        %cond3A_916 = arith.constant 0 : i32
        %cond3A_917 = arith.cmpi ne, %convert_element_type3A_915, %cond3A_916 : i32
        scf.if %cond3A_917 {
          %min3A = arith.constant 8384744 : i32
          %min3A_963 = arith.minsi %shift_left3A_878, %min3A : i32
          %multiple_of3A_964 = tpu.assume_multiple %min3A_963, 8 : i32
          %sub3A_965 = arith.subi %select_n3A_874, %multiple_of3A_964 : i32
          %mul3A_966 = arith.constant 4192 : i32
          %mul3A_967 = arith.muli %rem3A_882, %mul3A_966 : i32
          %add3A_968 = arith.constant 48 : i32
          %add3A_969 = arith.addi %mul3A_967, %add3A_968 : i32
          %sub3A_970 = arith.subi %add3A_969, %sub3A_965 : i32
          %multiple_of3A_971 = tpu.assume_multiple %sub3A_970, 8 : i32
          %dma_start3A_972 = tpu.memref_slice %arg6[%multiple_of3A_971] : memref<33536xf32, #tpu.memory_space<vmem>> -> memref<1816xf32, #tpu.memory_space<vmem>>
          %dma_start3A_973 = tpu.memref_slice %arg2[%multiple_of3A_964] : memref<8386560xf32, #tpu.memory_space<hbm>> -> memref<1816xf32, #tpu.memory_space<hbm>>
          %dma_start3A_974 = tpu.memref_slice %arg8[%rem3A_882] : memref<8x!tpu.dma_semaphore, #tpu.memory_space<semaphore_mem>> -> memref<1x!tpu.dma_semaphore, #tpu.memory_space<semaphore_mem>>
          %dma_start3A_975 = tpu.memref_squeeze %dma_start3A_974 : memref<1x!tpu.dma_semaphore, #tpu.memory_space<semaphore_mem>> -> memref<!tpu.dma_semaphore, #tpu.memory_space<semaphore_mem>>
          %dma_start3A_976 = tpu.memref_slice %arg6[%multiple_of3A_971] : memref<33536xf32, #tpu.memory_space<vmem>> -> memref<1816xf32, #tpu.memory_space<vmem>>
          %dma_start3A_977 = tpu.memref_slice %arg2[%multiple_of3A_964] : memref<8386560xf32, #tpu.memory_space<hbm>> -> memref<1816xf32, #tpu.memory_space<hbm>>
          tpu.enqueue_dma source(%dma_start3A_977 : memref<1816xf32, #tpu.memory_space<hbm>>) target(%dma_start3A_976 : memref<1816xf32, #tpu.memory_space<vmem>>) target_semaphore(%dma_start3A_975 : memref<!tpu.dma_semaphore, #tpu.memory_space<semaphore_mem>>)
        } else {
        }
        %eq3A_918 = arith.constant 7 : i32
        %eq3A_919 = arith.cmpi eq, %shift_right_arithmetic3A_880, %eq3A_918 : i32
        %convert_element_type3A_920 = arith.extui %eq3A_919 : i1 to i32
        %cond3A_921 = arith.constant 0 : i32
        %cond3A_922 = arith.cmpi ne, %convert_element_type3A_920, %cond3A_921 : i32
        scf.if %cond3A_922 {
          %min3A = arith.constant 8384488 : i32
          %min3A_963 = arith.minsi %shift_left3A_878, %min3A : i32
          %multiple_of3A_964 = tpu.assume_multiple %min3A_963, 8 : i32
          %sub3A_965 = arith.subi %select_n3A_874, %multiple_of3A_964 : i32
          %mul3A_966 = arith.constant 4192 : i32
          %mul3A_967 = arith.muli %rem3A_882, %mul3A_966 : i32
          %add3A_968 = arith.constant 48 : i32
          %add3A_969 = arith.addi %mul3A_967, %add3A_968 : i32
          %sub3A_970 = arith.subi %add3A_969, %sub3A_965 : i32
          %multiple_of3A_971 = tpu.assume_multiple %sub3A_970, 8 : i32
          %dma_start3A_972 = tpu.memref_slice %arg6[%multiple_of3A_971] : memref<33536xf32, #tpu.memory_space<vmem>> -> memref<2072xf32, #tpu.memory_space<vmem>>
          %dma_start3A_973 = tpu.memref_slice %arg2[%multiple_of3A_964] : memref<8386560xf32, #tpu.memory_space<hbm>> -> memref<2072xf32, #tpu.memory_space<hbm>>
          %dma_start3A_974 = tpu.memref_slice %arg8[%rem3A_882] : memref<8x!tpu.dma_semaphore, #tpu.memory_space<semaphore_mem>> -> memref<1x!tpu.dma_semaphore, #tpu.memory_space<semaphore_mem>>
          %dma_start3A_975 = tpu.memref_squeeze %dma_start3A_974 : memref<1x!tpu.dma_semaphore, #tpu.memory_space<semaphore_mem>> -> memref<!tpu.dma_semaphore, #tpu.memory_space<semaphore_mem>>
          %dma_start3A_976 = tpu.memref_slice %arg6[%multiple_of3A_971] : memref<33536xf32, #tpu.memory_space<vmem>> -> memref<2072xf32, #tpu.memory_space<vmem>>
          %dma_start3A_977 = tpu.memref_slice %arg2[%multiple_of3A_964] : memref<8386560xf32, #tpu.memory_space<hbm>> -> memref<2072xf32, #tpu.memory_space<hbm>>
          tpu.enqueue_dma source(%dma_start3A_977 : memref<2072xf32, #tpu.memory_space<hbm>>) target(%dma_start3A_976 : memref<2072xf32, #tpu.memory_space<vmem>>) target_semaphore(%dma_start3A_975 : memref<!tpu.dma_semaphore, #tpu.memory_space<semaphore_mem>>)
        } else {
        }
        %eq3A_923 = arith.constant 8 : i32
        %eq3A_924 = arith.cmpi eq, %shift_right_arithmetic3A_880, %eq3A_923 : i32
        %convert_element_type3A_925 = arith.extui %eq3A_924 : i1 to i32
        %cond3A_926 = arith.constant 0 : i32
        %cond3A_927 = arith.cmpi ne, %convert_element_type3A_925, %cond3A_926 : i32
        scf.if %cond3A_927 {
          %min3A = arith.constant 8384232 : i32
          %min3A_963 = arith.minsi %shift_left3A_878, %min3A : i32
          %multiple_of3A_964 = tpu.assume_multiple %min3A_963, 8 : i32
          %sub3A_965 = arith.subi %select_n3A_874, %multiple_of3A_964 : i32
          %mul3A_966 = arith.constant 4192 : i32
          %mul3A_967 = arith.muli %rem3A_882, %mul3A_966 : i32
          %add3A_968 = arith.constant 48 : i32
          %add3A_969 = arith.addi %mul3A_967, %add3A_968 : i32
          %sub3A_970 = arith.subi %add3A_969, %sub3A_965 : i32
          %multiple_of3A_971 = tpu.assume_multiple %sub3A_970, 8 : i32
          %dma_start3A_972 = tpu.memref_slice %arg6[%multiple_of3A_971] : memref<33536xf32, #tpu.memory_space<vmem>> -> memref<2328xf32, #tpu.memory_space<vmem>>
          %dma_start3A_973 = tpu.memref_slice %arg2[%multiple_of3A_964] : memref<8386560xf32, #tpu.memory_space<hbm>> -> memref<2328xf32, #tpu.memory_space<hbm>>
          %dma_start3A_974 = tpu.memref_slice %arg8[%rem3A_882] : memref<8x!tpu.dma_semaphore, #tpu.memory_space<semaphore_mem>> -> memref<1x!tpu.dma_semaphore, #tpu.memory_space<semaphore_mem>>
          %dma_start3A_975 = tpu.memref_squeeze %dma_start3A_974 : memref<1x!tpu.dma_semaphore, #tpu.memory_space<semaphore_mem>> -> memref<!tpu.dma_semaphore, #tpu.memory_space<semaphore_mem>>
          %dma_start3A_976 = tpu.memref_slice %arg6[%multiple_of3A_971] : memref<33536xf32, #tpu.memory_space<vmem>> -> memref<2328xf32, #tpu.memory_space<vmem>>
          %dma_start3A_977 = tpu.memref_slice %arg2[%multiple_of3A_964] : memref<8386560xf32, #tpu.memory_space<hbm>> -> memref<2328xf32, #tpu.memory_space<hbm>>
          tpu.enqueue_dma source(%dma_start3A_977 : memref<2328xf32, #tpu.memory_space<hbm>>) target(%dma_start3A_976 : memref<2328xf32, #tpu.memory_space<vmem>>) target_semaphore(%dma_start3A_975 : memref<!tpu.dma_semaphore, #tpu.memory_space<semaphore_mem>>)
        } else {
        }
        %eq3A_928 = arith.constant 9 : i32
        %eq3A_929 = arith.cmpi eq, %shift_right_arithmetic3A_880, %eq3A_928 : i32
        %convert_element_type3A_930 = arith.extui %eq3A_929 : i1 to i32
        %cond3A_931 = arith.constant 0 : i32
        %cond3A_932 = arith.cmpi ne, %convert_element_type3A_930, %cond3A_931 : i32
        scf.if %cond3A_932 {
          %min3A = arith.constant 8383976 : i32
          %min3A_963 = arith.minsi %shift_left3A_878, %min3A : i32
          %multiple_of3A_964 = tpu.assume_multiple %min3A_963, 8 : i32
          %sub3A_965 = arith.subi %select_n3A_874, %multiple_of3A_964 : i32
          %mul3A_966 = arith.constant 4192 : i32
          %mul3A_967 = arith.muli %rem3A_882, %mul3A_966 : i32
          %add3A_968 = arith.constant 48 : i32
          %add3A_969 = arith.addi %mul3A_967, %add3A_968 : i32
          %sub3A_970 = arith.subi %add3A_969, %sub3A_965 : i32
          %multiple_of3A_971 = tpu.assume_multiple %sub3A_970, 8 : i32
          %dma_start3A_972 = tpu.memref_slice %arg6[%multiple_of3A_971] : memref<33536xf32, #tpu.memory_space<vmem>> -> memref<2584xf32, #tpu.memory_space<vmem>>
          %dma_start3A_973 = tpu.memref_slice %arg2[%multiple_of3A_964] : memref<8386560xf32, #tpu.memory_space<hbm>> -> memref<2584xf32, #tpu.memory_space<hbm>>
          %dma_start3A_974 = tpu.memref_slice %arg8[%rem3A_882] : memref<8x!tpu.dma_semaphore, #tpu.memory_space<semaphore_mem>> -> memref<1x!tpu.dma_semaphore, #tpu.memory_space<semaphore_mem>>
          %dma_start3A_975 = tpu.memref_squeeze %dma_start3A_974 : memref<1x!tpu.dma_semaphore, #tpu.memory_space<semaphore_mem>> -> memref<!tpu.dma_semaphore, #tpu.memory_space<semaphore_mem>>
          %dma_start3A_976 = tpu.memref_slice %arg6[%multiple_of3A_971] : memref<33536xf32, #tpu.memory_space<vmem>> -> memref<2584xf32, #tpu.memory_space<vmem>>
          %dma_start3A_977 = tpu.memref_slice %arg2[%multiple_of3A_964] : memref<8386560xf32, #tpu.memory_space<hbm>> -> memref<2584xf32, #tpu.memory_space<hbm>>
          tpu.enqueue_dma source(%dma_start3A_977 : memref<2584xf32, #tpu.memory_space<hbm>>) target(%dma_start3A_976 : memref<2584xf32, #tpu.memory_space<vmem>>) target_semaphore(%dma_start3A_975 : memref<!tpu.dma_semaphore, #tpu.memory_space<semaphore_mem>>)
        } else {
        }
        %eq3A_933 = arith.constant 10 : i32
        %eq3A_934 = arith.cmpi eq, %shift_right_arithmetic3A_880, %eq3A_933 : i32
        %convert_element_type3A_935 = arith.extui %eq3A_934 : i1 to i32
        %cond3A_936 = arith.constant 0 : i32
        %cond3A_937 = arith.cmpi ne, %convert_element_type3A_935, %cond3A_936 : i32
        scf.if %cond3A_937 {
          %min3A = arith.constant 8383720 : i32
          %min3A_963 = arith.minsi %shift_left3A_878, %min3A : i32
          %multiple_of3A_964 = tpu.assume_multiple %min3A_963, 8 : i32
          %sub3A_965 = arith.subi %select_n3A_874, %multiple_of3A_964 : i32
          %mul3A_966 = arith.constant 4192 : i32
          %mul3A_967 = arith.muli %rem3A_882, %mul3A_966 : i32
          %add3A_968 = arith.constant 48 : i32
          %add3A_969 = arith.addi %mul3A_967, %add3A_968 : i32
          %sub3A_970 = arith.subi %add3A_969, %sub3A_965 : i32
          %multiple_of3A_971 = tpu.assume_multiple %sub3A_970, 8 : i32
          %dma_start3A_972 = tpu.memref_slice %arg6[%multiple_of3A_971] : memref<33536xf32, #tpu.memory_space<vmem>> -> memref<2840xf32, #tpu.memory_space<vmem>>
          %dma_start3A_973 = tpu.memref_slice %arg2[%multiple_of3A_964] : memref<8386560xf32, #tpu.memory_space<hbm>> -> memref<2840xf32, #tpu.memory_space<hbm>>
          %dma_start3A_974 = tpu.memref_slice %arg8[%rem3A_882] : memref<8x!tpu.dma_semaphore, #tpu.memory_space<semaphore_mem>> -> memref<1x!tpu.dma_semaphore, #tpu.memory_space<semaphore_mem>>
          %dma_start3A_975 = tpu.memref_squeeze %dma_start3A_974 : memref<1x!tpu.dma_semaphore, #tpu.memory_space<semaphore_mem>> -> memref<!tpu.dma_semaphore, #tpu.memory_space<semaphore_mem>>
          %dma_start3A_976 = tpu.memref_slice %arg6[%multiple_of3A_971] : memref<33536xf32, #tpu.memory_space<vmem>> -> memref<2840xf32, #tpu.memory_space<vmem>>
          %dma_start3A_977 = tpu.memref_slice %arg2[%multiple_of3A_964] : memref<8386560xf32, #tpu.memory_space<hbm>> -> memref<2840xf32, #tpu.memory_space<hbm>>
          tpu.enqueue_dma source(%dma_start3A_977 : memref<2840xf32, #tpu.memory_space<hbm>>) target(%dma_start3A_976 : memref<2840xf32, #tpu.memory_space<vmem>>) target_semaphore(%dma_start3A_975 : memref<!tpu.dma_semaphore, #tpu.memory_space<semaphore_mem>>)
        } else {
        }
        %eq3A_938 = arith.constant 11 : i32
        %eq3A_939 = arith.cmpi eq, %shift_right_arithmetic3A_880, %eq3A_938 : i32
        %convert_element_type3A_940 = arith.extui %eq3A_939 : i1 to i32
        %cond3A_941 = arith.constant 0 : i32
        %cond3A_942 = arith.cmpi ne, %convert_element_type3A_940, %cond3A_941 : i32
        scf.if %cond3A_942 {
          %min3A = arith.constant 8383464 : i32
          %min3A_963 = arith.minsi %shift_left3A_878, %min3A : i32
          %multiple_of3A_964 = tpu.assume_multiple %min3A_963, 8 : i32
          %sub3A_965 = arith.subi %select_n3A_874, %multiple_of3A_964 : i32
          %mul3A_966 = arith.constant 4192 : i32
          %mul3A_967 = arith.muli %rem3A_882, %mul3A_966 : i32
          %add3A_968 = arith.constant 48 : i32
          %add3A_969 = arith.addi %mul3A_967, %add3A_968 : i32
          %sub3A_970 = arith.subi %add3A_969, %sub3A_965 : i32
          %multiple_of3A_971 = tpu.assume_multiple %sub3A_970, 8 : i32
          %dma_start3A_972 = tpu.memref_slice %arg6[%multiple_of3A_971] : memref<33536xf32, #tpu.memory_space<vmem>> -> memref<3096xf32, #tpu.memory_space<vmem>>
          %dma_start3A_973 = tpu.memref_slice %arg2[%multiple_of3A_964] : memref<8386560xf32, #tpu.memory_space<hbm>> -> memref<3096xf32, #tpu.memory_space<hbm>>
          %dma_start3A_974 = tpu.memref_slice %arg8[%rem3A_882] : memref<8x!tpu.dma_semaphore, #tpu.memory_space<semaphore_mem>> -> memref<1x!tpu.dma_semaphore, #tpu.memory_space<semaphore_mem>>
          %dma_start3A_975 = tpu.memref_squeeze %dma_start3A_974 : memref<1x!tpu.dma_semaphore, #tpu.memory_space<semaphore_mem>> -> memref<!tpu.dma_semaphore, #tpu.memory_space<semaphore_mem>>
          %dma_start3A_976 = tpu.memref_slice %arg6[%multiple_of3A_971] : memref<33536xf32, #tpu.memory_space<vmem>> -> memref<3096xf32, #tpu.memory_space<vmem>>
          %dma_start3A_977 = tpu.memref_slice %arg2[%multiple_of3A_964] : memref<8386560xf32, #tpu.memory_space<hbm>> -> memref<3096xf32, #tpu.memory_space<hbm>>
          tpu.enqueue_dma source(%dma_start3A_977 : memref<3096xf32, #tpu.memory_space<hbm>>) target(%dma_start3A_976 : memref<3096xf32, #tpu.memory_space<vmem>>) target_semaphore(%dma_start3A_975 : memref<!tpu.dma_semaphore, #tpu.memory_space<semaphore_mem>>)
        } else {
        }
        %eq3A_943 = arith.constant 12 : i32
        %eq3A_944 = arith.cmpi eq, %shift_right_arithmetic3A_880, %eq3A_943 : i32
        %convert_element_type3A_945 = arith.extui %eq3A_944 : i1 to i32
        %cond3A_946 = arith.constant 0 : i32
        %cond3A_947 = arith.cmpi ne, %convert_element_type3A_945, %cond3A_946 : i32
        scf.if %cond3A_947 {
          %min3A = arith.constant 8383208 : i32
          %min3A_963 = arith.minsi %shift_left3A_878, %min3A : i32
          %multiple_of3A_964 = tpu.assume_multiple %min3A_963, 8 : i32
          %sub3A_965 = arith.subi %select_n3A_874, %multiple_of3A_964 : i32
          %mul3A_966 = arith.constant 4192 : i32
          %mul3A_967 = arith.muli %rem3A_882, %mul3A_966 : i32
          %add3A_968 = arith.constant 48 : i32
          %add3A_969 = arith.addi %mul3A_967, %add3A_968 : i32
          %sub3A_970 = arith.subi %add3A_969, %sub3A_965 : i32
          %multiple_of3A_971 = tpu.assume_multiple %sub3A_970, 8 : i32
          %dma_start3A_972 = tpu.memref_slice %arg6[%multiple_of3A_971] : memref<33536xf32, #tpu.memory_space<vmem>> -> memref<3352xf32, #tpu.memory_space<vmem>>
          %dma_start3A_973 = tpu.memref_slice %arg2[%multiple_of3A_964] : memref<8386560xf32, #tpu.memory_space<hbm>> -> memref<3352xf32, #tpu.memory_space<hbm>>
          %dma_start3A_974 = tpu.memref_slice %arg8[%rem3A_882] : memref<8x!tpu.dma_semaphore, #tpu.memory_space<semaphore_mem>> -> memref<1x!tpu.dma_semaphore, #tpu.memory_space<semaphore_mem>>
          %dma_start3A_975 = tpu.memref_squeeze %dma_start3A_974 : memref<1x!tpu.dma_semaphore, #tpu.memory_space<semaphore_mem>> -> memref<!tpu.dma_semaphore, #tpu.memory_space<semaphore_mem>>
          %dma_start3A_976 = tpu.memref_slice %arg6[%multiple_of3A_971] : memref<33536xf32, #tpu.memory_space<vmem>> -> memref<3352xf32, #tpu.memory_space<vmem>>
          %dma_start3A_977 = tpu.memref_slice %arg2[%multiple_of3A_964] : memref<8386560xf32, #tpu.memory_space<hbm>> -> memref<3352xf32, #tpu.memory_space<hbm>>
          tpu.enqueue_dma source(%dma_start3A_977 : memref<3352xf32, #tpu.memory_space<hbm>>) target(%dma_start3A_976 : memref<3352xf32, #tpu.memory_space<vmem>>) target_semaphore(%dma_start3A_975 : memref<!tpu.dma_semaphore, #tpu.memory_space<semaphore_mem>>)
        } else {
        }
        %eq3A_948 = arith.constant 13 : i32
        %eq3A_949 = arith.cmpi eq, %shift_right_arithmetic3A_880, %eq3A_948 : i32
        %convert_element_type3A_950 = arith.extui %eq3A_949 : i1 to i32
        %cond3A_951 = arith.constant 0 : i32
        %cond3A_952 = arith.cmpi ne, %convert_element_type3A_950, %cond3A_951 : i32
        scf.if %cond3A_952 {
          %min3A = arith.constant 8382952 : i32
          %min3A_963 = arith.minsi %shift_left3A_878, %min3A : i32
          %multiple_of3A_964 = tpu.assume_multiple %min3A_963, 8 : i32
          %sub3A_965 = arith.subi %select_n3A_874, %multiple_of3A_964 : i32
          %mul3A_966 = arith.constant 4192 : i32
          %mul3A_967 = arith.muli %rem3A_882, %mul3A_966 : i32
          %add3A_968 = arith.constant 48 : i32
          %add3A_969 = arith.addi %mul3A_967, %add3A_968 : i32
          %sub3A_970 = arith.subi %add3A_969, %sub3A_965 : i32
          %multiple_of3A_971 = tpu.assume_multiple %sub3A_970, 8 : i32
          %dma_start3A_972 = tpu.memref_slice %arg6[%multiple_of3A_971] : memref<33536xf32, #tpu.memory_space<vmem>> -> memref<3608xf32, #tpu.memory_space<vmem>>
          %dma_start3A_973 = tpu.memref_slice %arg2[%multiple_of3A_964] : memref<8386560xf32, #tpu.memory_space<hbm>> -> memref<3608xf32, #tpu.memory_space<hbm>>
          %dma_start3A_974 = tpu.memref_slice %arg8[%rem3A_882] : memref<8x!tpu.dma_semaphore, #tpu.memory_space<semaphore_mem>> -> memref<1x!tpu.dma_semaphore, #tpu.memory_space<semaphore_mem>>
          %dma_start3A_975 = tpu.memref_squeeze %dma_start3A_974 : memref<1x!tpu.dma_semaphore, #tpu.memory_space<semaphore_mem>> -> memref<!tpu.dma_semaphore, #tpu.memory_space<semaphore_mem>>
          %dma_start3A_976 = tpu.memref_slice %arg6[%multiple_of3A_971] : memref<33536xf32, #tpu.memory_space<vmem>> -> memref<3608xf32, #tpu.memory_space<vmem>>
          %dma_start3A_977 = tpu.memref_slice %arg2[%multiple_of3A_964] : memref<8386560xf32, #tpu.memory_space<hbm>> -> memref<3608xf32, #tpu.memory_space<hbm>>
          tpu.enqueue_dma source(%dma_start3A_977 : memref<3608xf32, #tpu.memory_space<hbm>>) target(%dma_start3A_976 : memref<3608xf32, #tpu.memory_space<vmem>>) target_semaphore(%dma_start3A_975 : memref<!tpu.dma_semaphore, #tpu.memory_space<semaphore_mem>>)
        } else {
        }
        %eq3A_953 = arith.constant 14 : i32
        %eq3A_954 = arith.cmpi eq, %shift_right_arithmetic3A_880, %eq3A_953 : i32
        %convert_element_type3A_955 = arith.extui %eq3A_954 : i1 to i32
        %cond3A_956 = arith.constant 0 : i32
        %cond3A_957 = arith.cmpi ne, %convert_element_type3A_955, %cond3A_956 : i32
        scf.if %cond3A_957 {
          %min3A = arith.constant 8382696 : i32
          %min3A_963 = arith.minsi %shift_left3A_878, %min3A : i32
          %multiple_of3A_964 = tpu.assume_multiple %min3A_963, 8 : i32
          %sub3A_965 = arith.subi %select_n3A_874, %multiple_of3A_964 : i32
          %mul3A_966 = arith.constant 4192 : i32
          %mul3A_967 = arith.muli %rem3A_882, %mul3A_966 : i32
          %add3A_968 = arith.constant 48 : i32
          %add3A_969 = arith.addi %mul3A_967, %add3A_968 : i32
          %sub3A_970 = arith.subi %add3A_969, %sub3A_965 : i32
          %multiple_of3A_971 = tpu.assume_multiple %sub3A_970, 8 : i32
          %dma_start3A_972 = tpu.memref_slice %arg6[%multiple_of3A_971] : memref<33536xf32, #tpu.memory_space<vmem>> -> memref<3864xf32, #tpu.memory_space<vmem>>
          %dma_start3A_973 = tpu.memref_slice %arg2[%multiple_of3A_964] : memref<8386560xf32, #tpu.memory_space<hbm>> -> memref<3864xf32, #tpu.memory_space<hbm>>
          %dma_start3A_974 = tpu.memref_slice %arg8[%rem3A_882] : memref<8x!tpu.dma_semaphore, #tpu.memory_space<semaphore_mem>> -> memref<1x!tpu.dma_semaphore, #tpu.memory_space<semaphore_mem>>
          %dma_start3A_975 = tpu.memref_squeeze %dma_start3A_974 : memref<1x!tpu.dma_semaphore, #tpu.memory_space<semaphore_mem>> -> memref<!tpu.dma_semaphore, #tpu.memory_space<semaphore_mem>>
          %dma_start3A_976 = tpu.memref_slice %arg6[%multiple_of3A_971] : memref<33536xf32, #tpu.memory_space<vmem>> -> memref<3864xf32, #tpu.memory_space<vmem>>
          %dma_start3A_977 = tpu.memref_slice %arg2[%multiple_of3A_964] : memref<8386560xf32, #tpu.memory_space<hbm>> -> memref<3864xf32, #tpu.memory_space<hbm>>
          tpu.enqueue_dma source(%dma_start3A_977 : memref<3864xf32, #tpu.memory_space<hbm>>) target(%dma_start3A_976 : memref<3864xf32, #tpu.memory_space<vmem>>) target_semaphore(%dma_start3A_975 : memref<!tpu.dma_semaphore, #tpu.memory_space<semaphore_mem>>)
        } else {
        }
        %eq3A_958 = arith.constant 15 : i32
        %eq3A_959 = arith.cmpi eq, %shift_right_arithmetic3A_880, %eq3A_958 : i32
        %convert_element_type3A_960 = arith.extui %eq3A_959 : i1 to i32
        %cond3A_961 = arith.constant 0 : i32
        %cond3A_962 = arith.cmpi ne, %convert_element_type3A_960, %cond3A_961 : i32
        scf.if %cond3A_962 {
          %min3A = arith.constant 8382440 : i32
          %min3A_963 = arith.minsi %shift_left3A_878, %min3A : i32
          %multiple_of3A_964 = tpu.assume_multiple %min3A_963, 8 : i32
          %sub3A_965 = arith.subi %select_n3A_874, %multiple_of3A_964 : i32
          %mul3A_966 = arith.constant 4192 : i32
          %mul3A_967 = arith.muli %rem3A_882, %mul3A_966 : i32
          %add3A_968 = arith.constant 48 : i32
          %add3A_969 = arith.addi %mul3A_967, %add3A_968 : i32
          %sub3A_970 = arith.subi %add3A_969, %sub3A_965 : i32
          %multiple_of3A_971 = tpu.assume_multiple %sub3A_970, 8 : i32
          %dma_start3A_972 = tpu.memref_slice %arg6[%multiple_of3A_971] : memref<33536xf32, #tpu.memory_space<vmem>> -> memref<4120xf32, #tpu.memory_space<vmem>>
          %dma_start3A_973 = tpu.memref_slice %arg2[%multiple_of3A_964] : memref<8386560xf32, #tpu.memory_space<hbm>> -> memref<4120xf32, #tpu.memory_space<hbm>>
          %dma_start3A_974 = tpu.memref_slice %arg8[%rem3A_882] : memref<8x!tpu.dma_semaphore, #tpu.memory_space<semaphore_mem>> -> memref<1x!tpu.dma_semaphore, #tpu.memory_space<semaphore_mem>>
          %dma_start3A_975 = tpu.memref_squeeze %dma_start3A_974 : memref<1x!tpu.dma_semaphore, #tpu.memory_space<semaphore_mem>> -> memref<!tpu.dma_semaphore, #tpu.memory_space<semaphore_mem>>
          %dma_start3A_976 = tpu.memref_slice %arg6[%multiple_of3A_971] : memref<33536xf32, #tpu.memory_space<vmem>> -> memref<4120xf32, #tpu.memory_space<vmem>>
          %dma_start3A_977 = tpu.memref_slice %arg2[%multiple_of3A_964] : memref<8386560xf32, #tpu.memory_space<hbm>> -> memref<4120xf32, #tpu.memory_space<hbm>>
          tpu.enqueue_dma source(%dma_start3A_977 : memref<4120xf32, #tpu.memory_space<hbm>>) target(%dma_start3A_976 : memref<4120xf32, #tpu.memory_space<vmem>>) target_semaphore(%dma_start3A_975 : memref<!tpu.dma_semaphore, #tpu.memory_space<semaphore_mem>>)
        } else {
        }
      } else {
      }
      %scan3A_838 = arith.constant 0 : i32
      scf.yield %scan3A_838 : i32
    }
    %scan3A_592 = arith.constant 128 : i32
    %dma_wait3A_593 = arith.constant 0 : i32
    %dma_wait3A_594 = arith.constant 48 : i32
    %dma_wait3A_595 = tpu.memref_slice %arg6[%dma_wait3A_594] : memref<33536xf32, #tpu.memory_space<vmem>> -> memref<4096xf32, #tpu.memory_space<vmem>>
    %dma_wait3A_596 = arith.constant 0 : i32
    %dma_wait3A_597 = tpu.memref_slice %arg5[%dma_wait3A_596] : memref<16777216xf32, #tpu.memory_space<hbm>> -> memref<4096xf32, #tpu.memory_space<hbm>>
    %dma_wait3A_598 = tpu.memref_slice %arg9[%dma_wait3A_593] : memref<8x!tpu.dma_semaphore, #tpu.memory_space<semaphore_mem>> -> memref<1x!tpu.dma_semaphore, #tpu.memory_space<semaphore_mem>>
    %dma_wait3A_599 = tpu.memref_squeeze %dma_wait3A_598 : memref<1x!tpu.dma_semaphore, #tpu.memory_space<semaphore_mem>> -> memref<!tpu.dma_semaphore, #tpu.memory_space<semaphore_mem>>
    %dma_wait3A_600 = arith.constant 0 : i32
    %dma_wait3A_601 = tpu.memref_slice %arg5[%dma_wait3A_600] : memref<16777216xf32, #tpu.memory_space<hbm>> -> memref<4096xf32, #tpu.memory_space<hbm>>
    %dma_wait3A_602 = arith.constant 48 : i32
    %dma_wait3A_603 = tpu.memref_slice %arg6[%dma_wait3A_602] : memref<33536xf32, #tpu.memory_space<vmem>> -> memref<4096xf32, #tpu.memory_space<vmem>>
    tpu.wait_dma2 semaphore(%dma_wait3A_599 : memref<!tpu.dma_semaphore, #tpu.memory_space<semaphore_mem>>) src(%dma_wait3A_603 : memref<4096xf32, #tpu.memory_space<vmem>>) dst(%dma_wait3A_601 : memref<4096xf32, #tpu.memory_space<hbm>>)
    %dma_wait3A_604 = arith.constant 1 : i32
    %dma_wait3A_605 = arith.constant 4240 : i32
    %dma_wait3A_606 = tpu.memref_slice %arg6[%dma_wait3A_605] : memref<33536xf32, #tpu.memory_space<vmem>> -> memref<4096xf32, #tpu.memory_space<vmem>>
    %dma_wait3A_607 = arith.constant 0 : i32
    %dma_wait3A_608 = tpu.memref_slice %arg5[%dma_wait3A_607] : memref<16777216xf32, #tpu.memory_space<hbm>> -> memref<4096xf32, #tpu.memory_space<hbm>>
    %dma_wait3A_609 = tpu.memref_slice %arg9[%dma_wait3A_604] : memref<8x!tpu.dma_semaphore, #tpu.memory_space<semaphore_mem>> -> memref<1x!tpu.dma_semaphore, #tpu.memory_space<semaphore_mem>>
    %dma_wait3A_610 = tpu.memref_squeeze %dma_wait3A_609 : memref<1x!tpu.dma_semaphore, #tpu.memory_space<semaphore_mem>> -> memref<!tpu.dma_semaphore, #tpu.memory_space<semaphore_mem>>
    %dma_wait3A_611 = arith.constant 0 : i32
    %dma_wait3A_612 = tpu.memref_slice %arg5[%dma_wait3A_611] : memref<16777216xf32, #tpu.memory_space<hbm>> -> memref<4096xf32, #tpu.memory_space<hbm>>
    %dma_wait3A_613 = arith.constant 4240 : i32
    %dma_wait3A_614 = tpu.memref_slice %arg6[%dma_wait3A_613] : memref<33536xf32, #tpu.memory_space<vmem>> -> memref<4096xf32, #tpu.memory_space<vmem>>
    tpu.wait_dma2 semaphore(%dma_wait3A_610 : memref<!tpu.dma_semaphore, #tpu.memory_space<semaphore_mem>>) src(%dma_wait3A_614 : memref<4096xf32, #tpu.memory_space<vmem>>) dst(%dma_wait3A_612 : memref<4096xf32, #tpu.memory_space<hbm>>)
    %dma_wait3A_615 = arith.constant 2 : i32
    %dma_wait3A_616 = arith.constant 8432 : i32
    %dma_wait3A_617 = tpu.memref_slice %arg6[%dma_wait3A_616] : memref<33536xf32, #tpu.memory_space<vmem>> -> memref<4096xf32, #tpu.memory_space<vmem>>
    %dma_wait3A_618 = arith.constant 0 : i32
    %dma_wait3A_619 = tpu.memref_slice %arg5[%dma_wait3A_618] : memref<16777216xf32, #tpu.memory_space<hbm>> -> memref<4096xf32, #tpu.memory_space<hbm>>
    %dma_wait3A_620 = tpu.memref_slice %arg9[%dma_wait3A_615] : memref<8x!tpu.dma_semaphore, #tpu.memory_space<semaphore_mem>> -> memref<1x!tpu.dma_semaphore, #tpu.memory_space<semaphore_mem>>
    %dma_wait3A_621 = tpu.memref_squeeze %dma_wait3A_620 : memref<1x!tpu.dma_semaphore, #tpu.memory_space<semaphore_mem>> -> memref<!tpu.dma_semaphore, #tpu.memory_space<semaphore_mem>>
    %dma_wait3A_622 = arith.constant 0 : i32
    %dma_wait3A_623 = tpu.memref_slice %arg5[%dma_wait3A_622] : memref<16777216xf32, #tpu.memory_space<hbm>> -> memref<4096xf32, #tpu.memory_space<hbm>>
    %dma_wait3A_624 = arith.constant 8432 : i32
    %dma_wait3A_625 = tpu.memref_slice %arg6[%dma_wait3A_624] : memref<33536xf32, #tpu.memory_space<vmem>> -> memref<4096xf32, #tpu.memory_space<vmem>>
    tpu.wait_dma2 semaphore(%dma_wait3A_621 : memref<!tpu.dma_semaphore, #tpu.memory_space<semaphore_mem>>) src(%dma_wait3A_625 : memref<4096xf32, #tpu.memory_space<vmem>>) dst(%dma_wait3A_623 : memref<4096xf32, #tpu.memory_space<hbm>>)
    %dma_wait3A_626 = arith.constant 3 : i32
    %dma_wait3A_627 = arith.constant 12624 : i32
    %dma_wait3A_628 = tpu.memref_slice %arg6[%dma_wait3A_627] : memref<33536xf32, #tpu.memory_space<vmem>> -> memref<4096xf32, #tpu.memory_space<vmem>>
    %dma_wait3A_629 = arith.constant 0 : i32
    %dma_wait3A_630 = tpu.memref_slice %arg5[%dma_wait3A_629] : memref<16777216xf32, #tpu.memory_space<hbm>> -> memref<4096xf32, #tpu.memory_space<hbm>>
    %dma_wait3A_631 = tpu.memref_slice %arg9[%dma_wait3A_626] : memref<8x!tpu.dma_semaphore, #tpu.memory_space<semaphore_mem>> -> memref<1x!tpu.dma_semaphore, #tpu.memory_space<semaphore_mem>>
    %dma_wait3A_632 = tpu.memref_squeeze %dma_wait3A_631 : memref<1x!tpu.dma_semaphore, #tpu.memory_space<semaphore_mem>> -> memref<!tpu.dma_semaphore, #tpu.memory_space<semaphore_mem>>
    %dma_wait3A_633 = arith.constant 0 : i32
    %dma_wait3A_634 = tpu.memref_slice %arg5[%dma_wait3A_633] : memref<16777216xf32, #tpu.memory_space<hbm>> -> memref<4096xf32, #tpu.memory_space<hbm>>
    %dma_wait3A_635 = arith.constant 12624 : i32
    %dma_wait3A_636 = tpu.memref_slice %arg6[%dma_wait3A_635] : memref<33536xf32, #tpu.memory_space<vmem>> -> memref<4096xf32, #tpu.memory_space<vmem>>
    tpu.wait_dma2 semaphore(%dma_wait3A_632 : memref<!tpu.dma_semaphore, #tpu.memory_space<semaphore_mem>>) src(%dma_wait3A_636 : memref<4096xf32, #tpu.memory_space<vmem>>) dst(%dma_wait3A_634 : memref<4096xf32, #tpu.memory_space<hbm>>)
    %dma_wait3A_637 = arith.constant 4 : i32
    %dma_wait3A_638 = arith.constant 16816 : i32
    %dma_wait3A_639 = tpu.memref_slice %arg6[%dma_wait3A_638] : memref<33536xf32, #tpu.memory_space<vmem>> -> memref<4096xf32, #tpu.memory_space<vmem>>
    %dma_wait3A_640 = arith.constant 0 : i32
    %dma_wait3A_641 = tpu.memref_slice %arg5[%dma_wait3A_640] : memref<16777216xf32, #tpu.memory_space<hbm>> -> memref<4096xf32, #tpu.memory_space<hbm>>
    %dma_wait3A_642 = tpu.memref_slice %arg9[%dma_wait3A_637] : memref<8x!tpu.dma_semaphore, #tpu.memory_space<semaphore_mem>> -> memref<1x!tpu.dma_semaphore, #tpu.memory_space<semaphore_mem>>
    %dma_wait3A_643 = tpu.memref_squeeze %dma_wait3A_642 : memref<1x!tpu.dma_semaphore, #tpu.memory_space<semaphore_mem>> -> memref<!tpu.dma_semaphore, #tpu.memory_space<semaphore_mem>>
    %dma_wait3A_644 = arith.constant 0 : i32
    %dma_wait3A_645 = tpu.memref_slice %arg5[%dma_wait3A_644] : memref<16777216xf32, #tpu.memory_space<hbm>> -> memref<4096xf32, #tpu.memory_space<hbm>>
    %dma_wait3A_646 = arith.constant 16816 : i32
    %dma_wait3A_647 = tpu.memref_slice %arg6[%dma_wait3A_646] : memref<33536xf32, #tpu.memory_space<vmem>> -> memref<4096xf32, #tpu.memory_space<vmem>>
    tpu.wait_dma2 semaphore(%dma_wait3A_643 : memref<!tpu.dma_semaphore, #tpu.memory_space<semaphore_mem>>) src(%dma_wait3A_647 : memref<4096xf32, #tpu.memory_space<vmem>>) dst(%dma_wait3A_645 : memref<4096xf32, #tpu.memory_space<hbm>>)
    %dma_wait3A_648 = arith.constant 5 : i32
    %dma_wait3A_649 = arith.constant 21008 : i32
    %dma_wait3A_650 = tpu.memref_slice %arg6[%dma_wait3A_649] : memref<33536xf32, #tpu.memory_space<vmem>> -> memref<4096xf32, #tpu.memory_space<vmem>>
    %dma_wait3A_651 = arith.constant 0 : i32
    %dma_wait3A_652 = tpu.memref_slice %arg5[%dma_wait3A_651] : memref<16777216xf32, #tpu.memory_space<hbm>> -> memref<4096xf32, #tpu.memory_space<hbm>>
    %dma_wait3A_653 = tpu.memref_slice %arg9[%dma_wait3A_648] : memref<8x!tpu.dma_semaphore, #tpu.memory_space<semaphore_mem>> -> memref<1x!tpu.dma_semaphore, #tpu.memory_space<semaphore_mem>>
    %dma_wait3A_654 = tpu.memref_squeeze %dma_wait3A_653 : memref<1x!tpu.dma_semaphore, #tpu.memory_space<semaphore_mem>> -> memref<!tpu.dma_semaphore, #tpu.memory_space<semaphore_mem>>
    %dma_wait3A_655 = arith.constant 0 : i32
    %dma_wait3A_656 = tpu.memref_slice %arg5[%dma_wait3A_655] : memref<16777216xf32, #tpu.memory_space<hbm>> -> memref<4096xf32, #tpu.memory_space<hbm>>
    %dma_wait3A_657 = arith.constant 21008 : i32
    %dma_wait3A_658 = tpu.memref_slice %arg6[%dma_wait3A_657] : memref<33536xf32, #tpu.memory_space<vmem>> -> memref<4096xf32, #tpu.memory_space<vmem>>
    tpu.wait_dma2 semaphore(%dma_wait3A_654 : memref<!tpu.dma_semaphore, #tpu.memory_space<semaphore_mem>>) src(%dma_wait3A_658 : memref<4096xf32, #tpu.memory_space<vmem>>) dst(%dma_wait3A_656 : memref<4096xf32, #tpu.memory_space<hbm>>)
    %dma_wait3A_659 = arith.constant 6 : i32
    %dma_wait3A_660 = arith.constant 25200 : i32
    %dma_wait3A_661 = tpu.memref_slice %arg6[%dma_wait3A_660] : memref<33536xf32, #tpu.memory_space<vmem>> -> memref<4096xf32, #tpu.memory_space<vmem>>
    %dma_wait3A_662 = arith.constant 0 : i32
    %dma_wait3A_663 = tpu.memref_slice %arg5[%dma_wait3A_662] : memref<16777216xf32, #tpu.memory_space<hbm>> -> memref<4096xf32, #tpu.memory_space<hbm>>
    %dma_wait3A_664 = tpu.memref_slice %arg9[%dma_wait3A_659] : memref<8x!tpu.dma_semaphore, #tpu.memory_space<semaphore_mem>> -> memref<1x!tpu.dma_semaphore, #tpu.memory_space<semaphore_mem>>
    %dma_wait3A_665 = tpu.memref_squeeze %dma_wait3A_664 : memref<1x!tpu.dma_semaphore, #tpu.memory_space<semaphore_mem>> -> memref<!tpu.dma_semaphore, #tpu.memory_space<semaphore_mem>>
    %dma_wait3A_666 = arith.constant 0 : i32
    %dma_wait3A_667 = tpu.memref_slice %arg5[%dma_wait3A_666] : memref<16777216xf32, #tpu.memory_space<hbm>> -> memref<4096xf32, #tpu.memory_space<hbm>>
    %dma_wait3A_668 = arith.constant 25200 : i32
    %dma_wait3A_669 = tpu.memref_slice %arg6[%dma_wait3A_668] : memref<33536xf32, #tpu.memory_space<vmem>> -> memref<4096xf32, #tpu.memory_space<vmem>>
    tpu.wait_dma2 semaphore(%dma_wait3A_665 : memref<!tpu.dma_semaphore, #tpu.memory_space<semaphore_mem>>) src(%dma_wait3A_669 : memref<4096xf32, #tpu.memory_space<vmem>>) dst(%dma_wait3A_667 : memref<4096xf32, #tpu.memory_space<hbm>>)
    %dma_wait3A_670 = arith.constant 7 : i32
    %dma_wait3A_671 = arith.constant 29392 : i32
    %dma_wait3A_672 = tpu.memref_slice %arg6[%dma_wait3A_671] : memref<33536xf32, #tpu.memory_space<vmem>> -> memref<4096xf32, #tpu.memory_space<vmem>>
    %dma_wait3A_673 = arith.constant 0 : i32
    %dma_wait3A_674 = tpu.memref_slice %arg5[%dma_wait3A_673] : memref<16777216xf32, #tpu.memory_space<hbm>> -> memref<4096xf32, #tpu.memory_space<hbm>>
    %dma_wait3A_675 = tpu.memref_slice %arg9[%dma_wait3A_670] : memref<8x!tpu.dma_semaphore, #tpu.memory_space<semaphore_mem>> -> memref<1x!tpu.dma_semaphore, #tpu.memory_space<semaphore_mem>>
    %dma_wait3A_676 = tpu.memref_squeeze %dma_wait3A_675 : memref<1x!tpu.dma_semaphore, #tpu.memory_space<semaphore_mem>> -> memref<!tpu.dma_semaphore, #tpu.memory_space<semaphore_mem>>
    %dma_wait3A_677 = arith.constant 0 : i32
    %dma_wait3A_678 = tpu.memref_slice %arg5[%dma_wait3A_677] : memref<16777216xf32, #tpu.memory_space<hbm>> -> memref<4096xf32, #tpu.memory_space<hbm>>
    %dma_wait3A_679 = arith.constant 29392 : i32
    %dma_wait3A_680 = tpu.memref_slice %arg6[%dma_wait3A_679] : memref<33536xf32, #tpu.memory_space<vmem>> -> memref<4096xf32, #tpu.memory_space<vmem>>
    tpu.wait_dma2 semaphore(%dma_wait3A_676 : memref<!tpu.dma_semaphore, #tpu.memory_space<semaphore_mem>>) src(%dma_wait3A_680 : memref<4096xf32, #tpu.memory_space<vmem>>) dst(%dma_wait3A_678 : memref<4096xf32, #tpu.memory_space<hbm>>)
    return
  }
}

</mosaic_0001>

<sc_bundles>
// kernel: kernel.3.cloned.1.call-start
scs
__scs_entry_jumppad:
0x0: {  	(pc) =	sbr.rel $0x88, $3  }
0x1: {  	(tag) =	ssettag $0x0;
	lr =	simm.s32 $0x1  }
0x2: {  	[smem:$0x3F9F] =	sst lr;
	_ =	strace $0xD0000000  }
0x3: {  	_ = 	snop  }
0x4: {  	_ = 	snop  }
0x5: {  	_ = 	snop  }
0x6: {  	_ = 	snop  }
0x7: {  	_ = 	snop  }
__scs_overlays_trampoline_lowered:
0x8: {  	[smem:$0x3FAE] =	sst s0  }
0x9: {  	[smem:$0x3FAF] =	sst s1  }
0xa: {  	[smem:$0x3FB0] =	sst s2  }
0xb: {  	[smem:$0x3FB1] =	sst s3  }
0xc: {  	[smem:$0x3FB2] =	sst s4  }
0xd: {  	[smem:$0x3FB3] =	sst s5  }
0xe: {  	[smem:$0x3FB4] =	sst s6  }
0xf: {  	[smem:$0x3FB5] =	sst s7  }
0x10: {  	[smem:$0x3FB6] =	sst s8  }
0x11: {  	[smem:$0x3FB7] =	sst s9;
	s0 =	simm.s32 @!p0 $0x0  }
0x12: {  	s1 =	sld [smem:$0x3F9D];
	s0 =	simm.s32 @p0 $0x1  }
0x13: {  	[smem:$0x3FB8] =	sst s0;
	s0 =	simm.s32 @!p1 $0x0  }
0x14: {  	s2 =	sld [smem:$0x3F9C];
	s0 =	simm.s32 @p1 $0x1  }
0x15: {  	[smem:$0x3FB9] =	sst s0;
	s0 =	simm.s32 @!p2 $0x0  }
0x16: {  	s3 =	sld [smem:$0x3FDB];
	s0 =	simm.s32 @p2 $0x1  }
0x17: {  	s4 =	simm.s32 $0x1BF5;
	[smem:$0x3FBB] =	sst s0  }
0x18: {  	s0 =	sld [smem:$0x3F9E];
	_ =	swait.ge [sflag:s4], $0x0  }
0x19: {  	s7 =	sld [smem:$0x3F9F]  }
0x1a: {  	s8 =	sadd.s32 $0xFFFFE003, lr  }
0x1b: {  	s9 =	sadd.s32 $0xFFFFFEF7, lr;
	s5 =	simm.s32 $0xFFFFFFFF;
	p2 =	slt.u32 s8, $0xFFFFF086  }
0x1c: {  	p1 =	slt.u32 s9, $0xF7A;
	s5 =	simm.s32 @!p2 $0x0  }
0x1d: {  	s5 =	simm.s32 @p1 $0x1;
	p0 =	seq.s32 s7, s2  }
0x1e: {  	s7 =	smul.u32 @!p0 $0xF7A, s2;
	p2 =	seq.s32 @!p0 s5, $0x0  }
0x1f: {  	s9 =	smul.u32 $0xF7A, s1;
	s8 =	simm.s32 @!p0 $0x1BF5;
	p2 =	por !p2, p0  }
0x20: {  	[sflag:s8] =	ssyncset.s32 @!p0 $0xFFFFF086;
	s6 =	sadd.s32 @!p0 s3, s7;
	s7 =	simm.s32 @!p0 $0x108  }
0x21: {  	s3 =	sadd.s32 s3, s9;
	s6 =	sadd.s32 @!p0 $0x88, s6;
	s7 =	simm.s32 @p2 $0x1082  }
0x22: {  	[simem:s7], [sflag:s8] =	dma.local @!p0 [hbm:s6], $0xF7A  }
0x23: {  	s9 =	sor.u32 $0xD0000000, s2;
	s6 =	simm.s32 $0x108;
	_ =	swait.ge @!p0 [sflag:s8], $0x0  }
0x24: {  	s3 =	sadd.s32 $0x88, s3;
	s6 =	simm.s32 @!p1 $0x1082;
	[sflag:s4] =	ssyncset.s32 $0xFFFFF086  }
0x25: {  	[simem:s6], [sflag:s4] =	dma.local [hbm:s3], $0xF7A  }
0x26: {  	[smem:$0x3F9F] =	sst s1;
	(tag) =	ssettag s2;
	_ =	strace s9  }
0x27: {  	s1 =	sld [smem:$0x3FAF]  }
0x28: {  	s2 =	sld [smem:$0x3FB0]  }
0x29: {  	s4 =	sld [smem:$0x3FB2]  }
0x2a: {  	p0 =	seq.s32 s5, $0x0;
	s5 =	sld [smem:$0x3FB3]  }
0x2b: {  	s6 =	sld [smem:$0x3FB4]  }
0x2c: {  	s7 =	sld [smem:$0x3FB5]  }
0x2d: {  	s3 =	simm.s32 $0x108;
	s8 =	sld [smem:$0x3FB6]  }
0x2e: {  	s3 =	simm.s32 @!p0 $0x1082;
	s9 =	sld [smem:$0x3FB7]  }
0x2f: {  	lr =	sadd.s32 s0, s3;
	s0 =	sld [smem:$0x3FAE]  }
0x30: {  	s3 =	sld [smem:$0x3FB1]  }
0x31: {  	[smem:$0x3FBA] =	sst s10  }
0x32: {  	s10 =	sld [smem:$0x3FB8];
	_ =	sdelay $0x3  }
0x33: {  	p0 =	seq.s32 s10, $0x1;
	s10 =	sld [smem:$0x3FBA];
	_ =	sdelay $0x3  }
0x34: {  	[smem:$0x3FBA] =	sst s10  }
0x35: {  	s10 =	sld [smem:$0x3FB9];
	_ =	sdelay $0x3  }
0x36: {  	p1 =	seq.s32 s10, $0x1;
	s10 =	sld [smem:$0x3FBA];
	_ =	sdelay $0x3  }
0x37: {  	[smem:$0x3FBA] =	sst s10  }
0x38: {  	s10 =	sld [smem:$0x3FBB]  }
0x39: {  	_ = 	snop;
	(pc) =	sbr.ind lr, $3  }
0x3a: {  	_ = 	snop  }
0x3b: {  	_ = 	snop  }
0x3c: {  	p2 =	seq.s32 s10, $0x1;
	s10 =	sld [smem:$0x3FBA]  }
0x3d: {  	_ =	shalt  }
0x3e: {  	_ =	shalt  }
0x3f: {  	_ =	shalt  }
0x40: {  	_ =	shalt  }
0x41: {  	_ =	shalt  }
0x42: {  	_ =	shalt  }
0x43: {  	_ =	shalt  }
0x44: {  	_ =	shalt  }
0x45: {  	_ =	shalt  }
0x46: {  	_ =	shalt  }
0x47: {  	_ =	shalt  }
0x48: {  	_ =	shalt  }
0x49: {  	_ =	shalt  }
0x4a: {  	_ =	shalt  }
0x4b: {  	_ =	shalt  }
0x4c: {  	_ =	shalt  }
0x4d: {  	_ =	shalt  }
0x4e: {  	_ =	shalt  }
0x4f: {  	_ =	shalt  }
0x50: {  	_ =	shalt  }
0x51: {  	_ =	shalt  }
0x52: {  	_ =	shalt  }
0x53: {  	_ =	shalt  }
0x54: {  	_ =	shalt  }
0x55: {  	_ =	shalt  }
0x56: {  	_ =	shalt  }
0x57: {  	_ =	shalt  }
0x58: {  	_ =	shalt  }
0x59: {  	_ =	shalt  }
0x5a: {  	_ =	shalt  }
0x5b: {  	_ =	shalt  }
0x5c: {  	_ =	shalt  }
0x5d: {  	_ =	shalt  }
0x5e: {  	_ =	shalt  }
0x5f: {  	_ =	shalt  }
0x60: {  	_ =	shalt  }
0x61: {  	_ =	shalt  }
0x62: {  	_ =	shalt  }
0x63: {  	_ =	shalt  }
0x64: {  	_ =	shalt  }
0x65: {  	_ =	shalt  }
0x66: {  	_ =	shalt  }
0x67: {  	_ =	shalt  }
0x68: {  	_ =	shalt  }
0x69: {  	_ =	shalt  }
0x6a: {  	_ =	shalt  }
0x6b: {  	_ =	shalt  }
0x6c: {  	_ =	shalt  }
0x6d: {  	_ =	shalt  }
0x6e: {  	_ =	shalt  }
0x6f: {  	_ =	shalt  }
0x70: {  	_ =	shalt  }
0x71: {  	_ =	shalt  }
0x72: {  	_ =	shalt  }
0x73: {  	_ =	shalt  }
0x74: {  	_ =	shalt  }
0x75: {  	_ =	shalt  }
0x76: {  	_ =	shalt  }
0x77: {  	_ =	shalt  }
0x78: {  	_ =	shalt  }
0x79: {  	_ =	shalt  }
0x7a: {  	_ =	shalt  }
0x7b: {  	_ =	shalt  }
0x7c: {  	_ =	shalt  }
0x7d: {  	_ =	shalt  }
0x7e: {  	_ =	shalt  }
0x7f: {  	_ =	shalt  }
0x80: {  	_ =	shalt  }
0x81: {  	_ =	shalt  }
0x82: {  	_ =	shalt  }
0x83: {  	_ =	shalt  }
0x84: {  	_ =	shalt  }
0x85: {  	_ =	shalt  }
0x86: {  	_ =	shalt  }
0x87: {  	_ =	shalt  }
.Lfunc_end0:
.L_simem_size_0:
called_computation_lowered:
.L_overlay_start_0:
0x88: {  	s2 =	sld [smem:$0x3FD9]  }
0x89: {  	s3 =	sld [smem:$0x3FFE];
	_ =	sdelay $0x1  }
0x8a: {  	s1 =	srdreg.scid  }
0x8b: {  	s0 =	sand.u32 $0x1, s1  }
0x8c: {  	s17 =	sshll.u32 s0, $0xA;
	s2 =	sadd.s32 s3, s2  }
0x8d: {  	s2 =	sadd.s32 s2, s17  }
0x8e: {  	[smem:$0x3FC6] =	sst s2  }
0x8f: {  	_ = 	snop  }
0x90: {  	s2 =	sld [smem:$0x3FC9]  }
0x91: {  	s18 =	sld [smem:$0x3FC8]  }
0x92: {  	s4 =	sld [smem:$0x3FD0];
	(tm) =	ssettm $0x1  }
0x93: {  	s5 =	sld [smem:$0x3FFB];
	_ =	sdelay $0x3  }
0x94: {  	_ =	strace s5  }
0x95: {  	s5 =	sld [smem:$0x3FFC];
	_ =	sdelay $0x3  }
0x96: {  	_ =	strace s5  }
0x97: {  	s5 =	sld [smem:$0x3FFD];
	_ =	sdelay $0x3  }
0x98: {  	_ =	strace s5  }
0x99: {  	_ =	strace $0x8FFFFFFF  }
0x9a: {  	s19 =	sld [smem:$0x3FDB];
	_ =	sdelay $0x1  }
0x9b: {  	s6 =	simm.s32 $_scs_section_size  }
0x9c: {  	s7 =	simm.s32 $_size__tile_overlayer_lowered;
	s8 =	simm.s32 $_tile_overlayer_lowered  }
0x9d: {  	s22 =	simm.s32 $0x1BFF;
	s21 =	sshll.u32 s8, $0x1;
	s5 =	sadd.s32 s6, s19  }
0x9e: {  	s9 =	simm.s32 $0x0;
	s20 =	sshll.u32 s7, $0x1;
	s7 =	sadd.s32 s21, s5  }
0x9f: {  	[timem:s9], [sflag:s22] =	dma.local [hbm:s7], s20  }
0xa0: {  	_ =	swait.ge [sflag:s22], s20  }
0xa1: {  	s6 =	ssub.s32 $0x0, s20;
	[sflag:s22] =	ssyncset.done $0x0  }
0xa2: {  	[sflag:s22] =	ssyncadd.s32 s6;
	_ =	sdelay $0x1  }
0xa3: {  	s23 =	simm.s32 $0x1B8B  }
0xa4: {  	_ =	swait.ge [sflag:s23], $0x1  }
0xa5: {  	[sflag:s23] =	ssyncset.done $0x0  }
0xa6: {  	s25 =	simm.s32 $0x1B8E;
	s24 =	sld [smem:$0x3FFE];
	[sflag:s23] =	ssyncadd.s32 $0xFFFFFFFF  }
0xa7: {  	s26 =	simm.s32 $execute0_lowered;
	[smem:$0x3FD2] =	sst s25  }
0xa8: {  	s7 =	sshll.u32 s26, $0x1;
	_ =	strace $0x80000046;
	[dreg:$0x1] =	wrdreg $0xFFFFFFFF  }
0xa9: {  	s28 =	simm.s32 $_size_execute0_lowered;
	s5 =	sadd.s32 s5, s7;
	[dreg:$0x0] =	wrdreg $0x0  }
0xaa: {  	s7 =	sshll.u32 s28, $0x1;
	[dreg:$0x2] =	wrdreg s5  }
0xab: {  	[dreg:$0x3] =	wrdreg s7  }
0xac: {  	[dreg:$0x4] =	wrdreg $0xC0  }
0xad: {  	_ =	task [dreg:s9], $0x5FFFF  }
0xae: {  	[dreg:$0x1] =	wrdreg $0xFFFFFFFF  }
0xaf: {  	[dreg:$0x0] =	wrdreg $0x60  }
0xb0: {  	[dreg:$0x2] =	wrdreg s18  }
0xb1: {  	[dreg:$0x3] =	wrdreg s2  }
0xb2: {  	[dreg:$0x4] =	wrdreg s4  }
0xb3: {  	[dreg:$0x5] =	wrdreg s24  }
0xb4: {  	[dreg:$0x6] =	wrdreg $0x9  }
0xb5: {  	_ =	task.clear_ibuf [dreg:s9], $0x7FFFF;
	_ =	strace $0x90000046  }
0xb6: {  	s29 =	simm.s32 $0x9;
	_ =	strace $0x80000048  }
0xb7: {  	_ =	swait.ge [sflag:s29], $0x1  }
0xb8: {  	[sflag:s29] =	ssyncadd.s32 $0xFFFFFFFF  }
0xb9: {  	_ =	strace $0x90000048  }
0xba: {  	_ =	sfence  }
0xbb: {  	s30 =	sld [smem:$0x0];
	_ =	sdelay $0x2  }
0xbc: {  	s31 =	sshll.u32 s1, $0xD;
	s1 =	sshrl.u32 s1, $0x2  }
0xbd: {  	s3 =	sand.u32 $0x4000, s31;
	s1 =	sadd.s32 s1, s30  }
0xbe: {  	s0 =	sor.u32 s3, s0;
	s1 =	sshll.u32 s1, $0x11  }
0xbf: {  	s0 =	sor.u32 s1, s0  }
0xc0: {  	s0 =	sadd.s32 $0x8F2B, s0  }
0xc1: {  	[sflag:s0] =	ssyncadd.remote.s32 $0x1  }
0xc2: {  	_ =	sfence.sel $0xFFFF  }
0xc3: {  	[dreg:$0x0] =	wrdreg $0xFFFFFFFF;
	(pc) =	sbr.abs _section_cstart, $3  }
0xc4: {  	[dreg:$0x1] =	wrdreg $0xFFFFFFFF  }
0xc5: {  	_ =	task.clear_ibuf [dreg:s9], $0x2FFFF;
	_ =	strace $0x9FFFFFFF  }
0xc6: {  	(tm) =	ssettm $0x7FFFFFFF  }
0xc7: {  	_ =	shalt  }
tec
execute0_lowered:
.L_overlay_start_1:
0x0: {  	(tag) =	ssettag $0x1  }
0x1: {  	s0 =	srdreg.scid;
	s2 =	rddreg [dreg:$0x0]  }
0x2: {  	s1 =	stileid.u32;
	s5 =	rddreg [dreg:$0x2]  }
0x3: {  	s4 =	rddreg [dreg:$0x3];
	s0 =	sand.u32 $0x1, s0;
	s1 =	sshll.u32 s1, $0x1  }
0x4: {  	s29 =	simm.s32 $0x11;
	s30 =	simm.s32 $0x9;
	s1 =	sor.u32 s0, s1  }
0x5: {  	s31 =	simm.s32 $0xA;
	s0 =	ssub.s32 $0x2, s0;
	s3 =	sadd.s32 $0xFFFFFFFF, s1  }
0x6: {  	s15 =	sshrl.u32 s0, $0x1;
	s9 =	sor.u32 $0x20, s1;
	s10 =	sadd.s32 $0x1F, s1  }
0x7: {  	s17 =	sor.u32 $0x40, s1;
	s18 =	sadd.s32 $0x3F, s1;
	s20 =	sor.u32 $0x60, s1  }
0x8: {  	s11 =	sadd.s32 $0x5F, s1;
	s26 =	sand.u32 $0xF, s1;
	s3 =	smul.u32 s1, s3  }
0x9: {  	s28 =	sand.u32 $0x10, s1;
	s0 =	ssub.s32 s0, s15;
	s16 =	smul.u32 s10, s9  }
0xa: {  	s10 =	smul.u32 s11, s20;
	s20 =	simm.s32 $0xF;
	s6 =	sand.u32 $0x1, s3  }
0xb: {  	s7 =	sand.u32 $0x8000, s3;
	p0 =	slt.s32 s3, $0x1;
	p1 =	seq.s32 s6, $0x1  }
0xc: {  	s23 =	sshrl.u32 s10, $0x1;
	s14 =	sshrl.u32 s7, $0xF;
	p0 =	por !p0, !p1  }
0xd: {  	s7 =	simm.s32 $0x1;
	s3 =	sadd.s32 s14, s3;
	p0 =	por !p0, !p0  }
0xe: {  	s6 =	simm.s32 $0x0;
	s3 =	sshra.s32 s3, $0x1;
	s7 =	simm.s32 @!p0 $0x0  }
0xf: {  	s24 =	sand.u32 $0x1FF8, s23;
	[smem:$0x7FF] =	sst s6;
	s3 =	ssub.s32 s3, s7  }
0x10: {  	s25 =	ssub.s32 s24, s23;
	_ =	strace $0x80000047;
	s8 =	sand.u32 $0xFFFFFFF8, s3  }
0x11: {  	s7 =	sadd.s32 $0x400, s4;
	s4 =	sshrl.u32 s16, $0x1;
	p0 =	slt.s32 s8, $0x7FF6E8  }
0x12: {  	s14 =	sadd.s32 $0x3150, s25;
	s19 =	sand.u32 $0x7F8, s4;
	s8 =	simm.s32 @!p0 $0x7FF6E8  }
0x13: {  	s16 =	smax.u32 s0, $0x1;
	s4 =	ssub.s32 s19, s4;
	s3 =	ssub.s32 s8, s3  }
0x14: {  	s0 =	simm.s32 $0xC;
	s4 =	sadd.s32 $0x1090, s4;
	s3 =	sadd.s32 $0x30, s3  }
0x15: {  	s8 =	sshrl.u32 s8, $0x3;
	[dreg:$0x5] =	wrdreg s3;
	s3 =	smul.u32 s18, s17  }
0x16: {  	s22 =	sshrl.u32 s19, $0x3;
	[dreg:$0x7] =	wrdreg s4;
	s8 =	sadd.s32 s2, s8  }
0x17: {  	s19 =	simm.s32 $0x12;
	[dreg:$0x6] =	wrdreg s8;
	s3 =	sshrl.u32 s3, $0x1  }
0x18: {  	s8 =	sadd.s32 s2, s22;
	s18 =	simm.s32 $0xE;
	s21 =	sand.u32 $0x1FF8, s3  }
.Ltmp0:
0x19: {  	s22 =	simm.s32 $0x0;
	s3 =	ssub.s32 s21, s3;
	(pc) =	sbr.rel .LBB2_1-.Ltmp0, $4  }
0x1a: {  	[dreg:$0x8] =	wrdreg s8;
	s4 =	sshrl.u32 s21, $0x3;
	s3 =	sadd.s32 $0x20F0, s3  }
0x1b: {  	s21 =	simm.s32 $0x10;
	s4 =	sadd.s32 s2, s4;
	[dreg:$0x9] =	wrdreg s3  }
0x1c: {  	v1 =	vlaneseq.u32;
	v0 =	vmov s26;
	s3 =	sshrl.u32 s24, $0x3;
	[dreg:$0xa] =	wrdreg s4;
	s24 =	sor.u32 $0x40, s28  }
0x1d: {  	vm0 =	vlt.u32 v0, v1;
	vm1 =	veq.s32 v0, v1;
	v0 =	vimm.f32 $0.0e+00;
	s4 =	simm.s32 $0xB;
	s15 =	sadd.s32 s2, s3;
	s3 =	simm.s32 $0xD  }
.LBB2_17:
0x1e: {  	_ =	swait.ge [sflag:s30], $0x1000  }
0x1f: {  	[sflag:s30] =	ssyncset.done $0x0  }
0x20: {  	[sflag:s30] =	ssyncadd.s32 $0xFFFFF000  }
0x21: {  	_ =	swait.ge [sflag:s31], $0x1000  }
0x22: {  	[sflag:s31] =	ssyncset.done $0x0  }
0x23: {  	[sflag:s31] =	ssyncadd.s32 $0xFFFFF000  }
0x24: {  	_ =	swait.ge [sflag:s4], $0x1000  }
0x25: {  	[sflag:s4] =	ssyncset.done $0x0  }
0x26: {  	[sflag:s4] =	ssyncadd.s32 $0xFFFFF000  }
0x27: {  	_ =	swait.ge [sflag:s0], $0x1000  }
0x28: {  	[sflag:s0] =	ssyncset.done $0x0  }
0x29: {  	[sflag:s0] =	ssyncadd.s32 $0xFFFFF000  }
0x2a: {  	_ =	swait.ge [sflag:s3], $0x1000  }
0x2b: {  	[sflag:s3] =	ssyncset.done $0x0  }
0x2c: {  	[sflag:s3] =	ssyncadd.s32 $0xFFFFF000  }
0x2d: {  	_ =	swait.ge [sflag:s18], $0x1000  }
0x2e: {  	[sflag:s18] =	ssyncset.done $0x0  }
0x2f: {  	s22 =	sadd.s32 $0x1, s22;
	[sflag:s18] =	ssyncadd.s32 $0xFFFFF000  }
0x30: {  	p0 =	sne.s32 s22, s16;
	_ =	swait.ge [sflag:s20], $0x1000  }
.Ltmp1:
0x31: {  	[sflag:s20] =	ssyncset.done $0x0;
	(pc) =	sbr.rel @!p0 .LBB2_18-.Ltmp1, $4  }
0x32: {  	[sflag:s20] =	ssyncadd.s32 $0xFFFFF000  }
0x33: {  	_ =	swait.ge [sflag:s21], $0x1000  }
0x34: {  	[sflag:s21] =	ssyncset.done $0x0  }
0x35: {  	[sflag:s21] =	ssyncadd.s32 $0xFFFFF000  }
.LBB2_1:
0x36: {  	s8 =	rddreg [dreg:$0x1];
	s9 =	simm.s32 $0x8300  }
0x37: {  	[tilespmem:s9], [sflag:$0x12] =	stream.linear.gather [hbm4b:s8+s6], $0x1000, $0x38;
	[tilespmem:$0x9300] =	vst v63  }
0x38: {  	_ =	swait.ge [sflag:s19], $0x1000  }
0x39: {  	[sflag:s19] =	ssyncset.done $0x0  }
0x3a: {  	s23 =	simm.s32 $0x148;
	[sflag:s19] =	ssyncadd.s32 $0xFFFFF000  }
0x3b: {  	[tilespmem:s23], [sflag:$0x11] =	stream.linear.gather [hbm4b:s5+s6], $0xF18, $0x38;
	[tilespmem:$0x9300] =	vst v63  }
0x3c: {  	s25 =	simm.s32 $0x11A8  }
0x3d: {  	[tilespmem:s25], [sflag:$0x11] =	stream.linear.gather [hbm4b:s5+s6], $0xF18, $0x38;
	[tilespmem:$0x9300] =	vst v63  }
0x3e: {  	s26 =	simm.s32 $0x2208  }
0x3f: {  	[tilespmem:s26], [sflag:$0x11] =	stream.linear.gather [hbm4b:s5+s6], $0xF18, $0x38;
	[tilespmem:$0x9300] =	vst v63  }
0x40: {  	s28 =	simm.s32 $0x3268  }
0x41: {  	[tilespmem:s28], [sflag:$0x11] =	stream.linear.gather [hbm4b:s5+s6], $0xF18, $0x38;
	[tilespmem:$0x9300] =	vst v63  }
0x42: {  	s9 =	simm.s32 $0x42C8  }
0x43: {  	[tilespmem:s9], [sflag:$0x11] =	stream.linear.gather [hbm4b:s5+s6], $0xF18, $0x38;
	[tilespmem:$0x9300] =	vst v63  }
0x44: {  	s10 =	simm.s32 $0x5328  }
0x45: {  	[tilespmem:s10], [sflag:$0x11] =	stream.linear.gather [hbm4b:s5+s6], $0xF18, $0x38;
	[tilespmem:$0x9300] =	vst v63  }
0x46: {  	s11 =	simm.s32 $0x6388  }
0x47: {  	[tilespmem:s11], [sflag:$0x11] =	stream.linear.gather [hbm4b:s5+s6], $0xF18, $0x38;
	[tilespmem:$0x9300] =	vst v63  }
0x48: {  	s12 =	simm.s32 $0x73E8  }
0x49: {  	[tilespmem:s12], [sflag:$0x11] =	stream.linear.gather [hbm4b:s5+s6], $0xF18, $0x38;
	[tilespmem:$0x9300] =	vst v63  }
0x4a: {  	_ =	swait.ge [sflag:s29], $0xF18  }
0x4b: {  	[sflag:s29] =	ssyncset.done $0x0  }
0x4c: {  	[sflag:s29] =	ssyncadd.s32 $0xFFFFF0E8  }
0x4d: {  	_ =	swait.ge [sflag:s29], $0xF18  }
0x4e: {  	[sflag:s29] =	ssyncset.done $0x0  }
0x4f: {  	[sflag:s29] =	ssyncadd.s32 $0xFFFFF0E8  }
0x50: {  	_ =	swait.ge [sflag:s29], $0xF18  }
0x51: {  	[sflag:s29] =	ssyncset.done $0x0  }
0x52: {  	[sflag:s29] =	ssyncadd.s32 $0xFFFFF0E8  }
0x53: {  	_ =	swait.ge [sflag:s29], $0xF18  }
0x54: {  	[sflag:s29] =	ssyncset.done $0x0  }
0x55: {  	[sflag:s29] =	ssyncadd.s32 $0xFFFFF0E8  }
0x56: {  	_ =	swait.ge [sflag:s29], $0xF18  }
0x57: {  	[sflag:s29] =	ssyncset.done $0x0  }
0x58: {  	[sflag:s29] =	ssyncadd.s32 $0xFFFFF0E8  }
0x59: {  	_ =	swait.ge [sflag:s29], $0xF18  }
0x5a: {  	[sflag:s29] =	ssyncset.done $0x0  }
0x5b: {  	[sflag:s29] =	ssyncadd.s32 $0xFFFFF0E8  }
0x5c: {  	_ =	swait.ge [sflag:s29], $0xF18  }
0x5d: {  	[sflag:s29] =	ssyncset.done $0x0  }
0x5e: {  	[sflag:s29] =	ssyncadd.s32 $0xFFFFF0E8  }
0x5f: {  	_ =	swait.ge [sflag:s29], $0xF18  }
0x60: {  	s13 =	rddreg [dreg:$0x5]  }
0x61: {  	[sflag:s29] =	ssyncset.done $0x0;
	s17 =	rddreg [dreg:$0x6]  }
0x62: {  	s23 =	rddreg [dreg:$0x7];
	[sflag:s29] =	ssyncadd.s32 $0xFFFFF0E8  }
0x63: {  	[tilespmem:s13], [sflag:$0x1] =	stream.linear.gather [hbm4b:s17+s6], $0x118, $0x38;
	[tilespmem:$0x9300] =	vst v63  }
0x64: {  	s25 =	rddreg [dreg:$0x8]  }
0x65: {  	[tilespmem:s23], [sflag:$0x2] =	stream.linear.gather [hbm4b:s25+s6], $0x118, $0x38;
	[tilespmem:$0x9300] =	vst v63  }
.Ltmp2:
0x66: {  	s26 =	rddreg [dreg:$0x9];
	(pc) =	sbr.rel .LBB2_2-.Ltmp2, $4  }
0x67: {  	s28 =	rddreg [dreg:$0xa]  }
0x68: {  	[tilespmem:s26], [sflag:$0x3] =	stream.linear.gather [hbm4b:s28+s6], $0x118, $0x38;
	[tilespmem:$0x9300] =	vst v63  }
0x69: {  	s17 =	smov.u32 s24;
	s23 =	simm.s32 $0x0;
	s25 =	simm.s32 $0x0  }
0x6a: {  	[tilespmem:s14], [sflag:$0x4] =	stream.linear.gather [hbm4b:s15+s6], $0x118, $0x38;
	[tilespmem:$0x9300] =	vst v63  }
.LBB2_15:
0x6b: {  	p0 =	sgt.s32 s10, $0xD  }
0x6c: {  	p1 =	seq.s32 @p0 s10, $0xE  }
0x6d: {  	p2 =	por !p1, !p0  }
0x6e: {  	p3 =	slt.s32 @!p2 s28, $0x7FE8E8  }
0x6f: {  	p3 =	por @p0 !p3, !p1  }
0x70: {  	s11 =	smov.u32 s28;
	p3 =	por !p3, !p0  }
0x71: {  	s11 =	simm.s32 @!p3 $0x7FE8E8  }
0x72: {  	s13 =	sshrl.u32 @!p2 s8, $0x2;
	s12 =	ssub.s32 @!p2 s11, s9  }
0x73: {  	s11 =	sshrl.u32 @!p2 s11, $0x3;
	s12 =	sadd.s32 @!p2 s13, s12  }
0x74: {  	s11 =	sadd.s32 @!p2 s2, s11;
	s13 =	simm.s32 @!p2 $0x0;
	s12 =	sadd.s32 @!p2 $0x30, s12  }
0x75: {  	[tilespmem:s12], [sflag:s26] =	stream.linear.gather @!p2 [hbm4b:s11+s13], $0xF18, $0x38;
	[tilespmem:$0x9300] =	vst v63  }
0x76: {  	p2 =	por p1, !p0  }
0x77: {  	p3 =	slt.s32 @!p2 s28, $0x7FE7E8  }
0x78: {  	p1 =	por @p0 !p3, p1  }
0x79: {  	s11 =	smov.u32 s28;
	p1 =	por !p1, !p0  }
0x7a: {  	s11 =	simm.s32 @!p1 $0x7FE7E8  }
0x7b: {  	s13 =	sshrl.u32 @!p2 s8, $0x2;
	s12 =	ssub.s32 @!p2 s11, s9  }
0x7c: {  	p1 =	seq.s32 @!p0 s10, $0xC;
	s11 =	sshrl.u32 @!p2 s11, $0x3;
	s12 =	sadd.s32 @!p2 s13, s12  }
0x7d: {  	s11 =	sadd.s32 @!p2 s2, s11;
	s13 =	simm.s32 @!p2 $0x0;
	s12 =	sadd.s32 @!p2 $0x30, s12  }
0x7e: {  	[tilespmem:s12], [sflag:s26] =	stream.linear.gather @!p2 [hbm4b:s11+s13], $0x1018, $0x38;
	[tilespmem:$0x9300] =	vst v63  }
0x7f: {  	p2 =	por !p1, p0  }
0x80: {  	p3 =	slt.s32 @!p2 s28, $0x7FEAE8  }
0x81: {  	p3 =	por @!p0 !p3, !p1  }
0x82: {  	s10 =	smov.u32 s28;
	p3 =	por !p3, p0  }
0x83: {  	s10 =	simm.s32 @!p3 $0x7FEAE8  }
0x84: {  	s12 =	sshrl.u32 @!p2 s8, $0x2;
	s11 =	ssub.s32 @!p2 s10, s9  }
0x85: {  	s10 =	sshrl.u32 @!p2 s10, $0x3;
	s11 =	sadd.s32 @!p2 s12, s11  }
0x86: {  	s10 =	sadd.s32 @!p2 s2, s10;
	s12 =	simm.s32 @!p2 $0x0;
	s11 =	sadd.s32 @!p2 $0x30, s11  }
0x87: {  	[tilespmem:s11], [sflag:s26] =	stream.linear.gather @!p2 [hbm4b:s10+s12], $0xD18, $0x38;
	[tilespmem:$0x9300] =	vst v63  }
0x88: {  	p2 =	por p1, p0  }
0x89: {  	p3 =	slt.s32 @!p2 s28, $0x7FE9E8  }
0x8a: {  	p1 =	por @!p0 !p3, p1  }
0x8b: {  	p0 =	por !p1, p0  }
0x8c: {  	s28 =	simm.s32 @!p0 $0x7FE9E8  }
0x8d: {  	s8 =	sshrl.u32 @!p2 s8, $0x2;
	s9 =	ssub.s32 @!p2 s28, s9  }
0x8e: {  	s8 =	sadd.s32 @!p2 s8, s9;
	s9 =	sshrl.u32 @!p2 s28, $0x3  }
0x8f: {  	s10 =	simm.s32 @!p2 $0x0;
	s8 =	sadd.s32 @!p2 $0x30, s8;
	s9 =	sadd.s32 @!p2 s2, s9  }
0x90: {  	[tilespmem:s8], [sflag:s26] =	stream.linear.gather @!p2 [hbm4b:s9+s10], $0xE18, $0x38;
	[tilespmem:$0x9300] =	vst v63  }
.LBB2_16:
0x91: {  	s25 =	sadd.s32 $0x1, s25  }
0x92: {  	p0 =	sne.s32 s25, $0x80  }
.Ltmp3:
0x93: {  	_ = 	snop;
	(pc) =	sbr.rel @!p0 .LBB2_17-.Ltmp3, $2  }
0x94: {  	_ =	sdelay $0x2  }
0x95: {  	s17 =	sadd.s32 $0x20, s17;
	s23 =	sadd.s32 $0x1, s23  }
.LBB2_2:
0x96: {  	s10 =	sshrl.u32 s25, $0x3  }
0x97: {  	p0 =	sgt.s32 s10, $0x7  }
.Ltmp4:
0x98: {  	_ = 	snop;
	(pc) =	sbr.rel @p0 .LBB2_4-.Ltmp4, $3  }
0x99: {  	_ =	sdelay $0x1  }
0x9a: {  	s8 =	sand.u32 $0x7, s25  }
0x9b: {  	s9 =	sadd.s32 $0x1, s8  }
0x9c: {  	p0 =	sgt.s32 s10, $0x3  }
0x9d: {  	p1 =	sgt.s32 @p0 s10, $0x5  }
0x9e: {  	p2 =	por !p1, !p0  }
0x9f: {  	p2 =	seq.s32 @!p2 s10, $0x6  }
0xa0: {  	p3 =	por @p0 !p2, !p1  }
0xa1: {  	p3 =	por p3, !p0  }
0xa2: {  	_ =	swait.ge @!p3 [sflag:s9], $0x718  }
0xa3: {  	p2 =	por @p0 p2, !p1;
	[sflag:s9] =	ssyncset.done @!p3 $0x0  }
0xa4: {  	p2 =	por p2, !p0;
	[sflag:s9] =	ssyncadd.s32 @!p3 $0xFFFFF8E8;
	p3 =	por p1, !p0  }
0xa5: {  	_ =	swait.ge @!p2 [sflag:s9], $0x818;
	p3 =	seq.s32 @!p3 s10, $0x4  }
0xa6: {  	[sflag:s9] =	ssyncset.done @!p2 $0x0;
	p4 =	por @p0 !p3, p1  }
0xa7: {  	[sflag:s9] =	ssyncadd.s32 @!p2 $0xFFFFF7E8;
	p2 =	por p4, !p0  }
0xa8: {  	_ =	swait.ge @!p2 [sflag:s9], $0x518  }
0xa9: {  	p3 =	por @p0 p3, p1;
	p1 =	sgt.s32 @!p0 s10, $0x1;
	[sflag:s9] =	ssyncset.done @!p2 $0x0  }
0xaa: {  	[sflag:s9] =	ssyncadd.s32 @!p2 $0xFFFFFAE8;
	p2 =	por p3, !p0;
	p3 =	por !p1, p0  }
0xab: {  	_ =	swait.ge @!p2 [sflag:s9], $0x618;
	p3 =	seq.s32 @!p3 s10, $0x2  }
0xac: {  	[sflag:s9] =	ssyncset.done @!p2 $0x0;
	p4 =	por @!p0 !p3, !p1  }
0xad: {  	[sflag:s9] =	ssyncadd.s32 @!p2 $0xFFFFF9E8;
	p2 =	por p4, p0  }
0xae: {  	_ =	swait.ge @!p2 [sflag:s9], $0x318  }
0xaf: {  	p3 =	por @!p0 p3, !p1;
	[sflag:s9] =	ssyncset.done @!p2 $0x0  }
0xb0: {  	[sflag:s9] =	ssyncadd.s32 @!p2 $0xFFFFFCE8;
	p2 =	por p3, p0;
	p3 =	por p1, p0  }
0xb1: {  	_ =	swait.ge @!p2 [sflag:s9], $0x418;
	p3 =	seq.s32 @!p3 s10, $0x0  }
0xb2: {  	[sflag:s9] =	ssyncset.done @!p2 $0x0;
	p4 =	por @!p0 !p3, p1  }
0xb3: {  	[sflag:s9] =	ssyncadd.s32 @!p2 $0xFFFFFBE8;
	p2 =	por p4, p0  }
0xb4: {  	_ =	swait.ge @!p2 [sflag:s9], $0x118  }
.Ltmp5:
0xb5: {  	p1 =	por @!p0 p3, p1;
	[sflag:s9] =	ssyncset.done @!p2 $0x0;
	(pc) =	sbr.rel .LBB2_5-.Ltmp5, $4  }
0xb6: {  	p0 =	por p1, p0;
	[sflag:s9] =	ssyncadd.s32 @!p2 $0xFFFFFEE8  }
0xb7: {  	_ =	swait.ge @!p0 [sflag:s9], $0x218  }
0xb8: {  	[sflag:s9] =	ssyncset.done @!p0 $0x0  }
0xb9: {  	[sflag:s9] =	ssyncadd.s32 @!p0 $0xFFFFFDE8  }
.LBB2_4:
0xba: {  	p0 =	sgt.s32 s10, $0xB  }
0xbb: {  	p1 =	sgt.s32 @p0 s10, $0xD  }
0xbc: {  	p2 =	por !p1, !p0  }
0xbd: {  	p2 =	seq.s32 @!p2 s10, $0xE  }
0xbe: {  	p3 =	por @p0 !p2, !p1  }
0xbf: {  	p3 =	por p3, !p0  }
0xc0: {  	_ =	swait.ge @!p3 [sflag:s9], $0xF18  }
0xc1: {  	p2 =	por @p0 p2, !p1;
	[sflag:s9] =	ssyncset.done @!p3 $0x0  }
0xc2: {  	p2 =	por p2, !p0;
	[sflag:s9] =	ssyncadd.s32 @!p3 $0xFFFFF0E8;
	p3 =	por p1, !p0  }
0xc3: {  	_ =	swait.ge @!p2 [sflag:s9], $0x1018;
	p3 =	seq.s32 @!p3 s10, $0xC  }
0xc4: {  	[sflag:s9] =	ssyncset.done @!p2 $0x0;
	p4 =	por @p0 !p3, p1  }
0xc5: {  	[sflag:s9] =	ssyncadd.s32 @!p2 $0xFFFFEFE8;
	p2 =	por p4, !p0  }
0xc6: {  	_ =	swait.ge @!p2 [sflag:s9], $0xD18  }
0xc7: {  	p3 =	por @p0 p3, p1;
	p1 =	sgt.s32 @!p0 s10, $0x9;
	[sflag:s9] =	ssyncset.done @!p2 $0x0  }
0xc8: {  	[sflag:s9] =	ssyncadd.s32 @!p2 $0xFFFFF2E8;
	p2 =	por p3, !p0;
	p3 =	por !p1, p0  }
0xc9: {  	_ =	swait.ge @!p2 [sflag:s9], $0xE18;
	p3 =	seq.s32 @!p3 s10, $0xA  }
0xca: {  	[sflag:s9] =	ssyncset.done @!p2 $0x0;
	p4 =	por @!p0 !p3, !p1  }
0xcb: {  	[sflag:s9] =	ssyncadd.s32 @!p2 $0xFFFFF1E8;
	p2 =	por p4, p0  }
0xcc: {  	_ =	swait.ge @!p2 [sflag:s9], $0xB18  }
0xcd: {  	p3 =	por @!p0 p3, !p1;
	[sflag:s9] =	ssyncset.done @!p2 $0x0  }
0xce: {  	[sflag:s9] =	ssyncadd.s32 @!p2 $0xFFFFF4E8;
	p2 =	por p3, p0;
	p3 =	por p1, p0  }
0xcf: {  	_ =	swait.ge @!p2 [sflag:s9], $0xC18;
	p3 =	seq.s32 @!p3 s10, $0x8  }
0xd0: {  	[sflag:s9] =	ssyncset.done @!p2 $0x0;
	p4 =	por @!p0 !p3, p1  }
0xd1: {  	[sflag:s9] =	ssyncadd.s32 @!p2 $0xFFFFF3E8;
	p2 =	por p4, p0  }
0xd2: {  	_ =	swait.ge @!p2 [sflag:s9], $0x918  }
0xd3: {  	p1 =	por @!p0 p3, p1;
	[sflag:s9] =	ssyncset.done @!p2 $0x0  }
0xd4: {  	p0 =	por p1, p0;
	[sflag:s9] =	ssyncadd.s32 @!p2 $0xFFFFF6E8  }
0xd5: {  	_ =	swait.ge @!p0 [sflag:s9], $0xA18  }
0xd6: {  	[sflag:s9] =	ssyncset.done @!p0 $0x0  }
0xd7: {  	[sflag:s9] =	ssyncadd.s32 @!p0 $0xFFFFF5E8  }
.LBB2_5:
0xd8: {  	s26 =	sshll.u32 s25, $0x5;
	s9 =	smul.u32 $0x4180, s8  }
0xd9: {  	s10 =	sor.u32 s1, s26  }
0xda: {  	s26 =	sand.u32 $0xF00, s26;
	s28 =	sand.u32 $0xFF0, s10;
	s9 =	sshrl.u32 s9, $0x2  }
0xdb: {  	s11 =	sadd.s32 s28, s9;
	s26 =	ssub.s32 s26, s28  }
0xdc: {  	v1 =	vld [tilespmem:s11+$0x30];
	s26 =	sadd.s32 $0x110, s26  }
0xdd: {  	v2 =	vld [tilespmem:s28+$0x8300];
	s28 =	sshra.s32 s26, $0x4  }
0xde: {  	p0 =	slt.s32 s28, $0x1  }
.Ltmp6:
0xdf: {  	_ = 	snop;
	(pc) =	sbr.rel @p0 .LBB2_8-.Ltmp6, $4  }
0xe0: {  	_ = 	snop  }
0xe1: {  	v1 =	vsel vm0, $0x0, v1  }
0xe2: {  	v1 =	vsel vm1, v2, v1  }
0xe3: {  	[tilespmem:s11+$0x30] =	vst v1  }
0xe4: {  	s11 =	sand.u32 $0x7, s23  }
0xe5: {  	p0 =	sne.s32 s28, $0x1;
	s11 =	smul.u32 $0x4180, s11  }
.Ltmp7:
0xe6: {  	_ = 	snop;
	(pc) =	sbr.rel @!p0 .LBB2_8-.Ltmp7, $4  }
0xe7: {  	_ = 	snop  }
0xe8: {  	s11 =	sshrl.u32 s11, $0x2  }
0xe9: {  	s26 =	sadd.s32 s11, s17  }
0xea: {  	s28 =	sadd.s32 $0xFFFFFFFF, s28;
	[tilespmem:s26+$0x0] =	vst v0  }
.LBB2_7:
0xeb: {  	p0 =	sne.s32 s28, $0x1  }
.Ltmp8:
0xec: {  	_ = 	snop;
	(pc) =	sbr.rel @p0 .LBB2_7-.Ltmp8, $3  }
0xed: {  	_ =	sdelay $0x1  }
0xee: {  	s28 =	sadd.s32 $0xFFFFFFFF, s28;
	s26 =	sadd.s32 $0x10, s26  }
0xef: {  	[tilespmem:s26+$0x0] =	vst v0  }
.LBB2_8:
0xf0: {  	p0 =	sgt.u32 s25, $0x7B  }
.Ltmp9:
0xf1: {  	_ = 	snop;
	(pc) =	sbr.rel @p0 .LBB2_16-.Ltmp9, $4  }
0xf2: {  	_ = 	snop  }
0xf3: {  	s10 =	sshll.u32 s10, $0x9  }
0xf4: {  	s8 =	sadd.s32 $0x9, s8;
	s9 =	sadd.s32 $0x30, s9;
	s10 =	sadd.s32 s7, s10  }
0xf5: {  	[hbm4b:s10+s6] =	stream.linear.scatter [tilespmem:s9], [sflag:s8], $0x1000, $0x38;
	[tilespmem:$0x9300] =	vst v63  }
0xf6: {  	s8 =	sadd.s32 $0x4, s25  }
0xf7: {  	s9 =	sshll.u32 s8, $0x5  }
0xf8: {  	s9 =	sor.u32 s1, s9  }
0xf9: {  	s10 =	sadd.s32 $0xFFFFFFFF, s9  }
0xfa: {  	p0 =	slt.u32 s25, $0x4;
	s11 =	sand.u32 $0x7, s8;
	s9 =	smul.u32 s9, s10  }
0xfb: {  	s26 =	sadd.s32 @!p0 $0x9, s11  }
0xfc: {  	_ =	swait.ge @!p0 [sflag:s26], $0x1000;
	s10 =	sshrl.u32 s9, $0x1F  }
0xfd: {  	[sflag:s26] =	ssyncset.done @!p0 $0x0;
	s9 =	sadd.s32 s10, s9;
	s10 =	sshrl.u32 s8, $0x3  }
0xfe: {  	[sflag:s26] =	ssyncadd.s32 @!p0 $0xFFFFF000;
	p0 =	sgt.s32 s10, $0x7  }
.Ltmp10:
0xff: {  	_ = 	snop;
	(pc) =	sbr.rel @p0 .LBB2_13-.Ltmp10, $3  }
0x100: {  	_ =	sdelay $0x1  }
0x101: {  	s9 =	sshra.s32 s9, $0x1  }
0x102: {  	s26 =	sadd.s32 $0x1, s11;
	s8 =	smul.u32 $0x4180, s11;
	s28 =	sand.u32 $0xFFFFFFF8, s9  }
0x103: {  	p0 =	sgt.s32 s10, $0x3  }
.Ltmp11:
0x104: {  	_ = 	snop;
	(pc) =	sbr.rel @p0 .LBB2_12-.Ltmp11, $1  }
0x105: {  	_ =	sdelay $0x3  }
0x106: {  	p0 =	sgt.s32 s10, $0x1  }
0x107: {  	p1 =	seq.s32 @p0 s10, $0x2  }
0x108: {  	p2 =	por !p1, !p0  }
0x109: {  	p3 =	slt.s32 @!p2 s28, $0x7FF4E8  }
0x10a: {  	p3 =	por @p0 !p3, !p1  }
0x10b: {  	s11 =	smov.u32 s28;
	p3 =	por !p3, !p0  }
0x10c: {  	s11 =	simm.s32 @!p3 $0x7FF4E8  }
0x10d: {  	s13 =	sshrl.u32 @!p2 s8, $0x2;
	s12 =	ssub.s32 @!p2 s11, s9  }
0x10e: {  	s11 =	sshrl.u32 @!p2 s11, $0x3;
	s12 =	sadd.s32 @!p2 s13, s12  }
0x10f: {  	s11 =	sadd.s32 @!p2 s2, s11;
	s13 =	simm.s32 @!p2 $0x0;
	s12 =	sadd.s32 @!p2 $0x30, s12  }
0x110: {  	[tilespmem:s12], [sflag:s26] =	stream.linear.gather @!p2 [hbm4b:s11+s13], $0x318, $0x38;
	[tilespmem:$0x9300] =	vst v63  }
0x111: {  	p2 =	por p1, !p0  }
0x112: {  	p3 =	slt.s32 @!p2 s28, $0x7FF3E8  }
0x113: {  	p1 =	por @p0 !p3, p1  }
0x114: {  	s11 =	smov.u32 s28;
	p1 =	por !p1, !p0  }
0x115: {  	s11 =	simm.s32 @!p1 $0x7FF3E8  }
0x116: {  	s13 =	sshrl.u32 @!p2 s8, $0x2;
	s12 =	ssub.s32 @!p2 s11, s9  }
0x117: {  	p1 =	seq.s32 @!p0 s10, $0x0;
	s11 =	sshrl.u32 @!p2 s11, $0x3;
	s12 =	sadd.s32 @!p2 s13, s12  }
0x118: {  	s11 =	sadd.s32 @!p2 s2, s11;
	s13 =	simm.s32 @!p2 $0x0;
	s12 =	sadd.s32 @!p2 $0x30, s12  }
0x119: {  	[tilespmem:s12], [sflag:s26] =	stream.linear.gather @!p2 [hbm4b:s11+s13], $0x418, $0x38;
	[tilespmem:$0x9300] =	vst v63  }
0x11a: {  	p2 =	por !p1, p0  }
0x11b: {  	p3 =	slt.s32 @!p2 s28, $0x7FF6E8  }
0x11c: {  	p3 =	por @!p0 !p3, !p1  }
0x11d: {  	s10 =	smov.u32 s28;
	p3 =	por !p3, p0  }
0x11e: {  	s10 =	simm.s32 @!p3 $0x7FF6E8  }
0x11f: {  	s12 =	sshrl.u32 @!p2 s8, $0x2;
	s11 =	ssub.s32 @!p2 s10, s9  }
0x120: {  	s10 =	sshrl.u32 @!p2 s10, $0x3;
	s11 =	sadd.s32 @!p2 s12, s11  }
0x121: {  	s10 =	sadd.s32 @!p2 s2, s10;
	s12 =	simm.s32 @!p2 $0x0;
	s11 =	sadd.s32 @!p2 $0x30, s11  }
0x122: {  	[tilespmem:s11], [sflag:s26] =	stream.linear.gather @!p2 [hbm4b:s10+s12], $0x118, $0x38;
	[tilespmem:$0x9300] =	vst v63  }
0x123: {  	p2 =	por p1, p0  }
0x124: {  	p3 =	slt.s32 @!p2 s28, $0x7FF5E8  }
0x125: {  	p1 =	por @!p0 !p3, p1  }
0x126: {  	p0 =	por !p1, p0  }
.Ltmp12:
0x127: {  	s28 =	simm.s32 @!p0 $0x7FF5E8;
	(pc) =	sbr.rel .LBB2_16-.Ltmp12, $4  }
0x128: {  	s8 =	sshrl.u32 @!p2 s8, $0x2;
	s9 =	ssub.s32 @!p2 s28, s9  }
0x129: {  	s8 =	sadd.s32 @!p2 s8, s9;
	s9 =	sshrl.u32 @!p2 s28, $0x3  }
0x12a: {  	s10 =	simm.s32 @!p2 $0x0;
	s8 =	sadd.s32 @!p2 $0x30, s8;
	s9 =	sadd.s32 @!p2 s2, s9  }
0x12b: {  	[tilespmem:s8], [sflag:s26] =	stream.linear.gather @!p2 [hbm4b:s9+s10], $0x218, $0x38;
	[tilespmem:$0x9300] =	vst v63  }
.LBB2_13:
0x12c: {  	p0 =	sgt.s32 s10, $0xB  }
.Ltmp13:
0x12d: {  	_ = 	snop;
	(pc) =	sbr.rel @p0 .LBB2_15-.Ltmp13, $1  }
0x12e: {  	_ =	sdelay $0x3  }
0x12f: {  	p0 =	sgt.s32 s10, $0x9  }
0x130: {  	p1 =	seq.s32 @p0 s10, $0xA  }
0x131: {  	p2 =	por !p1, !p0  }
0x132: {  	p3 =	slt.s32 @!p2 s28, $0x7FECE8  }
0x133: {  	p3 =	por @p0 !p3, !p1  }
0x134: {  	s11 =	smov.u32 s28;
	p3 =	por !p3, !p0  }
0x135: {  	s11 =	simm.s32 @!p3 $0x7FECE8  }
0x136: {  	s13 =	sshrl.u32 @!p2 s8, $0x2;
	s12 =	ssub.s32 @!p2 s11, s9  }
0x137: {  	s11 =	sshrl.u32 @!p2 s11, $0x3;
	s12 =	sadd.s32 @!p2 s13, s12  }
0x138: {  	s11 =	sadd.s32 @!p2 s2, s11;
	s13 =	simm.s32 @!p2 $0x0;
	s12 =	sadd.s32 @!p2 $0x30, s12  }
0x139: {  	[tilespmem:s12], [sflag:s26] =	stream.linear.gather @!p2 [hbm4b:s11+s13], $0xB18, $0x38;
	[tilespmem:$0x9300] =	vst v63  }
0x13a: {  	p2 =	por p1, !p0  }
0x13b: {  	p3 =	slt.s32 @!p2 s28, $0x7FEBE8  }
0x13c: {  	p1 =	por @p0 !p3, p1  }
0x13d: {  	s11 =	smov.u32 s28;
	p1 =	por !p1, !p0  }
0x13e: {  	s11 =	simm.s32 @!p1 $0x7FEBE8  }
0x13f: {  	s13 =	sshrl.u32 @!p2 s8, $0x2;
	s12 =	ssub.s32 @!p2 s11, s9  }
0x140: {  	p1 =	seq.s32 @!p0 s10, $0x8;
	s11 =	sshrl.u32 @!p2 s11, $0x3;
	s12 =	sadd.s32 @!p2 s13, s12  }
0x141: {  	s11 =	sadd.s32 @!p2 s2, s11;
	s13 =	simm.s32 @!p2 $0x0;
	s12 =	sadd.s32 @!p2 $0x30, s12  }
0x142: {  	[tilespmem:s12], [sflag:s26] =	stream.linear.gather @!p2 [hbm4b:s11+s13], $0xC18, $0x38;
	[tilespmem:$0x9300] =	vst v63  }
0x143: {  	p2 =	por !p1, p0  }
0x144: {  	p3 =	slt.s32 @!p2 s28, $0x7FEEE8  }
0x145: {  	p3 =	por @!p0 !p3, !p1  }
0x146: {  	s10 =	smov.u32 s28;
	p3 =	por !p3, p0  }
0x147: {  	s10 =	simm.s32 @!p3 $0x7FEEE8  }
0x148: {  	s12 =	sshrl.u32 @!p2 s8, $0x2;
	s11 =	ssub.s32 @!p2 s10, s9  }
0x149: {  	s10 =	sshrl.u32 @!p2 s10, $0x3;
	s11 =	sadd.s32 @!p2 s12, s11  }
0x14a: {  	s10 =	sadd.s32 @!p2 s2, s10;
	s12 =	simm.s32 @!p2 $0x0;
	s11 =	sadd.s32 @!p2 $0x30, s11  }
0x14b: {  	[tilespmem:s11], [sflag:s26] =	stream.linear.gather @!p2 [hbm4b:s10+s12], $0x918, $0x38;
	[tilespmem:$0x9300] =	vst v63  }
0x14c: {  	p2 =	por p1, p0  }
0x14d: {  	p3 =	slt.s32 @!p2 s28, $0x7FEDE8  }
0x14e: {  	p1 =	por @!p0 !p3, p1  }
0x14f: {  	p0 =	por !p1, p0  }
.Ltmp14:
0x150: {  	s28 =	simm.s32 @!p0 $0x7FEDE8;
	(pc) =	sbr.rel .LBB2_16-.Ltmp14, $4  }
0x151: {  	s8 =	sshrl.u32 @!p2 s8, $0x2;
	s9 =	ssub.s32 @!p2 s28, s9  }
0x152: {  	s8 =	sadd.s32 @!p2 s8, s9;
	s9 =	sshrl.u32 @!p2 s28, $0x3  }
0x153: {  	s10 =	simm.s32 @!p2 $0x0;
	s8 =	sadd.s32 @!p2 $0x30, s8;
	s9 =	sadd.s32 @!p2 s2, s9  }
0x154: {  	[tilespmem:s8], [sflag:s26] =	stream.linear.gather @!p2 [hbm4b:s9+s10], $0xA18, $0x38;
	[tilespmem:$0x9300] =	vst v63  }
.LBB2_12:
0x155: {  	p0 =	sgt.s32 s10, $0x5  }
0x156: {  	p1 =	seq.s32 @p0 s10, $0x6  }
0x157: {  	p2 =	por !p1, !p0  }
0x158: {  	p3 =	slt.s32 @!p2 s28, $0x7FF0E8  }
0x159: {  	p3 =	por @p0 !p3, !p1  }
0x15a: {  	s11 =	smov.u32 s28;
	p3 =	por !p3, !p0  }
0x15b: {  	s11 =	simm.s32 @!p3 $0x7FF0E8  }
0x15c: {  	s13 =	sshrl.u32 @!p2 s8, $0x2;
	s12 =	ssub.s32 @!p2 s11, s9  }
0x15d: {  	s11 =	sshrl.u32 @!p2 s11, $0x3;
	s12 =	sadd.s32 @!p2 s13, s12  }
0x15e: {  	s11 =	sadd.s32 @!p2 s2, s11;
	s13 =	simm.s32 @!p2 $0x0;
	s12 =	sadd.s32 @!p2 $0x30, s12  }
0x15f: {  	[tilespmem:s12], [sflag:s26] =	stream.linear.gather @!p2 [hbm4b:s11+s13], $0x718, $0x38;
	[tilespmem:$0x9300] =	vst v63  }
0x160: {  	p2 =	por p1, !p0  }
0x161: {  	p3 =	slt.s32 @!p2 s28, $0x7FEFE8  }
0x162: {  	p1 =	por @p0 !p3, p1  }
0x163: {  	s11 =	smov.u32 s28;
	p1 =	por !p1, !p0  }
0x164: {  	s11 =	simm.s32 @!p1 $0x7FEFE8  }
0x165: {  	s13 =	sshrl.u32 @!p2 s8, $0x2;
	s12 =	ssub.s32 @!p2 s11, s9  }
0x166: {  	p1 =	seq.s32 @!p0 s10, $0x4;
	s11 =	sshrl.u32 @!p2 s11, $0x3;
	s12 =	sadd.s32 @!p2 s13, s12  }
0x167: {  	s11 =	sadd.s32 @!p2 s2, s11;
	s13 =	simm.s32 @!p2 $0x0;
	s12 =	sadd.s32 @!p2 $0x30, s12  }
0x168: {  	[tilespmem:s12], [sflag:s26] =	stream.linear.gather @!p2 [hbm4b:s11+s13], $0x818, $0x38;
	[tilespmem:$0x9300] =	vst v63  }
0x169: {  	p2 =	por !p1, p0  }
0x16a: {  	p3 =	slt.s32 @!p2 s28, $0x7FF2E8  }
0x16b: {  	p3 =	por @!p0 !p3, !p1  }
0x16c: {  	s10 =	smov.u32 s28;
	p3 =	por !p3, p0  }
0x16d: {  	s10 =	simm.s32 @!p3 $0x7FF2E8  }
0x16e: {  	s12 =	sshrl.u32 @!p2 s8, $0x2;
	s11 =	ssub.s32 @!p2 s10, s9  }
0x16f: {  	s10 =	sshrl.u32 @!p2 s10, $0x3;
	s11 =	sadd.s32 @!p2 s12, s11  }
0x170: {  	s10 =	sadd.s32 @!p2 s2, s10;
	s12 =	simm.s32 @!p2 $0x0;
	s11 =	sadd.s32 @!p2 $0x30, s11  }
0x171: {  	[tilespmem:s11], [sflag:s26] =	stream.linear.gather @!p2 [hbm4b:s10+s12], $0x518, $0x38;
	[tilespmem:$0x9300] =	vst v63  }
0x172: {  	p2 =	por p1, p0  }
0x173: {  	p3 =	slt.s32 @!p2 s28, $0x7FF1E8  }
0x174: {  	p1 =	por @!p0 !p3, p1  }
0x175: {  	p0 =	por !p1, p0  }
.Ltmp15:
0x176: {  	s28 =	simm.s32 @!p0 $0x7FF1E8;
	(pc) =	sbr.rel .LBB2_16-.Ltmp15, $4  }
0x177: {  	s8 =	sshrl.u32 @!p2 s8, $0x2;
	s9 =	ssub.s32 @!p2 s28, s9  }
0x178: {  	s8 =	sadd.s32 @!p2 s8, s9;
	s9 =	sshrl.u32 @!p2 s28, $0x3  }
0x179: {  	s10 =	simm.s32 @!p2 $0x0;
	s8 =	sadd.s32 @!p2 $0x30, s8;
	s9 =	sadd.s32 @!p2 s2, s9  }
0x17a: {  	[tilespmem:s8], [sflag:s26] =	stream.linear.gather @!p2 [hbm4b:s9+s10], $0x618, $0x38;
	[tilespmem:$0x9300] =	vst v63  }
.LBB2_18:
0x17b: {  	_ =	sfence.sel $0x180000  }
0x17c: {  	[bflag:$0x0] =	sbarrier.arrive $0xFFFF  }
0x17d: {  	_ =	strace $0x90000047  }
0x17e: {  	s0 =	stileid.u32;
	[bflag:$0x2] =	sbarrier.arrive $0xFFFF  }
0x17f: {  	p0 =	sne.s32 s0, $0x0;
	s0 =	rddreg [dreg:$0x4]  }
0x180: {  	s0 =	sadd.s32 @!p0 $0x100000, s0  }
0x181: {  	[sflag:s0] =	ssyncadd.tile.s32 @!p0 $0x1;
	_ =	shalt  }
.Lfunc_end2:
_tile_overlayer_lowered:
.L_overlay_start_2:
0x182: {  	(tag) =	ssettag $0x2  }
0x183: {  	s0 =	rddreg [dreg:$0x0];
	s2 =	stileid.u32  }
0x184: {  	s1 =	rddreg [dreg:$0x1];
	p0 =	sne.s32 s2, $0x0  }
0x185: {  	s3 =	rddreg [dreg:$0x2];
	[bflag:$0x3] =	sbarrier.arrive $0xFFFF;
	s2 =	simm.s32 @!p0 $0x1C12  }
0x186: {  	[timem:s3], [sflag:s2] =	dma.local @!p0 [hbm:s0], s1  }
0x187: {  	s0 =	simm.s32 @!p0 $0x12  }
0x188: {  	_ =	swait.ge @!p0 [sflag:s0], s1  }
0x189: {  	s1 =	ssub.s32 @!p0 $0x0, s1;
	[sflag:s0] =	ssyncset.done @!p0 $0x0  }
0x18a: {  	[sflag:s0] =	ssyncadd.s32 @!p0 s1  }
0x18b: {  	[bflag:$0x3] =	sbarrier.arrive $0xFFFF  }
0x18c: {  	_ =	shalt  }

</sc_bundles>
